<compile_context>
chip_gen: v7x
topology: tpu7x:2x2x1
jax: 0.10.2.dev20260603
libtpu: 0.0.44.dev20260713+nightly
codegen_flags: <defaults>
</compile_context>

<pallas_src>
import functools
import math

import jax
import jax.numpy as jnp
from jax import lax
from jax.experimental import pallas as pl
from jax.experimental.pallas import tpu as pltpu
from jax.experimental.pallas import tpu_sc as plsc

N = 10000
E = 320000
D = 128
H = 128
C = 4
EPS = 1e-5

NC = 2
NS = 16
NW = NC * NS
EPW = E // NW
CHUNK = 80
NCHUNK = EPW // CHUNK
DCHUNK = 80
DNCHUNK = EPW // DCHUNK
NPAD = 10240
DPW = NPAD // NS
ROWS_PER_SUB = NPAD // NS
DEPTH = 4
PRE = 2
IDEPTH = 8

_sc_mesh = plsc.VectorSubcoreMesh(core_axis_name="c", subcore_axis_name="s")


@functools.partial(
    pl.kernel,
    out_type=jax.ShapeDtypeStruct((NC * NPAD,), jnp.float32),
    mesh=_sc_mesh,
    scratch_types=[
        pltpu.VMEM((DNCHUNK, DCHUNK), jnp.int32),
        pltpu.VMEM((DCHUNK,), jnp.float32),
        pltpu.VMEM((DPW,), jnp.float32),
        pltpu.VMEM_SHARED((NPAD,), jnp.float32),
        pltpu.SemaphoreType.DMA,
    ],
)
def _deg(dst_hbm, out_hbm, didx_all, ones, stage, deg_sh, ssem):
    core = lax.axis_index("c")
    sub = lax.axis_index("s")
    wid = core * NS + sub

    def _init(i, _):
        ones[pl.ds(i * 16, 16)] = jnp.ones((16,), jnp.float32)
        return 0

    lax.fori_loop(0, DCHUNK // 16, _init, 0)

    def _zstage(i, _):
        stage[pl.ds(i * 16, 16)] = jnp.zeros((16,), jnp.float32)
        return 0

    lax.fori_loop(0, DPW // 16, _zstage, 0)
    sl = pl.ds(sub * DPW, DPW)
    pltpu.sync_copy(stage, deg_sh.at[sl])
    pltpu.sync_copy(dst_hbm.at[wid], didx_all)
    plsc.subcore_barrier()

    def _body(j, _):
        pltpu.async_copy(ones, deg_sh.at[didx_all.at[j]], ssem, add=True)
        return 0

    lax.fori_loop(0, DNCHUNK, _body, 0)

    def _drain(j, _):
        pltpu.make_async_copy(ones, deg_sh.at[didx_all.at[j]], ssem).wait()
        return 0

    lax.fori_loop(0, DNCHUNK, _drain, 0)
    plsc.subcore_barrier()
    pltpu.sync_copy(deg_sh.at[sl], stage)
    pltpu.sync_copy(stage, out_hbm.at[pl.ds(core * NPAD + sub * DPW, DPW)])


@functools.partial(
    pl.kernel,
    out_type=jax.ShapeDtypeStruct((NC, NPAD, D), jnp.float32),
    mesh=_sc_mesh,
    scratch_types=[
        pltpu.VMEM((IDEPTH, 2, CHUNK), jnp.int32),
        pltpu.VMEM((DEPTH, CHUNK, D), jnp.float32),
        pltpu.VMEM_SHARED((NPAD, D), jnp.float32),
        pltpu.SemaphoreType.DMA((IDEPTH,)),
        pltpu.SemaphoreType.DMA((DEPTH,)),
        pltpu.SemaphoreType.DMA((DEPTH,)),
    ],
)
def _agg(y_hbm, edg_hbm, z_hbm, out_hbm, exr, rows, acc_sh, isem, gsem, ssem):
    core = lax.axis_index("c")
    sub = lax.axis_index("s")
    wid = core * NS + sub

    pltpu.sync_copy(z_hbm, acc_sh.at[pl.ds(sub * ROWS_PER_SUB, ROWS_PER_SUB)])

    for k in range(PRE + 1):
        pltpu.sync_copy(edg_hbm.at[wid, k], exr.at[k])
    for b in range(PRE):
        pltpu.async_copy(y_hbm.at[exr.at[b, 0]], rows.at[b], gsem.at[b])
    plsc.subcore_barrier()

    def _body(j, _):
        s = lax.rem(j, DEPTH)
        si = lax.rem(j, IDEPTH)
        pltpu.make_async_copy(y_hbm.at[exr.at[si, 0]], rows.at[s],
                              gsem.at[s]).wait()
        pltpu.async_copy(rows.at[s], acc_sh.at[exr.at[si, 1]], ssem.at[s],
                         add=True)
        jj = j + PRE
        sp = lax.rem(jj, DEPTH)
        spi = lax.rem(jj, IDEPTH)

        @pl.when(jj < NCHUNK)
        def _():
            @pl.when(jj >= DEPTH)
            def _():
                pltpu.make_async_copy(
                    rows.at[sp], acc_sh.at[exr.at[lax.rem(jj - DEPTH, IDEPTH),
                                                  1]],
                    ssem.at[sp]).wait()

            @pl.when(jj > PRE)
            def _():
                pltpu.make_async_copy(edg_hbm.at[wid, jj], exr.at[spi],
                                      isem.at[spi]).wait()

            pltpu.async_copy(y_hbm.at[exr.at[spi, 0]], rows.at[sp],
                             gsem.at[sp])

        jn = j + PRE + 1

        @pl.when(jn < NCHUNK)
        def _():
            pltpu.async_copy(edg_hbm.at[wid, jn], exr.at[lax.rem(jn, IDEPTH)],
                             isem.at[lax.rem(jn, IDEPTH)])

        return 0

    lax.fori_loop(0, NCHUNK, _body, 0)

    def _drain(t, _):
        j = NCHUNK - DEPTH + t
        s = lax.rem(j, DEPTH)
        pltpu.make_async_copy(rows.at[s],
                              acc_sh.at[exr.at[lax.rem(j, IDEPTH), 1]],
                              ssem.at[s]).wait()
        return 0

    lax.fori_loop(0, DEPTH, _drain, 0)
    plsc.subcore_barrier()

    sl = pl.ds(sub * ROWS_PER_SUB, ROWS_PER_SUB)
    pltpu.sync_copy(acc_sh.at[sl], out_hbm.at[core, sl])


BR = 2000
GRID = N // BR
_BNS = 1.0 / math.sqrt(1.0 + EPS)


def _t0_body(x_ref, w_ref, d0_ref, d1_ref, y_ref, dinv_ref):
    deg = d0_ref[...] + d1_ref[...] + 1.0
    dinv = lax.rsqrt(deg)
    dinv_ref[...] = dinv
    y_ref[...] = jnp.dot(x_ref[...], w_ref[...],
                         preferred_element_type=jnp.float32) * dinv


_t0 = pl.pallas_call(
    _t0_body,
    grid=(GRID,),
    in_specs=[
        pl.BlockSpec((BR, D), lambda i: (i, 0)),
        pl.BlockSpec((D, H), lambda i: (0, 0)),
        pl.BlockSpec((BR, 1), lambda i: (i, 0)),
        pl.BlockSpec((BR, 1), lambda i: (i, 0)),
    ],
    out_specs=[
        pl.BlockSpec((BR, H), lambda i: (i, 0)),
        pl.BlockSpec((BR, 1), lambda i: (i, 0)),
    ],
    out_shape=[
        jax.ShapeDtypeStruct((N, H), jnp.float32),
        jax.ShapeDtypeStruct((N, 1), jnp.float32),
    ],
)


def _tmid_body(acc_ref, y_ref, dinv_ref, b_ref, g_ref, be_ref, wn_ref, out_ref):
    dinv = dinv_ref[...]
    s = acc_ref[0] + acc_ref[1] + y_ref[...]
    z = s * dinv + b_ref[...]
    h = jnp.maximum(z * (g_ref[...] * _BNS) + be_ref[...], 0.0)
    out_ref[...] = jnp.dot(h, wn_ref[...],
                           preferred_element_type=jnp.float32) * dinv


_tmid = pl.pallas_call(
    _tmid_body,
    grid=(GRID,),
    in_specs=[
        pl.BlockSpec((NC, BR, H), lambda i: (0, i, 0)),
        pl.BlockSpec((BR, H), lambda i: (i, 0)),
        pl.BlockSpec((BR, 1), lambda i: (i, 0)),
        pl.BlockSpec((1, H), lambda i: (0, 0)),
        pl.BlockSpec((1, H), lambda i: (0, 0)),
        pl.BlockSpec((1, H), lambda i: (0, 0)),
        pl.BlockSpec((H, H), lambda i: (0, 0)),
    ],
    out_specs=pl.BlockSpec((BR, H), lambda i: (i, 0)),
    out_shape=jax.ShapeDtypeStruct((N, H), jnp.float32),
)


def _t3_body(acc_ref, y_ref, dinv_ref, b_ref, g_ref, be_ref,
             wc1_ref, bc1_ref, wc2_ref, bc2_ref, out_ref, ms_ref):
    i = pl.program_id(0)
    s = acc_ref[0] + acc_ref[1] + y_ref[...]
    z = s * dinv_ref[...] + b_ref[...]
    h = jnp.maximum(z * (g_ref[...] * _BNS) + be_ref[...], 0.0)
    ps = jnp.sum(h, axis=0, keepdims=True)

    @pl.when(i == 0)
    def _():
        ms_ref[...] = ps

    @pl.when(i > 0)
    def _():
        ms_ref[...] += ps

    @pl.when(i == GRID - 1)
    def _():
        m = ms_ref[...] * (1.0 / N)
        t = jnp.maximum(
            jnp.dot(m, wc1_ref[...], preferred_element_type=jnp.float32)
            + bc1_ref[...], 0.0)
        out_ref[...] = (jnp.dot(t, wc2_ref[...],
                                preferred_element_type=jnp.float32)
                        + bc2_ref[...])


_t3 = pl.pallas_call(
    _t3_body,
    grid=(GRID,),
    in_specs=[
        pl.BlockSpec((NC, BR, H), lambda i: (0, i, 0)),
        pl.BlockSpec((BR, H), lambda i: (i, 0)),
        pl.BlockSpec((BR, 1), lambda i: (i, 0)),
        pl.BlockSpec((1, H), lambda i: (0, 0)),
        pl.BlockSpec((1, H), lambda i: (0, 0)),
        pl.BlockSpec((1, H), lambda i: (0, 0)),
        pl.BlockSpec((H, H // 2), lambda i: (0, 0)),
        pl.BlockSpec((1, H // 2), lambda i: (0, 0)),
        pl.BlockSpec((H // 2, C), lambda i: (0, 0)),
        pl.BlockSpec((1, C), lambda i: (0, 0)),
    ],
    out_specs=pl.BlockSpec((1, C), lambda i: (0, 0)),
    out_shape=jax.ShapeDtypeStruct((1, C), jnp.float32),
    scratch_shapes=[pltpu.VMEM((1, H), jnp.float32)],
)


def kernel(x, edge_index, W0, b0, g0, be0, W1, b1, g1, be1,
           W2, b2, g2, be2, Wc1, bc1, Wc2, bc2):
    edg = edge_index.reshape(2, NW, NCHUNK, CHUNK).transpose(1, 2, 0, 3)
    dst = edge_index[1].reshape(NW, DNCHUNK, DCHUNK)

    degp = _deg(dst)
    d0 = degp[:N].reshape(N, 1)
    d1 = degp[NPAD:NPAD + N].reshape(N, 1)
    zrows = jnp.zeros((ROWS_PER_SUB, D), jnp.float32)

    y0, dinv = _t0(x, W0, d0, d1)
    a0 = _agg(y0, edg, zrows)
    y1 = _tmid(a0, y0, dinv, b0.reshape(1, H), g0.reshape(1, H),
               be0.reshape(1, H), W1)
    a1 = _agg(y1, edg, zrows)
    y2 = _tmid(a1, y1, dinv, b1.reshape(1, H), g1.reshape(1, H),
               be1.reshape(1, H), W2)
    a2 = _agg(y2, edg, zrows)
    out = _t3(a2, y2, dinv, b2.reshape(1, H), g2.reshape(1, H),
              be2.reshape(1, H), Wc1, bc1.reshape(1, H // 2),
              Wc2, bc2.reshape(1, C))
    return out

# --- scband reference (transcript-rebuilt; emitter-appended) ---
"""Pipeline reference for scband-gcnclassifier-54400055771431 (READ-ONLY COPY).

The authoritative reference and input builder live on the scoring server;
editing this copy changes nothing except your own understanding.
"""

import jax, jax.numpy as jnp
import numpy as np

N = 10000
E = 320000
D = 128
H = 128
C = 4
EPS = 1e-5


def _init_linear(key, fan_in, fan_out):
    k1, k2 = jax.random.split(key)
    bound = 1.0 / np.sqrt(fan_in)
    W = jax.random.uniform(k1, (fan_in, fan_out), minval=-bound, maxval=bound, dtype=jnp.float32)
    b = jax.random.uniform(k2, (fan_out,), minval=-bound, maxval=bound, dtype=jnp.float32)
    return W, b


def setup_inputs(seed: int = 0) -> dict:
    key = jax.random.key(seed)
    ks = jax.random.split(key, 10)
    x = jax.random.normal(ks[0], (N, D), dtype=jnp.float32)
    edge_index = jax.random.randint(ks[1], (2, E), 0, N, dtype=jnp.int32)
    W0, b0 = _init_linear(ks[2], D, H)
    W1, b1 = _init_linear(ks[3], H, H)
    W2, b2 = _init_linear(ks[4], H, H)
    g0 = jnp.ones((H,), jnp.float32); be0 = jnp.zeros((H,), jnp.float32)
    g1 = jnp.ones((H,), jnp.float32); be1 = jnp.zeros((H,), jnp.float32)
    g2 = jnp.ones((H,), jnp.float32); be2 = jnp.zeros((H,), jnp.float32)
    Wc1, bc1 = _init_linear(ks[5], H, H // 2)
    Wc2, bc2 = _init_linear(ks[6], H // 2, C)
    return {"x": x, "edge_index": edge_index,
            "W0": W0, "b0": b0, "g0": g0, "be0": be0,
            "W1": W1, "b1": b1, "g1": g1, "be1": be1,
            "W2": W2, "b2": b2, "g2": g2, "be2": be2,
            "Wc1": Wc1, "bc1": bc1, "Wc2": Wc2, "bc2": bc2}


def _gcn_conv(x, src, dst, W, b):
    # H = D^-1/2 (A+I) D^-1/2 X W + b  (PyG GCNConv with self-loops)
    xw = x @ W
    n = x.shape[0]
    loop = jnp.arange(n, dtype=src.dtype)
    src2 = jnp.concatenate([src, loop])
    dst2 = jnp.concatenate([dst, loop])
    deg = jnp.zeros((n,), jnp.float32).at[dst2].add(1.0)
    dinv = jnp.where(deg > 0, 1.0 / jnp.sqrt(deg), 0.0)
    norm = dinv[src2] * dinv[dst2]
    msgs = xw[src2] * norm[:, None]
    out = jnp.zeros_like(xw).at[dst2].add(msgs)
    return out + b


def _bn_eval(x, gamma, beta):
    # eval-mode BatchNorm1d with running_mean=0, running_var=1
    return x * gamma / jnp.sqrt(1.0 + EPS) + beta


def reference(x, edge_index, W0, b0, g0, be0, W1, b1, g1, be1, W2, b2, g2, be2, Wc1, bc1, Wc2, bc2):
    src, dst = edge_index[0], edge_index[1]
    h = x
    for (W, b, g, be) in ((W0, b0, g0, be0), (W1, b1, g1, be1), (W2, b2, g2, be2)):
        h = _gcn_conv(h, src, dst, W, b)
        h = _bn_eval(h, g, be)
        h = jax.nn.relu(h)
        # dropout is identity in eval mode
    h = h.mean(axis=0, keepdims=True)  # batch is None -> global mean
    h = h @ Wc1 + bc1
    h = jax.nn.relu(h)
    out = h @ Wc2 + bc2
    return out

if __name__ == "__main__":
    import jax
    _d = setup_inputs()
    print(jax.jit(kernel)(*tuple(_d.values())))

</pallas_src>

<mosaic_0001>
#map = affine_map<(d0, d1) -> (0, 0)>
#map1 = affine_map<(d0, d1) -> (0, 0, 0, 0)>
#map2 = affine_map<(d0, d1) -> (0, 0, 0)>
module attributes {stable_mosaic.version = 14 : i64} {
  func.func @_agg(%arg0: i32, %arg1: i32, %arg2: memref<10000x128xf32, #tpu.memory_space<hbm>>, %arg3: memref<32x125x2x80xi32, #tpu.memory_space<hbm>>, %arg4: memref<640x128xf32, #tpu.memory_space<hbm>>, %arg5: memref<2x10240x128xf32, #tpu.memory_space<hbm>>, %arg6: memref<8x2x80xi32, #tpu.memory_space<vmem>>, %arg7: memref<4x80x128xf32, #tpu.memory_space<vmem>>, %arg8: memref<10240x128xf32, #tpu.memory_space<vmem_shared>>, %arg9: memref<8x!tpu.dma_semaphore, #tpu.memory_space<semaphore_mem>>, %arg10: memref<4x!tpu.dma_semaphore, #tpu.memory_space<semaphore_mem>>, %arg11: memref<4x!tpu.dma_semaphore, #tpu.memory_space<semaphore_mem>>) attributes {dimension_semantics = [#tpu.dimension_semantics<core_parallel>, #tpu.dimension_semantics<subcore_parallel>], iteration_bounds = array<i64: 2, 16>, scalar_prefetch = 0 : i64, scratch_operands = 6 : i64, tpu.core_type = #tpu.core_type<sc_vector_subcore>, window_params = [{transform_indices = #map}, {transform_indices = #map1}, {transform_indices = #map}, {transform_indices = #map2}]} {
    %mul3A = arith.constant 16 : i32
    %mul3A_0 = arith.muli %arg0, %mul3A : i32
    %add3A = arith.addi %mul3A_0, %arg1 : i32
    %mul3A_1 = arith.constant 640 : i32
    %mul3A_2 = arith.muli %arg1, %mul3A_1 : i32
    "tpu.region"() ({
      %run_scoped3A_55 = tpu.sem_alloc : memref<!tpu.dma_semaphore, #tpu.memory_space<semaphore_mem>>
      %dma_start3A_56 = arith.constant 0 : i32
      %dma_start3A_57 = tpu.memref_slice %arg8[%mul3A_2, %dma_start3A_56] : memref<10240x128xf32, #tpu.memory_space<vmem_shared>> -> memref<640x128xf32, #tpu.memory_space<vmem_shared>>
      tpu.enqueue_dma source(%arg4 : memref<640x128xf32, #tpu.memory_space<hbm>>) target(%dma_start3A_57 : memref<640x128xf32, #tpu.memory_space<vmem_shared>>) target_semaphore(%run_scoped3A_55 : memref<!tpu.dma_semaphore, #tpu.memory_space<semaphore_mem>>)
      %dma_wait3A = arith.constant 0 : i32
      %dma_wait3A_58 = tpu.memref_slice %arg8[%mul3A_2, %dma_wait3A] : memref<10240x128xf32, #tpu.memory_space<vmem_shared>> -> memref<640x128xf32, #tpu.memory_space<vmem_shared>>
      tpu.wait_dma2 semaphore(%run_scoped3A_55 : memref<!tpu.dma_semaphore, #tpu.memory_space<semaphore_mem>>) src(%arg4 : memref<640x128xf32, #tpu.memory_space<hbm>>) dst(%dma_wait3A_58 : memref<640x128xf32, #tpu.memory_space<vmem_shared>>)
      tpu.yield
    }) : () -> ()
    %run_scoped3A = arith.constant 0 : i32
    %run_scoped3A_3 = arith.constant 0 : i32
    "tpu.region"() ({
      %run_scoped3A_55 = tpu.sem_alloc : memref<!tpu.dma_semaphore, #tpu.memory_space<semaphore_mem>>
      %dma_start3A_56 = arith.constant 0 : i32
      %dma_start3A_57 = arith.constant 0 : i32
      %dma_start3A_58 = tpu.memref_slice %arg6[%run_scoped3A_3, %dma_start3A_56, %dma_start3A_57] : memref<8x2x80xi32, #tpu.memory_space<vmem>> -> memref<1x2x80xi32, #tpu.memory_space<vmem>>
      %dma_start3A_59 = tpu.memref_squeeze %dma_start3A_58 : memref<1x2x80xi32, #tpu.memory_space<vmem>> -> memref<2x80xi32, #tpu.memory_space<vmem>>
      %dma_start3A_60 = arith.constant 0 : i32
      %dma_start3A_61 = arith.constant 0 : i32
      %dma_start3A_62 = tpu.memref_slice %arg3[%add3A, %run_scoped3A, %dma_start3A_60, %dma_start3A_61] : memref<32x125x2x80xi32, #tpu.memory_space<hbm>> -> memref<1x1x2x80xi32, #tpu.memory_space<hbm>>
      %dma_start3A_63 = tpu.memref_squeeze %dma_start3A_62 : memref<1x1x2x80xi32, #tpu.memory_space<hbm>> -> memref<2x80xi32, #tpu.memory_space<hbm>>
      %dma_start3A_64 = arith.constant 0 : i32
      %dma_start3A_65 = arith.constant 0 : i32
      %dma_start3A_66 = tpu.memref_slice %arg6[%run_scoped3A_3, %dma_start3A_64, %dma_start3A_65] : memref<8x2x80xi32, #tpu.memory_space<vmem>> -> memref<1x2x80xi32, #tpu.memory_space<vmem>>
      %dma_start3A_67 = tpu.memref_squeeze %dma_start3A_66 : memref<1x2x80xi32, #tpu.memory_space<vmem>> -> memref<2x80xi32, #tpu.memory_space<vmem>>
      %dma_start3A_68 = arith.constant 0 : i32
      %dma_start3A_69 = arith.constant 0 : i32
      %dma_start3A_70 = tpu.memref_slice %arg3[%add3A, %run_scoped3A, %dma_start3A_68, %dma_start3A_69] : memref<32x125x2x80xi32, #tpu.memory_space<hbm>> -> memref<1x1x2x80xi32, #tpu.memory_space<hbm>>
      %dma_start3A_71 = tpu.memref_squeeze %dma_start3A_70 : memref<1x1x2x80xi32, #tpu.memory_space<hbm>> -> memref<2x80xi32, #tpu.memory_space<hbm>>
      tpu.enqueue_dma source(%dma_start3A_71 : memref<2x80xi32, #tpu.memory_space<hbm>>) target(%dma_start3A_67 : memref<2x80xi32, #tpu.memory_space<vmem>>) target_semaphore(%run_scoped3A_55 : memref<!tpu.dma_semaphore, #tpu.memory_space<semaphore_mem>>)
      %dma_wait3A = arith.constant 0 : i32
      %dma_wait3A_72 = arith.constant 0 : i32
      %dma_wait3A_73 = tpu.memref_slice %arg6[%run_scoped3A_3, %dma_wait3A, %dma_wait3A_72] : memref<8x2x80xi32, #tpu.memory_space<vmem>> -> memref<1x2x80xi32, #tpu.memory_space<vmem>>
      %dma_wait3A_74 = tpu.memref_squeeze %dma_wait3A_73 : memref<1x2x80xi32, #tpu.memory_space<vmem>> -> memref<2x80xi32, #tpu.memory_space<vmem>>
      %dma_wait3A_75 = arith.constant 0 : i32
      %dma_wait3A_76 = arith.constant 0 : i32
      %dma_wait3A_77 = tpu.memref_slice %arg3[%add3A, %run_scoped3A, %dma_wait3A_75, %dma_wait3A_76] : memref<32x125x2x80xi32, #tpu.memory_space<hbm>> -> memref<1x1x2x80xi32, #tpu.memory_space<hbm>>
      %dma_wait3A_78 = tpu.memref_squeeze %dma_wait3A_77 : memref<1x1x2x80xi32, #tpu.memory_space<hbm>> -> memref<2x80xi32, #tpu.memory_space<hbm>>
      %dma_wait3A_79 = arith.constant 0 : i32
      %dma_wait3A_80 = arith.constant 0 : i32
      %dma_wait3A_81 = tpu.memref_slice %arg6[%run_scoped3A_3, %dma_wait3A_79, %dma_wait3A_80] : memref<8x2x80xi32, #tpu.memory_space<vmem>> -> memref<1x2x80xi32, #tpu.memory_space<vmem>>
      %dma_wait3A_82 = tpu.memref_squeeze %dma_wait3A_81 : memref<1x2x80xi32, #tpu.memory_space<vmem>> -> memref<2x80xi32, #tpu.memory_space<vmem>>
      %dma_wait3A_83 = arith.constant 0 : i32
      %dma_wait3A_84 = arith.constant 0 : i32
      %dma_wait3A_85 = tpu.memref_slice %arg3[%add3A, %run_scoped3A, %dma_wait3A_83, %dma_wait3A_84] : memref<32x125x2x80xi32, #tpu.memory_space<hbm>> -> memref<1x1x2x80xi32, #tpu.memory_space<hbm>>
      %dma_wait3A_86 = tpu.memref_squeeze %dma_wait3A_85 : memref<1x1x2x80xi32, #tpu.memory_space<hbm>> -> memref<2x80xi32, #tpu.memory_space<hbm>>
      tpu.wait_dma2 semaphore(%run_scoped3A_55 : memref<!tpu.dma_semaphore, #tpu.memory_space<semaphore_mem>>) src(%dma_wait3A_86 : memref<2x80xi32, #tpu.memory_space<hbm>>) dst(%dma_wait3A_82 : memref<2x80xi32, #tpu.memory_space<vmem>>)
      tpu.yield
    }) : () -> ()
    %run_scoped3A_4 = arith.constant 1 : i32
    %run_scoped3A_5 = arith.constant 1 : i32
    "tpu.region"() ({
      %run_scoped3A_55 = tpu.sem_alloc : memref<!tpu.dma_semaphore, #tpu.memory_space<semaphore_mem>>
      %dma_start3A_56 = arith.constant 0 : i32
      %dma_start3A_57 = arith.constant 0 : i32
      %dma_start3A_58 = tpu.memref_slice %arg6[%run_scoped3A_5, %dma_start3A_56, %dma_start3A_57] : memref<8x2x80xi32, #tpu.memory_space<vmem>> -> memref<1x2x80xi32, #tpu.memory_space<vmem>>
      %dma_start3A_59 = tpu.memref_squeeze %dma_start3A_58 : memref<1x2x80xi32, #tpu.memory_space<vmem>> -> memref<2x80xi32, #tpu.memory_space<vmem>>
      %dma_start3A_60 = arith.constant 0 : i32
      %dma_start3A_61 = arith.constant 0 : i32
      %dma_start3A_62 = tpu.memref_slice %arg3[%add3A, %run_scoped3A_4, %dma_start3A_60, %dma_start3A_61] : memref<32x125x2x80xi32, #tpu.memory_space<hbm>> -> memref<1x1x2x80xi32, #tpu.memory_space<hbm>>
      %dma_start3A_63 = tpu.memref_squeeze %dma_start3A_62 : memref<1x1x2x80xi32, #tpu.memory_space<hbm>> -> memref<2x80xi32, #tpu.memory_space<hbm>>
      %dma_start3A_64 = arith.constant 0 : i32
      %dma_start3A_65 = arith.constant 0 : i32
      %dma_start3A_66 = tpu.memref_slice %arg6[%run_scoped3A_5, %dma_start3A_64, %dma_start3A_65] : memref<8x2x80xi32, #tpu.memory_space<vmem>> -> memref<1x2x80xi32, #tpu.memory_space<vmem>>
      %dma_start3A_67 = tpu.memref_squeeze %dma_start3A_66 : memref<1x2x80xi32, #tpu.memory_space<vmem>> -> memref<2x80xi32, #tpu.memory_space<vmem>>
      %dma_start3A_68 = arith.constant 0 : i32
      %dma_start3A_69 = arith.constant 0 : i32
      %dma_start3A_70 = tpu.memref_slice %arg3[%add3A, %run_scoped3A_4, %dma_start3A_68, %dma_start3A_69] : memref<32x125x2x80xi32, #tpu.memory_space<hbm>> -> memref<1x1x2x80xi32, #tpu.memory_space<hbm>>
      %dma_start3A_71 = tpu.memref_squeeze %dma_start3A_70 : memref<1x1x2x80xi32, #tpu.memory_space<hbm>> -> memref<2x80xi32, #tpu.memory_space<hbm>>
      tpu.enqueue_dma source(%dma_start3A_71 : memref<2x80xi32, #tpu.memory_space<hbm>>) target(%dma_start3A_67 : memref<2x80xi32, #tpu.memory_space<vmem>>) target_semaphore(%run_scoped3A_55 : memref<!tpu.dma_semaphore, #tpu.memory_space<semaphore_mem>>)
      %dma_wait3A = arith.constant 0 : i32
      %dma_wait3A_72 = arith.constant 0 : i32
      %dma_wait3A_73 = tpu.memref_slice %arg6[%run_scoped3A_5, %dma_wait3A, %dma_wait3A_72] : memref<8x2x80xi32, #tpu.memory_space<vmem>> -> memref<1x2x80xi32, #tpu.memory_space<vmem>>
      %dma_wait3A_74 = tpu.memref_squeeze %dma_wait3A_73 : memref<1x2x80xi32, #tpu.memory_space<vmem>> -> memref<2x80xi32, #tpu.memory_space<vmem>>
      %dma_wait3A_75 = arith.constant 0 : i32
      %dma_wait3A_76 = arith.constant 0 : i32
      %dma_wait3A_77 = tpu.memref_slice %arg3[%add3A, %run_scoped3A_4, %dma_wait3A_75, %dma_wait3A_76] : memref<32x125x2x80xi32, #tpu.memory_space<hbm>> -> memref<1x1x2x80xi32, #tpu.memory_space<hbm>>
      %dma_wait3A_78 = tpu.memref_squeeze %dma_wait3A_77 : memref<1x1x2x80xi32, #tpu.memory_space<hbm>> -> memref<2x80xi32, #tpu.memory_space<hbm>>
      %dma_wait3A_79 = arith.constant 0 : i32
      %dma_wait3A_80 = arith.constant 0 : i32
      %dma_wait3A_81 = tpu.memref_slice %arg6[%run_scoped3A_5, %dma_wait3A_79, %dma_wait3A_80] : memref<8x2x80xi32, #tpu.memory_space<vmem>> -> memref<1x2x80xi32, #tpu.memory_space<vmem>>
      %dma_wait3A_82 = tpu.memref_squeeze %dma_wait3A_81 : memref<1x2x80xi32, #tpu.memory_space<vmem>> -> memref<2x80xi32, #tpu.memory_space<vmem>>
      %dma_wait3A_83 = arith.constant 0 : i32
      %dma_wait3A_84 = arith.constant 0 : i32
      %dma_wait3A_85 = tpu.memref_slice %arg3[%add3A, %run_scoped3A_4, %dma_wait3A_83, %dma_wait3A_84] : memref<32x125x2x80xi32, #tpu.memory_space<hbm>> -> memref<1x1x2x80xi32, #tpu.memory_space<hbm>>
      %dma_wait3A_86 = tpu.memref_squeeze %dma_wait3A_85 : memref<1x1x2x80xi32, #tpu.memory_space<hbm>> -> memref<2x80xi32, #tpu.memory_space<hbm>>
      tpu.wait_dma2 semaphore(%run_scoped3A_55 : memref<!tpu.dma_semaphore, #tpu.memory_space<semaphore_mem>>) src(%dma_wait3A_86 : memref<2x80xi32, #tpu.memory_space<hbm>>) dst(%dma_wait3A_82 : memref<2x80xi32, #tpu.memory_space<vmem>>)
      tpu.yield
    }) : () -> ()
    %run_scoped3A_6 = arith.constant 2 : i32
    %run_scoped3A_7 = arith.constant 2 : i32
    "tpu.region"() ({
      %run_scoped3A_55 = tpu.sem_alloc : memref<!tpu.dma_semaphore, #tpu.memory_space<semaphore_mem>>
      %dma_start3A_56 = arith.constant 0 : i32
      %dma_start3A_57 = arith.constant 0 : i32
      %dma_start3A_58 = tpu.memref_slice %arg6[%run_scoped3A_7, %dma_start3A_56, %dma_start3A_57] : memref<8x2x80xi32, #tpu.memory_space<vmem>> -> memref<1x2x80xi32, #tpu.memory_space<vmem>>
      %dma_start3A_59 = tpu.memref_squeeze %dma_start3A_58 : memref<1x2x80xi32, #tpu.memory_space<vmem>> -> memref<2x80xi32, #tpu.memory_space<vmem>>
      %dma_start3A_60 = arith.constant 0 : i32
      %dma_start3A_61 = arith.constant 0 : i32
      %dma_start3A_62 = tpu.memref_slice %arg3[%add3A, %run_scoped3A_6, %dma_start3A_60, %dma_start3A_61] : memref<32x125x2x80xi32, #tpu.memory_space<hbm>> -> memref<1x1x2x80xi32, #tpu.memory_space<hbm>>
      %dma_start3A_63 = tpu.memref_squeeze %dma_start3A_62 : memref<1x1x2x80xi32, #tpu.memory_space<hbm>> -> memref<2x80xi32, #tpu.memory_space<hbm>>
      %dma_start3A_64 = arith.constant 0 : i32
      %dma_start3A_65 = arith.constant 0 : i32
      %dma_start3A_66 = tpu.memref_slice %arg6[%run_scoped3A_7, %dma_start3A_64, %dma_start3A_65] : memref<8x2x80xi32, #tpu.memory_space<vmem>> -> memref<1x2x80xi32, #tpu.memory_space<vmem>>
      %dma_start3A_67 = tpu.memref_squeeze %dma_start3A_66 : memref<1x2x80xi32, #tpu.memory_space<vmem>> -> memref<2x80xi32, #tpu.memory_space<vmem>>
      %dma_start3A_68 = arith.constant 0 : i32
      %dma_start3A_69 = arith.constant 0 : i32
      %dma_start3A_70 = tpu.memref_slice %arg3[%add3A, %run_scoped3A_6, %dma_start3A_68, %dma_start3A_69] : memref<32x125x2x80xi32, #tpu.memory_space<hbm>> -> memref<1x1x2x80xi32, #tpu.memory_space<hbm>>
      %dma_start3A_71 = tpu.memref_squeeze %dma_start3A_70 : memref<1x1x2x80xi32, #tpu.memory_space<hbm>> -> memref<2x80xi32, #tpu.memory_space<hbm>>
      tpu.enqueue_dma source(%dma_start3A_71 : memref<2x80xi32, #tpu.memory_space<hbm>>) target(%dma_start3A_67 : memref<2x80xi32, #tpu.memory_space<vmem>>) target_semaphore(%run_scoped3A_55 : memref<!tpu.dma_semaphore, #tpu.memory_space<semaphore_mem>>)
      %dma_wait3A = arith.constant 0 : i32
      %dma_wait3A_72 = arith.constant 0 : i32
      %dma_wait3A_73 = tpu.memref_slice %arg6[%run_scoped3A_7, %dma_wait3A, %dma_wait3A_72] : memref<8x2x80xi32, #tpu.memory_space<vmem>> -> memref<1x2x80xi32, #tpu.memory_space<vmem>>
      %dma_wait3A_74 = tpu.memref_squeeze %dma_wait3A_73 : memref<1x2x80xi32, #tpu.memory_space<vmem>> -> memref<2x80xi32, #tpu.memory_space<vmem>>
      %dma_wait3A_75 = arith.constant 0 : i32
      %dma_wait3A_76 = arith.constant 0 : i32
      %dma_wait3A_77 = tpu.memref_slice %arg3[%add3A, %run_scoped3A_6, %dma_wait3A_75, %dma_wait3A_76] : memref<32x125x2x80xi32, #tpu.memory_space<hbm>> -> memref<1x1x2x80xi32, #tpu.memory_space<hbm>>
      %dma_wait3A_78 = tpu.memref_squeeze %dma_wait3A_77 : memref<1x1x2x80xi32, #tpu.memory_space<hbm>> -> memref<2x80xi32, #tpu.memory_space<hbm>>
      %dma_wait3A_79 = arith.constant 0 : i32
      %dma_wait3A_80 = arith.constant 0 : i32
      %dma_wait3A_81 = tpu.memref_slice %arg6[%run_scoped3A_7, %dma_wait3A_79, %dma_wait3A_80] : memref<8x2x80xi32, #tpu.memory_space<vmem>> -> memref<1x2x80xi32, #tpu.memory_space<vmem>>
      %dma_wait3A_82 = tpu.memref_squeeze %dma_wait3A_81 : memref<1x2x80xi32, #tpu.memory_space<vmem>> -> memref<2x80xi32, #tpu.memory_space<vmem>>
      %dma_wait3A_83 = arith.constant 0 : i32
      %dma_wait3A_84 = arith.constant 0 : i32
      %dma_wait3A_85 = tpu.memref_slice %arg3[%add3A, %run_scoped3A_6, %dma_wait3A_83, %dma_wait3A_84] : memref<32x125x2x80xi32, #tpu.memory_space<hbm>> -> memref<1x1x2x80xi32, #tpu.memory_space<hbm>>
      %dma_wait3A_86 = tpu.memref_squeeze %dma_wait3A_85 : memref<1x1x2x80xi32, #tpu.memory_space<hbm>> -> memref<2x80xi32, #tpu.memory_space<hbm>>
      tpu.wait_dma2 semaphore(%run_scoped3A_55 : memref<!tpu.dma_semaphore, #tpu.memory_space<semaphore_mem>>) src(%dma_wait3A_86 : memref<2x80xi32, #tpu.memory_space<hbm>>) dst(%dma_wait3A_82 : memref<2x80xi32, #tpu.memory_space<vmem>>)
      tpu.yield
    }) : () -> ()
    %dma_start3A = arith.constant 0 : i32
    %dma_start3A_8 = arith.constant 0 : i32
    %dma_start3A_9 = arith.constant 0 : i32
    %dma_start3A_10 = arith.constant 0 : i32
    %dma_start3A_11 = arith.constant 0 : i32
    %dma_start3A_12 = arith.constant 0 : i32
    %dma_start3A_13 = tpu.memref_slice %arg7[%dma_start3A_9, %dma_start3A_11, %dma_start3A_12] : memref<4x80x128xf32, #tpu.memory_space<vmem>> -> memref<1x80x128xf32, #tpu.memory_space<vmem>>
    %dma_start3A_14 = tpu.memref_squeeze %dma_start3A_13 : memref<1x80x128xf32, #tpu.memory_space<vmem>> -> memref<80x128xf32, #tpu.memory_space<vmem>>
    %dma_start3A_15 = arith.constant 0 : i32
    %dma_start3A_16 = tpu.memref_slice %arg6[%dma_start3A, %dma_start3A_8, %dma_start3A_15] : memref<8x2x80xi32, #tpu.memory_space<vmem>> -> memref<1x1x80xi32, #tpu.memory_space<vmem>>
    %dma_start3A_17 = tpu.memref_squeeze %dma_start3A_16 : memref<1x1x80xi32, #tpu.memory_space<vmem>> -> memref<80xi32, #tpu.memory_space<vmem>>
    %dma_start3A_18 = arith.constant 0 : i32
    %dma_start3A_19 = arith.constant 0 : i32
    %dma_start3A_20 = tpu.memref_slice %arg2[%dma_start3A_18, %dma_start3A_19] : memref<10000x128xf32, #tpu.memory_space<hbm>> -> memref<10000x128xf32, #tpu.memory_space<hbm>>
    %dma_start3A_21 = tpu.memref_slice %arg10[%dma_start3A_10] : memref<4x!tpu.dma_semaphore, #tpu.memory_space<semaphore_mem>> -> memref<1x!tpu.dma_semaphore, #tpu.memory_space<semaphore_mem>>
    %dma_start3A_22 = tpu.memref_squeeze %dma_start3A_21 : memref<1x!tpu.dma_semaphore, #tpu.memory_space<semaphore_mem>> -> memref<!tpu.dma_semaphore, #tpu.memory_space<semaphore_mem>>
    tpu.enqueue_indirect_dma source(%dma_start3A_20 : memref<10000x128xf32, #tpu.memory_space<hbm>>) target(%dma_start3A_14 : memref<80x128xf32, #tpu.memory_space<vmem>>) offsets(%dma_start3A_17 : memref<80xi32, #tpu.memory_space<vmem>>) semaphore(%dma_start3A_22 : memref<!tpu.dma_semaphore, #tpu.memory_space<semaphore_mem>>)
    %dma_start3A_23 = arith.constant 1 : i32
    %dma_start3A_24 = arith.constant 0 : i32
    %dma_start3A_25 = arith.constant 1 : i32
    %dma_start3A_26 = arith.constant 1 : i32
    %dma_start3A_27 = arith.constant 0 : i32
    %dma_start3A_28 = arith.constant 0 : i32
    %dma_start3A_29 = tpu.memref_slice %arg7[%dma_start3A_25, %dma_start3A_27, %dma_start3A_28] : memref<4x80x128xf32, #tpu.memory_space<vmem>> -> memref<1x80x128xf32, #tpu.memory_space<vmem>>
    %dma_start3A_30 = tpu.memref_squeeze %dma_start3A_29 : memref<1x80x128xf32, #tpu.memory_space<vmem>> -> memref<80x128xf32, #tpu.memory_space<vmem>>
    %dma_start3A_31 = arith.constant 0 : i32
    %dma_start3A_32 = tpu.memref_slice %arg6[%dma_start3A_23, %dma_start3A_24, %dma_start3A_31] : memref<8x2x80xi32, #tpu.memory_space<vmem>> -> memref<1x1x80xi32, #tpu.memory_space<vmem>>
    %dma_start3A_33 = tpu.memref_squeeze %dma_start3A_32 : memref<1x1x80xi32, #tpu.memory_space<vmem>> -> memref<80xi32, #tpu.memory_space<vmem>>
    %dma_start3A_34 = arith.constant 0 : i32
    %dma_start3A_35 = arith.constant 0 : i32
    %dma_start3A_36 = tpu.memref_slice %arg2[%dma_start3A_34, %dma_start3A_35] : memref<10000x128xf32, #tpu.memory_space<hbm>> -> memref<10000x128xf32, #tpu.memory_space<hbm>>
    %dma_start3A_37 = tpu.memref_slice %arg10[%dma_start3A_26] : memref<4x!tpu.dma_semaphore, #tpu.memory_space<semaphore_mem>> -> memref<1x!tpu.dma_semaphore, #tpu.memory_space<semaphore_mem>>
    %dma_start3A_38 = tpu.memref_squeeze %dma_start3A_37 : memref<1x!tpu.dma_semaphore, #tpu.memory_space<semaphore_mem>> -> memref<!tpu.dma_semaphore, #tpu.memory_space<semaphore_mem>>
    tpu.enqueue_indirect_dma source(%dma_start3A_36 : memref<10000x128xf32, #tpu.memory_space<hbm>>) target(%dma_start3A_30 : memref<80x128xf32, #tpu.memory_space<vmem>>) offsets(%dma_start3A_33 : memref<80xi32, #tpu.memory_space<vmem>>) semaphore(%dma_start3A_38 : memref<!tpu.dma_semaphore, #tpu.memory_space<semaphore_mem>>)
    %barrier3A = arith.constant 0 : index
    tpu.barrier barrier_id(%barrier3A)
    %scan3A = arith.constant 0 : i32
    %scan3A_39 = arith.constant 0 : i32
    %scan3A_40 = arith.constant 125 : i32
    %scan3A_41 = arith.addi %scan3A_39, %scan3A_40 : i32
    %scan3A_42 = arith.constant 1 : i32
    %scan3A_43 = scf.for %scan3A_55 = %scan3A_39 to %scan3A_41 step %scan3A_42 iter_args(%scan3A_56 = %scan3A) -> (i32)  : i32 {
      %rem3A = arith.constant 4 : i32
      %rem3A_57 = arith.remsi %scan3A_55, %rem3A : i32
      %rem3A_58 = arith.constant 8 : i32
      %rem3A_59 = arith.remsi %scan3A_55, %rem3A_58 : i32
      %dma_wait3A = arith.constant 0 : i32
      %dma_wait3A_60 = arith.constant 0 : i32
      %dma_wait3A_61 = arith.constant 0 : i32
      %dma_wait3A_62 = tpu.memref_slice %arg7[%rem3A_57, %dma_wait3A_60, %dma_wait3A_61] : memref<4x80x128xf32, #tpu.memory_space<vmem>> -> memref<1x80x128xf32, #tpu.memory_space<vmem>>
      %dma_wait3A_63 = tpu.memref_squeeze %dma_wait3A_62 : memref<1x80x128xf32, #tpu.memory_space<vmem>> -> memref<80x128xf32, #tpu.memory_space<vmem>>
      %dma_wait3A_64 = arith.constant 0 : i32
      %dma_wait3A_65 = tpu.memref_slice %arg6[%rem3A_59, %dma_wait3A, %dma_wait3A_64] : memref<8x2x80xi32, #tpu.memory_space<vmem>> -> memref<1x1x80xi32, #tpu.memory_space<vmem>>
      %dma_wait3A_66 = tpu.memref_squeeze %dma_wait3A_65 : memref<1x1x80xi32, #tpu.memory_space<vmem>> -> memref<80xi32, #tpu.memory_space<vmem>>
      %dma_wait3A_67 = arith.constant 0 : i32
      %dma_wait3A_68 = arith.constant 0 : i32
      %dma_wait3A_69 = tpu.memref_slice %arg2[%dma_wait3A_67, %dma_wait3A_68] : memref<10000x128xf32, #tpu.memory_space<hbm>> -> memref<10000x128xf32, #tpu.memory_space<hbm>>
      %dma_wait3A_70 = tpu.memref_slice %arg10[%rem3A_57] : memref<4x!tpu.dma_semaphore, #tpu.memory_space<semaphore_mem>> -> memref<1x!tpu.dma_semaphore, #tpu.memory_space<semaphore_mem>>
      %dma_wait3A_71 = tpu.memref_squeeze %dma_wait3A_70 : memref<1x!tpu.dma_semaphore, #tpu.memory_space<semaphore_mem>> -> memref<!tpu.dma_semaphore, #tpu.memory_space<semaphore_mem>>
      tpu.wait_indirect_dma semaphore(%dma_wait3A_71 : memref<!tpu.dma_semaphore, #tpu.memory_space<semaphore_mem>>) src(%dma_wait3A_69 : memref<10000x128xf32, #tpu.memory_space<hbm>>) dst(%dma_wait3A_63 : memref<80x128xf32, #tpu.memory_space<vmem>>)
      %dma_start3A_72 = arith.constant 1 : i32
      %dma_start3A_73 = arith.constant 0 : i32
      %dma_start3A_74 = arith.constant 0 : i32
      %dma_start3A_75 = tpu.memref_slice %arg7[%rem3A_57, %dma_start3A_73, %dma_start3A_74] : memref<4x80x128xf32, #tpu.memory_space<vmem>> -> memref<1x80x128xf32, #tpu.memory_space<vmem>>
      %dma_start3A_76 = tpu.memref_squeeze %dma_start3A_75 : memref<1x80x128xf32, #tpu.memory_space<vmem>> -> memref<80x128xf32, #tpu.memory_space<vmem>>
      %dma_start3A_77 = arith.constant 0 : i32
      %dma_start3A_78 = tpu.memref_slice %arg6[%rem3A_59, %dma_start3A_72, %dma_start3A_77] : memref<8x2x80xi32, #tpu.memory_space<vmem>> -> memref<1x1x80xi32, #tpu.memory_space<vmem>>
      %dma_start3A_79 = tpu.memref_squeeze %dma_start3A_78 : memref<1x1x80xi32, #tpu.memory_space<vmem>> -> memref<80xi32, #tpu.memory_space<vmem>>
      %dma_start3A_80 = arith.constant 0 : i32
      %dma_start3A_81 = arith.constant 0 : i32
      %dma_start3A_82 = tpu.memref_slice %arg8[%dma_start3A_80, %dma_start3A_81] : memref<10240x128xf32, #tpu.memory_space<vmem_shared>> -> memref<10240x128xf32, #tpu.memory_space<vmem_shared>>
      %dma_start3A_83 = tpu.memref_slice %arg11[%rem3A_57] : memref<4x!tpu.dma_semaphore, #tpu.memory_space<semaphore_mem>> -> memref<1x!tpu.dma_semaphore, #tpu.memory_space<semaphore_mem>>
      %dma_start3A_84 = tpu.memref_squeeze %dma_start3A_83 : memref<1x!tpu.dma_semaphore, #tpu.memory_space<semaphore_mem>> -> memref<!tpu.dma_semaphore, #tpu.memory_space<semaphore_mem>>
      tpu.enqueue_indirect_dma source(%dma_start3A_76 : memref<80x128xf32, #tpu.memory_space<vmem>>) target(%dma_start3A_82 : memref<10240x128xf32, #tpu.memory_space<vmem_shared>>) offsets(%dma_start3A_79 : memref<80xi32, #tpu.memory_space<vmem>>) semaphore(%dma_start3A_84 : memref<!tpu.dma_semaphore, #tpu.memory_space<semaphore_mem>>) {add = true}
      %add3A_85 = arith.constant 2 : i32
      %add3A_86 = arith.addi %scan3A_55, %add3A_85 : i32
      %rem3A_87 = arith.constant 4 : i32
      %rem3A_88 = arith.remsi %add3A_86, %rem3A_87 : i32
      %rem3A_89 = arith.constant 8 : i32
      %rem3A_90 = arith.remsi %add3A_86, %rem3A_89 : i32
      %lt3A = arith.constant 125 : i32
      %lt3A_91 = arith.cmpi slt, %add3A_86, %lt3A : i32
      %convert_element_type3A = arith.extui %lt3A_91 : i1 to i32
      %cond3A = arith.constant 0 : i32
      %cond3A_92 = arith.cmpi ne, %convert_element_type3A, %cond3A : i32
      scf.if %cond3A_92 {
        %ge3A = arith.constant 4 : i32
        %ge3A_103 = arith.cmpi sge, %add3A_86, %ge3A : i32
        %convert_element_type3A_104 = arith.extui %ge3A_103 : i1 to i32
        %cond3A_105 = arith.constant 0 : i32
        %cond3A_106 = arith.cmpi ne, %convert_element_type3A_104, %cond3A_105 : i32
        scf.if %cond3A_106 {
          %sub3A = arith.constant 4 : i32
          %sub3A_124 = arith.subi %add3A_86, %sub3A : i32
          %rem3A_125 = arith.constant 8 : i32
          %rem3A_126 = arith.remsi %sub3A_124, %rem3A_125 : i32
          %dma_wait3A_127 = arith.constant 1 : i32
          %dma_wait3A_128 = arith.constant 0 : i32
          %dma_wait3A_129 = arith.constant 0 : i32
          %dma_wait3A_130 = tpu.memref_slice %arg7[%rem3A_88, %dma_wait3A_128, %dma_wait3A_129] : memref<4x80x128xf32, #tpu.memory_space<vmem>> -> memref<1x80x128xf32, #tpu.memory_space<vmem>>
          %dma_wait3A_131 = tpu.memref_squeeze %dma_wait3A_130 : memref<1x80x128xf32, #tpu.memory_space<vmem>> -> memref<80x128xf32, #tpu.memory_space<vmem>>
          %dma_wait3A_132 = arith.constant 0 : i32
          %dma_wait3A_133 = tpu.memref_slice %arg6[%rem3A_126, %dma_wait3A_127, %dma_wait3A_132] : memref<8x2x80xi32, #tpu.memory_space<vmem>> -> memref<1x1x80xi32, #tpu.memory_space<vmem>>
          %dma_wait3A_134 = tpu.memref_squeeze %dma_wait3A_133 : memref<1x1x80xi32, #tpu.memory_space<vmem>> -> memref<80xi32, #tpu.memory_space<vmem>>
          %dma_wait3A_135 = arith.constant 0 : i32
          %dma_wait3A_136 = arith.constant 0 : i32
          %dma_wait3A_137 = tpu.memref_slice %arg8[%dma_wait3A_135, %dma_wait3A_136] : memref<10240x128xf32, #tpu.memory_space<vmem_shared>> -> memref<10240x128xf32, #tpu.memory_space<vmem_shared>>
          %dma_wait3A_138 = tpu.memref_slice %arg11[%rem3A_88] : memref<4x!tpu.dma_semaphore, #tpu.memory_space<semaphore_mem>> -> memref<1x!tpu.dma_semaphore, #tpu.memory_space<semaphore_mem>>
          %dma_wait3A_139 = tpu.memref_squeeze %dma_wait3A_138 : memref<1x!tpu.dma_semaphore, #tpu.memory_space<semaphore_mem>> -> memref<!tpu.dma_semaphore, #tpu.memory_space<semaphore_mem>>
          tpu.wait_indirect_dma semaphore(%dma_wait3A_139 : memref<!tpu.dma_semaphore, #tpu.memory_space<semaphore_mem>>) src(%dma_wait3A_131 : memref<80x128xf32, #tpu.memory_space<vmem>>) dst(%dma_wait3A_137 : memref<10240x128xf32, #tpu.memory_space<vmem_shared>>)
        } else {
        }
        %gt3A = arith.constant 2 : i32
        %gt3A_107 = arith.cmpi sgt, %add3A_86, %gt3A : i32
        %convert_element_type3A_108 = arith.extui %gt3A_107 : i1 to i32
        %cond3A_109 = arith.constant 0 : i32
        %cond3A_110 = arith.cmpi ne, %convert_element_type3A_108, %cond3A_109 : i32
        scf.if %cond3A_110 {
          %dma_wait3A_124 = arith.constant 0 : i32
          %dma_wait3A_125 = arith.constant 0 : i32
          %dma_wait3A_126 = tpu.memref_slice %arg6[%rem3A_90, %dma_wait3A_124, %dma_wait3A_125] : memref<8x2x80xi32, #tpu.memory_space<vmem>> -> memref<1x2x80xi32, #tpu.memory_space<vmem>>
          %dma_wait3A_127 = tpu.memref_squeeze %dma_wait3A_126 : memref<1x2x80xi32, #tpu.memory_space<vmem>> -> memref<2x80xi32, #tpu.memory_space<vmem>>
          %dma_wait3A_128 = arith.constant 0 : i32
          %dma_wait3A_129 = arith.constant 0 : i32
          %dma_wait3A_130 = tpu.memref_slice %arg3[%add3A, %add3A_86, %dma_wait3A_128, %dma_wait3A_129] : memref<32x125x2x80xi32, #tpu.memory_space<hbm>> -> memref<1x1x2x80xi32, #tpu.memory_space<hbm>>
          %dma_wait3A_131 = tpu.memref_squeeze %dma_wait3A_130 : memref<1x1x2x80xi32, #tpu.memory_space<hbm>> -> memref<2x80xi32, #tpu.memory_space<hbm>>
          %dma_wait3A_132 = tpu.memref_slice %arg9[%rem3A_90] : memref<8x!tpu.dma_semaphore, #tpu.memory_space<semaphore_mem>> -> memref<1x!tpu.dma_semaphore, #tpu.memory_space<semaphore_mem>>
          %dma_wait3A_133 = tpu.memref_squeeze %dma_wait3A_132 : memref<1x!tpu.dma_semaphore, #tpu.memory_space<semaphore_mem>> -> memref<!tpu.dma_semaphore, #tpu.memory_space<semaphore_mem>>
          %dma_wait3A_134 = arith.constant 0 : i32
          %dma_wait3A_135 = arith.constant 0 : i32
          %dma_wait3A_136 = tpu.memref_slice %arg6[%rem3A_90, %dma_wait3A_134, %dma_wait3A_135] : memref<8x2x80xi32, #tpu.memory_space<vmem>> -> memref<1x2x80xi32, #tpu.memory_space<vmem>>
          %dma_wait3A_137 = tpu.memref_squeeze %dma_wait3A_136 : memref<1x2x80xi32, #tpu.memory_space<vmem>> -> memref<2x80xi32, #tpu.memory_space<vmem>>
          %dma_wait3A_138 = arith.constant 0 : i32
          %dma_wait3A_139 = arith.constant 0 : i32
          %dma_wait3A_140 = tpu.memref_slice %arg3[%add3A, %add3A_86, %dma_wait3A_138, %dma_wait3A_139] : memref<32x125x2x80xi32, #tpu.memory_space<hbm>> -> memref<1x1x2x80xi32, #tpu.memory_space<hbm>>
          %dma_wait3A_141 = tpu.memref_squeeze %dma_wait3A_140 : memref<1x1x2x80xi32, #tpu.memory_space<hbm>> -> memref<2x80xi32, #tpu.memory_space<hbm>>
          tpu.wait_dma2 semaphore(%dma_wait3A_133 : memref<!tpu.dma_semaphore, #tpu.memory_space<semaphore_mem>>) src(%dma_wait3A_141 : memref<2x80xi32, #tpu.memory_space<hbm>>) dst(%dma_wait3A_137 : memref<2x80xi32, #tpu.memory_space<vmem>>)
        } else {
        }
        %dma_start3A_111 = arith.constant 0 : i32
        %dma_start3A_112 = arith.constant 0 : i32
        %dma_start3A_113 = arith.constant 0 : i32
        %dma_start3A_114 = tpu.memref_slice %arg7[%rem3A_88, %dma_start3A_112, %dma_start3A_113] : memref<4x80x128xf32, #tpu.memory_space<vmem>> -> memref<1x80x128xf32, #tpu.memory_space<vmem>>
        %dma_start3A_115 = tpu.memref_squeeze %dma_start3A_114 : memref<1x80x128xf32, #tpu.memory_space<vmem>> -> memref<80x128xf32, #tpu.memory_space<vmem>>
        %dma_start3A_116 = arith.constant 0 : i32
        %dma_start3A_117 = tpu.memref_slice %arg6[%rem3A_90, %dma_start3A_111, %dma_start3A_116] : memref<8x2x80xi32, #tpu.memory_space<vmem>> -> memref<1x1x80xi32, #tpu.memory_space<vmem>>
        %dma_start3A_118 = tpu.memref_squeeze %dma_start3A_117 : memref<1x1x80xi32, #tpu.memory_space<vmem>> -> memref<80xi32, #tpu.memory_space<vmem>>
        %dma_start3A_119 = arith.constant 0 : i32
        %dma_start3A_120 = arith.constant 0 : i32
        %dma_start3A_121 = tpu.memref_slice %arg2[%dma_start3A_119, %dma_start3A_120] : memref<10000x128xf32, #tpu.memory_space<hbm>> -> memref<10000x128xf32, #tpu.memory_space<hbm>>
        %dma_start3A_122 = tpu.memref_slice %arg10[%rem3A_88] : memref<4x!tpu.dma_semaphore, #tpu.memory_space<semaphore_mem>> -> memref<1x!tpu.dma_semaphore, #tpu.memory_space<semaphore_mem>>
        %dma_start3A_123 = tpu.memref_squeeze %dma_start3A_122 : memref<1x!tpu.dma_semaphore, #tpu.memory_space<semaphore_mem>> -> memref<!tpu.dma_semaphore, #tpu.memory_space<semaphore_mem>>
        tpu.enqueue_indirect_dma source(%dma_start3A_121 : memref<10000x128xf32, #tpu.memory_space<hbm>>) target(%dma_start3A_115 : memref<80x128xf32, #tpu.memory_space<vmem>>) offsets(%dma_start3A_118 : memref<80xi32, #tpu.memory_space<vmem>>) semaphore(%dma_start3A_123 : memref<!tpu.dma_semaphore, #tpu.memory_space<semaphore_mem>>)
      } else {
      }
      %add3A_93 = arith.constant 2 : i32
      %add3A_94 = arith.addi %scan3A_55, %add3A_93 : i32
      %add3A_95 = arith.constant 1 : i32
      %add3A_96 = arith.addi %add3A_94, %add3A_95 : i32
      %lt3A_97 = arith.constant 125 : i32
      %lt3A_98 = arith.cmpi slt, %add3A_96, %lt3A_97 : i32
      %convert_element_type3A_99 = arith.extui %lt3A_98 : i1 to i32
      %cond3A_100 = arith.constant 0 : i32
      %cond3A_101 = arith.cmpi ne, %convert_element_type3A_99, %cond3A_100 : i32
      scf.if %cond3A_101 {
        %rem3A_103 = arith.constant 8 : i32
        %rem3A_104 = arith.remsi %add3A_96, %rem3A_103 : i32
        %rem3A_105 = arith.constant 8 : i32
        %rem3A_106 = arith.remsi %add3A_96, %rem3A_105 : i32
        %dma_start3A_107 = arith.constant 0 : i32
        %dma_start3A_108 = arith.constant 0 : i32
        %dma_start3A_109 = tpu.memref_slice %arg6[%rem3A_104, %dma_start3A_107, %dma_start3A_108] : memref<8x2x80xi32, #tpu.memory_space<vmem>> -> memref<1x2x80xi32, #tpu.memory_space<vmem>>
        %dma_start3A_110 = tpu.memref_squeeze %dma_start3A_109 : memref<1x2x80xi32, #tpu.memory_space<vmem>> -> memref<2x80xi32, #tpu.memory_space<vmem>>
        %dma_start3A_111 = arith.constant 0 : i32
        %dma_start3A_112 = arith.constant 0 : i32
        %dma_start3A_113 = tpu.memref_slice %arg3[%add3A, %add3A_96, %dma_start3A_111, %dma_start3A_112] : memref<32x125x2x80xi32, #tpu.memory_space<hbm>> -> memref<1x1x2x80xi32, #tpu.memory_space<hbm>>
        %dma_start3A_114 = tpu.memref_squeeze %dma_start3A_113 : memref<1x1x2x80xi32, #tpu.memory_space<hbm>> -> memref<2x80xi32, #tpu.memory_space<hbm>>
        %dma_start3A_115 = tpu.memref_slice %arg9[%rem3A_106] : memref<8x!tpu.dma_semaphore, #tpu.memory_space<semaphore_mem>> -> memref<1x!tpu.dma_semaphore, #tpu.memory_space<semaphore_mem>>
        %dma_start3A_116 = tpu.memref_squeeze %dma_start3A_115 : memref<1x!tpu.dma_semaphore, #tpu.memory_space<semaphore_mem>> -> memref<!tpu.dma_semaphore, #tpu.memory_space<semaphore_mem>>
        %dma_start3A_117 = arith.constant 0 : i32
        %dma_start3A_118 = arith.constant 0 : i32
        %dma_start3A_119 = tpu.memref_slice %arg6[%rem3A_104, %dma_start3A_117, %dma_start3A_118] : memref<8x2x80xi32, #tpu.memory_space<vmem>> -> memref<1x2x80xi32, #tpu.memory_space<vmem>>
        %dma_start3A_120 = tpu.memref_squeeze %dma_start3A_119 : memref<1x2x80xi32, #tpu.memory_space<vmem>> -> memref<2x80xi32, #tpu.memory_space<vmem>>
        %dma_start3A_121 = arith.constant 0 : i32
        %dma_start3A_122 = arith.constant 0 : i32
        %dma_start3A_123 = tpu.memref_slice %arg3[%add3A, %add3A_96, %dma_start3A_121, %dma_start3A_122] : memref<32x125x2x80xi32, #tpu.memory_space<hbm>> -> memref<1x1x2x80xi32, #tpu.memory_space<hbm>>
        %dma_start3A_124 = tpu.memref_squeeze %dma_start3A_123 : memref<1x1x2x80xi32, #tpu.memory_space<hbm>> -> memref<2x80xi32, #tpu.memory_space<hbm>>
        tpu.enqueue_dma source(%dma_start3A_124 : memref<2x80xi32, #tpu.memory_space<hbm>>) target(%dma_start3A_120 : memref<2x80xi32, #tpu.memory_space<vmem>>) target_semaphore(%dma_start3A_116 : memref<!tpu.dma_semaphore, #tpu.memory_space<semaphore_mem>>)
      } else {
      }
      %scan3A_102 = arith.constant 0 : i32
      scf.yield %scan3A_102 : i32
    }
    %scan3A_44 = arith.constant 125 : i32
    %scan3A_45 = arith.constant 0 : i32
    %scan3A_46 = arith.constant 0 : i32
    %scan3A_47 = arith.constant 4 : i32
    %scan3A_48 = arith.addi %scan3A_46, %scan3A_47 : i32
    %scan3A_49 = arith.constant 1 : i32
    %scan3A_50 = scf.for %scan3A_55 = %scan3A_46 to %scan3A_48 step %scan3A_49 iter_args(%scan3A_56 = %scan3A_45) -> (i32)  : i32 {
      %add3A_57 = arith.constant 121 : i32
      %add3A_58 = arith.addi %add3A_57, %scan3A_55 : i32
      %rem3A = arith.constant 4 : i32
      %rem3A_59 = arith.remsi %add3A_58, %rem3A : i32
      %rem3A_60 = arith.constant 8 : i32
      %rem3A_61 = arith.remsi %add3A_58, %rem3A_60 : i32
      %dma_wait3A = arith.constant 1 : i32
      %dma_wait3A_62 = arith.constant 0 : i32
      %dma_wait3A_63 = arith.constant 0 : i32
      %dma_wait3A_64 = tpu.memref_slice %arg7[%rem3A_59, %dma_wait3A_62, %dma_wait3A_63] : memref<4x80x128xf32, #tpu.memory_space<vmem>> -> memref<1x80x128xf32, #tpu.memory_space<vmem>>
      %dma_wait3A_65 = tpu.memref_squeeze %dma_wait3A_64 : memref<1x80x128xf32, #tpu.memory_space<vmem>> -> memref<80x128xf32, #tpu.memory_space<vmem>>
      %dma_wait3A_66 = arith.constant 0 : i32
      %dma_wait3A_67 = tpu.memref_slice %arg6[%rem3A_61, %dma_wait3A, %dma_wait3A_66] : memref<8x2x80xi32, #tpu.memory_space<vmem>> -> memref<1x1x80xi32, #tpu.memory_space<vmem>>
      %dma_wait3A_68 = tpu.memref_squeeze %dma_wait3A_67 : memref<1x1x80xi32, #tpu.memory_space<vmem>> -> memref<80xi32, #tpu.memory_space<vmem>>
      %dma_wait3A_69 = arith.constant 0 : i32
      %dma_wait3A_70 = arith.constant 0 : i32
      %dma_wait3A_71 = tpu.memref_slice %arg8[%dma_wait3A_69, %dma_wait3A_70] : memref<10240x128xf32, #tpu.memory_space<vmem_shared>> -> memref<10240x128xf32, #tpu.memory_space<vmem_shared>>
      %dma_wait3A_72 = tpu.memref_slice %arg11[%rem3A_59] : memref<4x!tpu.dma_semaphore, #tpu.memory_space<semaphore_mem>> -> memref<1x!tpu.dma_semaphore, #tpu.memory_space<semaphore_mem>>
      %dma_wait3A_73 = tpu.memref_squeeze %dma_wait3A_72 : memref<1x!tpu.dma_semaphore, #tpu.memory_space<semaphore_mem>> -> memref<!tpu.dma_semaphore, #tpu.memory_space<semaphore_mem>>
      tpu.wait_indirect_dma semaphore(%dma_wait3A_73 : memref<!tpu.dma_semaphore, #tpu.memory_space<semaphore_mem>>) src(%dma_wait3A_65 : memref<80x128xf32, #tpu.memory_space<vmem>>) dst(%dma_wait3A_71 : memref<10240x128xf32, #tpu.memory_space<vmem_shared>>)
      %scan3A_74 = arith.constant 0 : i32
      scf.yield %scan3A_74 : i32
    }
    %scan3A_51 = arith.constant 4 : i32
    %barrier3A_52 = arith.constant 0 : index
    tpu.barrier barrier_id(%barrier3A_52)
    %mul3A_53 = arith.constant 640 : i32
    %mul3A_54 = arith.muli %arg1, %mul3A_53 : i32
    "tpu.region"() ({
      %run_scoped3A_55 = tpu.sem_alloc : memref<!tpu.dma_semaphore, #tpu.memory_space<semaphore_mem>>
      %dma_start3A_56 = arith.constant 0 : i32
      %dma_start3A_57 = tpu.memref_slice %arg5[%arg0, %mul3A_54, %dma_start3A_56] : memref<2x10240x128xf32, #tpu.memory_space<hbm>> -> memref<1x640x128xf32, #tpu.memory_space<hbm>>
      %dma_start3A_58 = tpu.memref_squeeze %dma_start3A_57 : memref<1x640x128xf32, #tpu.memory_space<hbm>> -> memref<640x128xf32, #tpu.memory_space<hbm>>
      %dma_start3A_59 = arith.constant 0 : i32
      %dma_start3A_60 = tpu.memref_slice %arg8[%mul3A_54, %dma_start3A_59] : memref<10240x128xf32, #tpu.memory_space<vmem_shared>> -> memref<640x128xf32, #tpu.memory_space<vmem_shared>>
      tpu.enqueue_dma source(%dma_start3A_60 : memref<640x128xf32, #tpu.memory_space<vmem_shared>>) target(%dma_start3A_58 : memref<640x128xf32, #tpu.memory_space<hbm>>) target_semaphore(%run_scoped3A_55 : memref<!tpu.dma_semaphore, #tpu.memory_space<semaphore_mem>>)
      %dma_wait3A = arith.constant 0 : i32
      %dma_wait3A_61 = tpu.memref_slice %arg5[%arg0, %mul3A_54, %dma_wait3A] : memref<2x10240x128xf32, #tpu.memory_space<hbm>> -> memref<1x640x128xf32, #tpu.memory_space<hbm>>
      %dma_wait3A_62 = tpu.memref_squeeze %dma_wait3A_61 : memref<1x640x128xf32, #tpu.memory_space<hbm>> -> memref<640x128xf32, #tpu.memory_space<hbm>>
      %dma_wait3A_63 = arith.constant 0 : i32
      %dma_wait3A_64 = tpu.memref_slice %arg8[%mul3A_54, %dma_wait3A_63] : memref<10240x128xf32, #tpu.memory_space<vmem_shared>> -> memref<640x128xf32, #tpu.memory_space<vmem_shared>>
      tpu.wait_dma2 semaphore(%run_scoped3A_55 : memref<!tpu.dma_semaphore, #tpu.memory_space<semaphore_mem>>) src(%dma_wait3A_64 : memref<640x128xf32, #tpu.memory_space<vmem_shared>>) dst(%dma_wait3A_62 : memref<640x128xf32, #tpu.memory_space<hbm>>)
      tpu.yield
    }) : () -> ()
    return
  }
}

#map = affine_map<(d0, d1) -> (0, 0)>
#map1 = affine_map<(d0, d1) -> (0, 0, 0, 0)>
#map2 = affine_map<(d0, d1) -> (0, 0, 0)>
module attributes {stable_mosaic.version = 14 : i64} {
  func.func @_agg(%arg0: i32, %arg1: i32, %arg2: memref<10000x128xf32, #tpu.memory_space<hbm>>, %arg3: memref<32x125x2x80xi32, #tpu.memory_space<hbm>>, %arg4: memref<640x128xf32, #tpu.memory_space<hbm>>, %arg5: memref<2x10240x128xf32, #tpu.memory_space<hbm>>, %arg6: memref<8x2x80xi32, #tpu.memory_space<vmem>>, %arg7: memref<4x80x128xf32, #tpu.memory_space<vmem>>, %arg8: memref<10240x128xf32, #tpu.memory_space<vmem_shared>>, %arg9: memref<8x!tpu.dma_semaphore, #tpu.memory_space<semaphore_mem>>, %arg10: memref<4x!tpu.dma_semaphore, #tpu.memory_space<semaphore_mem>>, %arg11: memref<4x!tpu.dma_semaphore, #tpu.memory_space<semaphore_mem>>) attributes {dimension_semantics = [#tpu.dimension_semantics<core_parallel>, #tpu.dimension_semantics<subcore_parallel>], iteration_bounds = array<i64: 2, 16>, scalar_prefetch = 0 : i64, scratch_operands = 6 : i64, tpu.core_type = #tpu.core_type<sc_vector_subcore>, window_params = [{transform_indices = #map}, {transform_indices = #map1}, {transform_indices = #map}, {transform_indices = #map2}]} {
    %mul3A = arith.constant 16 : i32
    %mul3A_0 = arith.muli %arg0, %mul3A : i32
    %add3A = arith.addi %mul3A_0, %arg1 : i32
    %mul3A_1 = arith.constant 640 : i32
    %mul3A_2 = arith.muli %arg1, %mul3A_1 : i32
    "tpu.region"() ({
      %run_scoped3A_55 = tpu.sem_alloc : memref<!tpu.dma_semaphore, #tpu.memory_space<semaphore_mem>>
      %dma_start3A_56 = arith.constant 0 : i32
      %dma_start3A_57 = tpu.memref_slice %arg8[%mul3A_2, %dma_start3A_56] : memref<10240x128xf32, #tpu.memory_space<vmem_shared>> -> memref<640x128xf32, #tpu.memory_space<vmem_shared>>
      tpu.enqueue_dma source(%arg4 : memref<640x128xf32, #tpu.memory_space<hbm>>) target(%dma_start3A_57 : memref<640x128xf32, #tpu.memory_space<vmem_shared>>) target_semaphore(%run_scoped3A_55 : memref<!tpu.dma_semaphore, #tpu.memory_space<semaphore_mem>>)
      %dma_wait3A = arith.constant 0 : i32
      %dma_wait3A_58 = tpu.memref_slice %arg8[%mul3A_2, %dma_wait3A] : memref<10240x128xf32, #tpu.memory_space<vmem_shared>> -> memref<640x128xf32, #tpu.memory_space<vmem_shared>>
      tpu.wait_dma2 semaphore(%run_scoped3A_55 : memref<!tpu.dma_semaphore, #tpu.memory_space<semaphore_mem>>) src(%arg4 : memref<640x128xf32, #tpu.memory_space<hbm>>) dst(%dma_wait3A_58 : memref<640x128xf32, #tpu.memory_space<vmem_shared>>)
      tpu.yield
    }) : () -> ()
    %run_scoped3A = arith.constant 0 : i32
    %run_scoped3A_3 = arith.constant 0 : i32
    "tpu.region"() ({
      %run_scoped3A_55 = tpu.sem_alloc : memref<!tpu.dma_semaphore, #tpu.memory_space<semaphore_mem>>
      %dma_start3A_56 = arith.constant 0 : i32
      %dma_start3A_57 = arith.constant 0 : i32
      %dma_start3A_58 = tpu.memref_slice %arg6[%run_scoped3A_3, %dma_start3A_56, %dma_start3A_57] : memref<8x2x80xi32, #tpu.memory_space<vmem>> -> memref<1x2x80xi32, #tpu.memory_space<vmem>>
      %dma_start3A_59 = tpu.memref_squeeze %dma_start3A_58 : memref<1x2x80xi32, #tpu.memory_space<vmem>> -> memref<2x80xi32, #tpu.memory_space<vmem>>
      %dma_start3A_60 = arith.constant 0 : i32
      %dma_start3A_61 = arith.constant 0 : i32
      %dma_start3A_62 = tpu.memref_slice %arg3[%add3A, %run_scoped3A, %dma_start3A_60, %dma_start3A_61] : memref<32x125x2x80xi32, #tpu.memory_space<hbm>> -> memref<1x1x2x80xi32, #tpu.memory_space<hbm>>
      %dma_start3A_63 = tpu.memref_squeeze %dma_start3A_62 : memref<1x1x2x80xi32, #tpu.memory_space<hbm>> -> memref<2x80xi32, #tpu.memory_space<hbm>>
      %dma_start3A_64 = arith.constant 0 : i32
      %dma_start3A_65 = arith.constant 0 : i32
      %dma_start3A_66 = tpu.memref_slice %arg6[%run_scoped3A_3, %dma_start3A_64, %dma_start3A_65] : memref<8x2x80xi32, #tpu.memory_space<vmem>> -> memref<1x2x80xi32, #tpu.memory_space<vmem>>
      %dma_start3A_67 = tpu.memref_squeeze %dma_start3A_66 : memref<1x2x80xi32, #tpu.memory_space<vmem>> -> memref<2x80xi32, #tpu.memory_space<vmem>>
      %dma_start3A_68 = arith.constant 0 : i32
      %dma_start3A_69 = arith.constant 0 : i32
      %dma_start3A_70 = tpu.memref_slice %arg3[%add3A, %run_scoped3A, %dma_start3A_68, %dma_start3A_69] : memref<32x125x2x80xi32, #tpu.memory_space<hbm>> -> memref<1x1x2x80xi32, #tpu.memory_space<hbm>>
      %dma_start3A_71 = tpu.memref_squeeze %dma_start3A_70 : memref<1x1x2x80xi32, #tpu.memory_space<hbm>> -> memref<2x80xi32, #tpu.memory_space<hbm>>
      tpu.enqueue_dma source(%dma_start3A_71 : memref<2x80xi32, #tpu.memory_space<hbm>>) target(%dma_start3A_67 : memref<2x80xi32, #tpu.memory_space<vmem>>) target_semaphore(%run_scoped3A_55 : memref<!tpu.dma_semaphore, #tpu.memory_space<semaphore_mem>>)
      %dma_wait3A = arith.constant 0 : i32
      %dma_wait3A_72 = arith.constant 0 : i32
      %dma_wait3A_73 = tpu.memref_slice %arg6[%run_scoped3A_3, %dma_wait3A, %dma_wait3A_72] : memref<8x2x80xi32, #tpu.memory_space<vmem>> -> memref<1x2x80xi32, #tpu.memory_space<vmem>>
      %dma_wait3A_74 = tpu.memref_squeeze %dma_wait3A_73 : memref<1x2x80xi32, #tpu.memory_space<vmem>> -> memref<2x80xi32, #tpu.memory_space<vmem>>
      %dma_wait3A_75 = arith.constant 0 : i32
      %dma_wait3A_76 = arith.constant 0 : i32
      %dma_wait3A_77 = tpu.memref_slice %arg3[%add3A, %run_scoped3A, %dma_wait3A_75, %dma_wait3A_76] : memref<32x125x2x80xi32, #tpu.memory_space<hbm>> -> memref<1x1x2x80xi32, #tpu.memory_space<hbm>>
      %dma_wait3A_78 = tpu.memref_squeeze %dma_wait3A_77 : memref<1x1x2x80xi32, #tpu.memory_space<hbm>> -> memref<2x80xi32, #tpu.memory_space<hbm>>
      %dma_wait3A_79 = arith.constant 0 : i32
      %dma_wait3A_80 = arith.constant 0 : i32
      %dma_wait3A_81 = tpu.memref_slice %arg6[%run_scoped3A_3, %dma_wait3A_79, %dma_wait3A_80] : memref<8x2x80xi32, #tpu.memory_space<vmem>> -> memref<1x2x80xi32, #tpu.memory_space<vmem>>
      %dma_wait3A_82 = tpu.memref_squeeze %dma_wait3A_81 : memref<1x2x80xi32, #tpu.memory_space<vmem>> -> memref<2x80xi32, #tpu.memory_space<vmem>>
      %dma_wait3A_83 = arith.constant 0 : i32
      %dma_wait3A_84 = arith.constant 0 : i32
      %dma_wait3A_85 = tpu.memref_slice %arg3[%add3A, %run_scoped3A, %dma_wait3A_83, %dma_wait3A_84] : memref<32x125x2x80xi32, #tpu.memory_space<hbm>> -> memref<1x1x2x80xi32, #tpu.memory_space<hbm>>
      %dma_wait3A_86 = tpu.memref_squeeze %dma_wait3A_85 : memref<1x1x2x80xi32, #tpu.memory_space<hbm>> -> memref<2x80xi32, #tpu.memory_space<hbm>>
      tpu.wait_dma2 semaphore(%run_scoped3A_55 : memref<!tpu.dma_semaphore, #tpu.memory_space<semaphore_mem>>) src(%dma_wait3A_86 : memref<2x80xi32, #tpu.memory_space<hbm>>) dst(%dma_wait3A_82 : memref<2x80xi32, #tpu.memory_space<vmem>>)
      tpu.yield
    }) : () -> ()
    %run_scoped3A_4 = arith.constant 1 : i32
    %run_scoped3A_5 = arith.constant 1 : i32
    "tpu.region"() ({
      %run_scoped3A_55 = tpu.sem_alloc : memref<!tpu.dma_semaphore, #tpu.memory_space<semaphore_mem>>
      %dma_start3A_56 = arith.constant 0 : i32
      %dma_start3A_57 = arith.constant 0 : i32
      %dma_start3A_58 = tpu.memref_slice %arg6[%run_scoped3A_5, %dma_start3A_56, %dma_start3A_57] : memref<8x2x80xi32, #tpu.memory_space<vmem>> -> memref<1x2x80xi32, #tpu.memory_space<vmem>>
      %dma_start3A_59 = tpu.memref_squeeze %dma_start3A_58 : memref<1x2x80xi32, #tpu.memory_space<vmem>> -> memref<2x80xi32, #tpu.memory_space<vmem>>
      %dma_start3A_60 = arith.constant 0 : i32
      %dma_start3A_61 = arith.constant 0 : i32
      %dma_start3A_62 = tpu.memref_slice %arg3[%add3A, %run_scoped3A_4, %dma_start3A_60, %dma_start3A_61] : memref<32x125x2x80xi32, #tpu.memory_space<hbm>> -> memref<1x1x2x80xi32, #tpu.memory_space<hbm>>
      %dma_start3A_63 = tpu.memref_squeeze %dma_start3A_62 : memref<1x1x2x80xi32, #tpu.memory_space<hbm>> -> memref<2x80xi32, #tpu.memory_space<hbm>>
      %dma_start3A_64 = arith.constant 0 : i32
      %dma_start3A_65 = arith.constant 0 : i32
      %dma_start3A_66 = tpu.memref_slice %arg6[%run_scoped3A_5, %dma_start3A_64, %dma_start3A_65] : memref<8x2x80xi32, #tpu.memory_space<vmem>> -> memref<1x2x80xi32, #tpu.memory_space<vmem>>
      %dma_start3A_67 = tpu.memref_squeeze %dma_start3A_66 : memref<1x2x80xi32, #tpu.memory_space<vmem>> -> memref<2x80xi32, #tpu.memory_space<vmem>>
      %dma_start3A_68 = arith.constant 0 : i32
      %dma_start3A_69 = arith.constant 0 : i32
      %dma_start3A_70 = tpu.memref_slice %arg3[%add3A, %run_scoped3A_4, %dma_start3A_68, %dma_start3A_69] : memref<32x125x2x80xi32, #tpu.memory_space<hbm>> -> memref<1x1x2x80xi32, #tpu.memory_space<hbm>>
      %dma_start3A_71 = tpu.memref_squeeze %dma_start3A_70 : memref<1x1x2x80xi32, #tpu.memory_space<hbm>> -> memref<2x80xi32, #tpu.memory_space<hbm>>
      tpu.enqueue_dma source(%dma_start3A_71 : memref<2x80xi32, #tpu.memory_space<hbm>>) target(%dma_start3A_67 : memref<2x80xi32, #tpu.memory_space<vmem>>) target_semaphore(%run_scoped3A_55 : memref<!tpu.dma_semaphore, #tpu.memory_space<semaphore_mem>>)
      %dma_wait3A = arith.constant 0 : i32
      %dma_wait3A_72 = arith.constant 0 : i32
      %dma_wait3A_73 = tpu.memref_slice %arg6[%run_scoped3A_5, %dma_wait3A, %dma_wait3A_72] : memref<8x2x80xi32, #tpu.memory_space<vmem>> -> memref<1x2x80xi32, #tpu.memory_space<vmem>>
      %dma_wait3A_74 = tpu.memref_squeeze %dma_wait3A_73 : memref<1x2x80xi32, #tpu.memory_space<vmem>> -> memref<2x80xi32, #tpu.memory_space<vmem>>
      %dma_wait3A_75 = arith.constant 0 : i32
      %dma_wait3A_76 = arith.constant 0 : i32
      %dma_wait3A_77 = tpu.memref_slice %arg3[%add3A, %run_scoped3A_4, %dma_wait3A_75, %dma_wait3A_76] : memref<32x125x2x80xi32, #tpu.memory_space<hbm>> -> memref<1x1x2x80xi32, #tpu.memory_space<hbm>>
      %dma_wait3A_78 = tpu.memref_squeeze %dma_wait3A_77 : memref<1x1x2x80xi32, #tpu.memory_space<hbm>> -> memref<2x80xi32, #tpu.memory_space<hbm>>
      %dma_wait3A_79 = arith.constant 0 : i32
      %dma_wait3A_80 = arith.constant 0 : i32
      %dma_wait3A_81 = tpu.memref_slice %arg6[%run_scoped3A_5, %dma_wait3A_79, %dma_wait3A_80] : memref<8x2x80xi32, #tpu.memory_space<vmem>> -> memref<1x2x80xi32, #tpu.memory_space<vmem>>
      %dma_wait3A_82 = tpu.memref_squeeze %dma_wait3A_81 : memref<1x2x80xi32, #tpu.memory_space<vmem>> -> memref<2x80xi32, #tpu.memory_space<vmem>>
      %dma_wait3A_83 = arith.constant 0 : i32
      %dma_wait3A_84 = arith.constant 0 : i32
      %dma_wait3A_85 = tpu.memref_slice %arg3[%add3A, %run_scoped3A_4, %dma_wait3A_83, %dma_wait3A_84] : memref<32x125x2x80xi32, #tpu.memory_space<hbm>> -> memref<1x1x2x80xi32, #tpu.memory_space<hbm>>
      %dma_wait3A_86 = tpu.memref_squeeze %dma_wait3A_85 : memref<1x1x2x80xi32, #tpu.memory_space<hbm>> -> memref<2x80xi32, #tpu.memory_space<hbm>>
      tpu.wait_dma2 semaphore(%run_scoped3A_55 : memref<!tpu.dma_semaphore, #tpu.memory_space<semaphore_mem>>) src(%dma_wait3A_86 : memref<2x80xi32, #tpu.memory_space<hbm>>) dst(%dma_wait3A_82 : memref<2x80xi32, #tpu.memory_space<vmem>>)
      tpu.yield
    }) : () -> ()
    %run_scoped3A_6 = arith.constant 2 : i32
    %run_scoped3A_7 = arith.constant 2 : i32
    "tpu.region"() ({
      %run_scoped3A_55 = tpu.sem_alloc : memref<!tpu.dma_semaphore, #tpu.memory_space<semaphore_mem>>
      %dma_start3A_56 = arith.constant 0 : i32
      %dma_start3A_57 = arith.constant 0 : i32
      %dma_start3A_58 = tpu.memref_slice %arg6[%run_scoped3A_7, %dma_start3A_56, %dma_start3A_57] : memref<8x2x80xi32, #tpu.memory_space<vmem>> -> memref<1x2x80xi32, #tpu.memory_space<vmem>>
      %dma_start3A_59 = tpu.memref_squeeze %dma_start3A_58 : memref<1x2x80xi32, #tpu.memory_space<vmem>> -> memref<2x80xi32, #tpu.memory_space<vmem>>
      %dma_start3A_60 = arith.constant 0 : i32
      %dma_start3A_61 = arith.constant 0 : i32
      %dma_start3A_62 = tpu.memref_slice %arg3[%add3A, %run_scoped3A_6, %dma_start3A_60, %dma_start3A_61] : memref<32x125x2x80xi32, #tpu.memory_space<hbm>> -> memref<1x1x2x80xi32, #tpu.memory_space<hbm>>
      %dma_start3A_63 = tpu.memref_squeeze %dma_start3A_62 : memref<1x1x2x80xi32, #tpu.memory_space<hbm>> -> memref<2x80xi32, #tpu.memory_space<hbm>>
      %dma_start3A_64 = arith.constant 0 : i32
      %dma_start3A_65 = arith.constant 0 : i32
      %dma_start3A_66 = tpu.memref_slice %arg6[%run_scoped3A_7, %dma_start3A_64, %dma_start3A_65] : memref<8x2x80xi32, #tpu.memory_space<vmem>> -> memref<1x2x80xi32, #tpu.memory_space<vmem>>
      %dma_start3A_67 = tpu.memref_squeeze %dma_start3A_66 : memref<1x2x80xi32, #tpu.memory_space<vmem>> -> memref<2x80xi32, #tpu.memory_space<vmem>>
      %dma_start3A_68 = arith.constant 0 : i32
      %dma_start3A_69 = arith.constant 0 : i32
      %dma_start3A_70 = tpu.memref_slice %arg3[%add3A, %run_scoped3A_6, %dma_start3A_68, %dma_start3A_69] : memref<32x125x2x80xi32, #tpu.memory_space<hbm>> -> memref<1x1x2x80xi32, #tpu.memory_space<hbm>>
      %dma_start3A_71 = tpu.memref_squeeze %dma_start3A_70 : memref<1x1x2x80xi32, #tpu.memory_space<hbm>> -> memref<2x80xi32, #tpu.memory_space<hbm>>
      tpu.enqueue_dma source(%dma_start3A_71 : memref<2x80xi32, #tpu.memory_space<hbm>>) target(%dma_start3A_67 : memref<2x80xi32, #tpu.memory_space<vmem>>) target_semaphore(%run_scoped3A_55 : memref<!tpu.dma_semaphore, #tpu.memory_space<semaphore_mem>>)
      %dma_wait3A = arith.constant 0 : i32
      %dma_wait3A_72 = arith.constant 0 : i32
      %dma_wait3A_73 = tpu.memref_slice %arg6[%run_scoped3A_7, %dma_wait3A, %dma_wait3A_72] : memref<8x2x80xi32, #tpu.memory_space<vmem>> -> memref<1x2x80xi32, #tpu.memory_space<vmem>>
      %dma_wait3A_74 = tpu.memref_squeeze %dma_wait3A_73 : memref<1x2x80xi32, #tpu.memory_space<vmem>> -> memref<2x80xi32, #tpu.memory_space<vmem>>
      %dma_wait3A_75 = arith.constant 0 : i32
      %dma_wait3A_76 = arith.constant 0 : i32
      %dma_wait3A_77 = tpu.memref_slice %arg3[%add3A, %run_scoped3A_6, %dma_wait3A_75, %dma_wait3A_76] : memref<32x125x2x80xi32, #tpu.memory_space<hbm>> -> memref<1x1x2x80xi32, #tpu.memory_space<hbm>>
      %dma_wait3A_78 = tpu.memref_squeeze %dma_wait3A_77 : memref<1x1x2x80xi32, #tpu.memory_space<hbm>> -> memref<2x80xi32, #tpu.memory_space<hbm>>
      %dma_wait3A_79 = arith.constant 0 : i32
      %dma_wait3A_80 = arith.constant 0 : i32
      %dma_wait3A_81 = tpu.memref_slice %arg6[%run_scoped3A_7, %dma_wait3A_79, %dma_wait3A_80] : memref<8x2x80xi32, #tpu.memory_space<vmem>> -> memref<1x2x80xi32, #tpu.memory_space<vmem>>
      %dma_wait3A_82 = tpu.memref_squeeze %dma_wait3A_81 : memref<1x2x80xi32, #tpu.memory_space<vmem>> -> memref<2x80xi32, #tpu.memory_space<vmem>>
      %dma_wait3A_83 = arith.constant 0 : i32
      %dma_wait3A_84 = arith.constant 0 : i32
      %dma_wait3A_85 = tpu.memref_slice %arg3[%add3A, %run_scoped3A_6, %dma_wait3A_83, %dma_wait3A_84] : memref<32x125x2x80xi32, #tpu.memory_space<hbm>> -> memref<1x1x2x80xi32, #tpu.memory_space<hbm>>
      %dma_wait3A_86 = tpu.memref_squeeze %dma_wait3A_85 : memref<1x1x2x80xi32, #tpu.memory_space<hbm>> -> memref<2x80xi32, #tpu.memory_space<hbm>>
      tpu.wait_dma2 semaphore(%run_scoped3A_55 : memref<!tpu.dma_semaphore, #tpu.memory_space<semaphore_mem>>) src(%dma_wait3A_86 : memref<2x80xi32, #tpu.memory_space<hbm>>) dst(%dma_wait3A_82 : memref<2x80xi32, #tpu.memory_space<vmem>>)
      tpu.yield
    }) : () -> ()
    %dma_start3A = arith.constant 0 : i32
    %dma_start3A_8 = arith.constant 0 : i32
    %dma_start3A_9 = arith.constant 0 : i32
    %dma_start3A_10 = arith.constant 0 : i32
    %dma_start3A_11 = arith.constant 0 : i32
    %dma_start3A_12 = arith.constant 0 : i32
    %dma_start3A_13 = tpu.memref_slice %arg7[%dma_start3A_9, %dma_start3A_11, %dma_start3A_12] : memref<4x80x128xf32, #tpu.memory_space<vmem>> -> memref<1x80x128xf32, #tpu.memory_space<vmem>>
    %dma_start3A_14 = tpu.memref_squeeze %dma_start3A_13 : memref<1x80x128xf32, #tpu.memory_space<vmem>> -> memref<80x128xf32, #tpu.memory_space<vmem>>
    %dma_start3A_15 = arith.constant 0 : i32
    %dma_start3A_16 = tpu.memref_slice %arg6[%dma_start3A, %dma_start3A_8, %dma_start3A_15] : memref<8x2x80xi32, #tpu.memory_space<vmem>> -> memref<1x1x80xi32, #tpu.memory_space<vmem>>
    %dma_start3A_17 = tpu.memref_squeeze %dma_start3A_16 : memref<1x1x80xi32, #tpu.memory_space<vmem>> -> memref<80xi32, #tpu.memory_space<vmem>>
    %dma_start3A_18 = arith.constant 0 : i32
    %dma_start3A_19 = arith.constant 0 : i32
    %dma_start3A_20 = tpu.memref_slice %arg2[%dma_start3A_18, %dma_start3A_19] : memref<10000x128xf32, #tpu.memory_space<hbm>> -> memref<10000x128xf32, #tpu.memory_space<hbm>>
    %dma_start3A_21 = tpu.memref_slice %arg10[%dma_start3A_10] : memref<4x!tpu.dma_semaphore, #tpu.memory_space<semaphore_mem>> -> memref<1x!tpu.dma_semaphore, #tpu.memory_space<semaphore_mem>>
    %dma_start3A_22 = tpu.memref_squeeze %dma_start3A_21 : memref<1x!tpu.dma_semaphore, #tpu.memory_space<semaphore_mem>> -> memref<!tpu.dma_semaphore, #tpu.memory_space<semaphore_mem>>
    tpu.enqueue_indirect_dma source(%dma_start3A_20 : memref<10000x128xf32, #tpu.memory_space<hbm>>) target(%dma_start3A_14 : memref<80x128xf32, #tpu.memory_space<vmem>>) offsets(%dma_start3A_17 : memref<80xi32, #tpu.memory_space<vmem>>) semaphore(%dma_start3A_22 : memref<!tpu.dma_semaphore, #tpu.memory_space<semaphore_mem>>)
    %dma_start3A_23 = arith.constant 1 : i32
    %dma_start3A_24 = arith.constant 0 : i32
    %dma_start3A_25 = arith.constant 1 : i32
    %dma_start3A_26 = arith.constant 1 : i32
    %dma_start3A_27 = arith.constant 0 : i32
    %dma_start3A_28 = arith.constant 0 : i32
    %dma_start3A_29 = tpu.memref_slice %arg7[%dma_start3A_25, %dma_start3A_27, %dma_start3A_28] : memref<4x80x128xf32, #tpu.memory_space<vmem>> -> memref<1x80x128xf32, #tpu.memory_space<vmem>>
    %dma_start3A_30 = tpu.memref_squeeze %dma_start3A_29 : memref<1x80x128xf32, #tpu.memory_space<vmem>> -> memref<80x128xf32, #tpu.memory_space<vmem>>
    %dma_start3A_31 = arith.constant 0 : i32
    %dma_start3A_32 = tpu.memref_slice %arg6[%dma_start3A_23, %dma_start3A_24, %dma_start3A_31] : memref<8x2x80xi32, #tpu.memory_space<vmem>> -> memref<1x1x80xi32, #tpu.memory_space<vmem>>
    %dma_start3A_33 = tpu.memref_squeeze %dma_start3A_32 : memref<1x1x80xi32, #tpu.memory_space<vmem>> -> memref<80xi32, #tpu.memory_space<vmem>>
    %dma_start3A_34 = arith.constant 0 : i32
    %dma_start3A_35 = arith.constant 0 : i32
    %dma_start3A_36 = tpu.memref_slice %arg2[%dma_start3A_34, %dma_start3A_35] : memref<10000x128xf32, #tpu.memory_space<hbm>> -> memref<10000x128xf32, #tpu.memory_space<hbm>>
    %dma_start3A_37 = tpu.memref_slice %arg10[%dma_start3A_26] : memref<4x!tpu.dma_semaphore, #tpu.memory_space<semaphore_mem>> -> memref<1x!tpu.dma_semaphore, #tpu.memory_space<semaphore_mem>>
    %dma_start3A_38 = tpu.memref_squeeze %dma_start3A_37 : memref<1x!tpu.dma_semaphore, #tpu.memory_space<semaphore_mem>> -> memref<!tpu.dma_semaphore, #tpu.memory_space<semaphore_mem>>
    tpu.enqueue_indirect_dma source(%dma_start3A_36 : memref<10000x128xf32, #tpu.memory_space<hbm>>) target(%dma_start3A_30 : memref<80x128xf32, #tpu.memory_space<vmem>>) offsets(%dma_start3A_33 : memref<80xi32, #tpu.memory_space<vmem>>) semaphore(%dma_start3A_38 : memref<!tpu.dma_semaphore, #tpu.memory_space<semaphore_mem>>)
    %barrier3A = arith.constant 0 : index
    tpu.barrier barrier_id(%barrier3A)
    %scan3A = arith.constant 0 : i32
    %scan3A_39 = arith.constant 0 : i32
    %scan3A_40 = arith.constant 125 : i32
    %scan3A_41 = arith.addi %scan3A_39, %scan3A_40 : i32
    %scan3A_42 = arith.constant 1 : i32
    %scan3A_43 = scf.for %scan3A_55 = %scan3A_39 to %scan3A_41 step %scan3A_42 iter_args(%scan3A_56 = %scan3A) -> (i32)  : i32 {
      %rem3A = arith.constant 4 : i32
      %rem3A_57 = arith.remsi %scan3A_55, %rem3A : i32
      %rem3A_58 = arith.constant 8 : i32
      %rem3A_59 = arith.remsi %scan3A_55, %rem3A_58 : i32
      %dma_wait3A = arith.constant 0 : i32
      %dma_wait3A_60 = arith.constant 0 : i32
      %dma_wait3A_61 = arith.constant 0 : i32
      %dma_wait3A_62 = tpu.memref_slice %arg7[%rem3A_57, %dma_wait3A_60, %dma_wait3A_61] : memref<4x80x128xf32, #tpu.memory_space<vmem>> -> memref<1x80x128xf32, #tpu.memory_space<vmem>>
      %dma_wait3A_63 = tpu.memref_squeeze %dma_wait3A_62 : memref<1x80x128xf32, #tpu.memory_space<vmem>> -> memref<80x128xf32, #tpu.memory_space<vmem>>
      %dma_wait3A_64 = arith.constant 0 : i32
      %dma_wait3A_65 = tpu.memref_slice %arg6[%rem3A_59, %dma_wait3A, %dma_wait3A_64] : memref<8x2x80xi32, #tpu.memory_space<vmem>> -> memref<1x1x80xi32, #tpu.memory_space<vmem>>
      %dma_wait3A_66 = tpu.memref_squeeze %dma_wait3A_65 : memref<1x1x80xi32, #tpu.memory_space<vmem>> -> memref<80xi32, #tpu.memory_space<vmem>>
      %dma_wait3A_67 = arith.constant 0 : i32
      %dma_wait3A_68 = arith.constant 0 : i32
      %dma_wait3A_69 = tpu.memref_slice %arg2[%dma_wait3A_67, %dma_wait3A_68] : memref<10000x128xf32, #tpu.memory_space<hbm>> -> memref<10000x128xf32, #tpu.memory_space<hbm>>
      %dma_wait3A_70 = tpu.memref_slice %arg10[%rem3A_57] : memref<4x!tpu.dma_semaphore, #tpu.memory_space<semaphore_mem>> -> memref<1x!tpu.dma_semaphore, #tpu.memory_space<semaphore_mem>>
      %dma_wait3A_71 = tpu.memref_squeeze %dma_wait3A_70 : memref<1x!tpu.dma_semaphore, #tpu.memory_space<semaphore_mem>> -> memref<!tpu.dma_semaphore, #tpu.memory_space<semaphore_mem>>
      tpu.wait_indirect_dma semaphore(%dma_wait3A_71 : memref<!tpu.dma_semaphore, #tpu.memory_space<semaphore_mem>>) src(%dma_wait3A_69 : memref<10000x128xf32, #tpu.memory_space<hbm>>) dst(%dma_wait3A_63 : memref<80x128xf32, #tpu.memory_space<vmem>>)
      %dma_start3A_72 = arith.constant 1 : i32
      %dma_start3A_73 = arith.constant 0 : i32
      %dma_start3A_74 = arith.constant 0 : i32
      %dma_start3A_75 = tpu.memref_slice %arg7[%rem3A_57, %dma_start3A_73, %dma_start3A_74] : memref<4x80x128xf32, #tpu.memory_space<vmem>> -> memref<1x80x128xf32, #tpu.memory_space<vmem>>
      %dma_start3A_76 = tpu.memref_squeeze %dma_start3A_75 : memref<1x80x128xf32, #tpu.memory_space<vmem>> -> memref<80x128xf32, #tpu.memory_space<vmem>>
      %dma_start3A_77 = arith.constant 0 : i32
      %dma_start3A_78 = tpu.memref_slice %arg6[%rem3A_59, %dma_start3A_72, %dma_start3A_77] : memref<8x2x80xi32, #tpu.memory_space<vmem>> -> memref<1x1x80xi32, #tpu.memory_space<vmem>>
      %dma_start3A_79 = tpu.memref_squeeze %dma_start3A_78 : memref<1x1x80xi32, #tpu.memory_space<vmem>> -> memref<80xi32, #tpu.memory_space<vmem>>
      %dma_start3A_80 = arith.constant 0 : i32
      %dma_start3A_81 = arith.constant 0 : i32
      %dma_start3A_82 = tpu.memref_slice %arg8[%dma_start3A_80, %dma_start3A_81] : memref<10240x128xf32, #tpu.memory_space<vmem_shared>> -> memref<10240x128xf32, #tpu.memory_space<vmem_shared>>
      %dma_start3A_83 = tpu.memref_slice %arg11[%rem3A_57] : memref<4x!tpu.dma_semaphore, #tpu.memory_space<semaphore_mem>> -> memref<1x!tpu.dma_semaphore, #tpu.memory_space<semaphore_mem>>
      %dma_start3A_84 = tpu.memref_squeeze %dma_start3A_83 : memref<1x!tpu.dma_semaphore, #tpu.memory_space<semaphore_mem>> -> memref<!tpu.dma_semaphore, #tpu.memory_space<semaphore_mem>>
      tpu.enqueue_indirect_dma source(%dma_start3A_76 : memref<80x128xf32, #tpu.memory_space<vmem>>) target(%dma_start3A_82 : memref<10240x128xf32, #tpu.memory_space<vmem_shared>>) offsets(%dma_start3A_79 : memref<80xi32, #tpu.memory_space<vmem>>) semaphore(%dma_start3A_84 : memref<!tpu.dma_semaphore, #tpu.memory_space<semaphore_mem>>) {add = true}
      %add3A_85 = arith.constant 2 : i32
      %add3A_86 = arith.addi %scan3A_55, %add3A_85 : i32
      %rem3A_87 = arith.constant 4 : i32
      %rem3A_88 = arith.remsi %add3A_86, %rem3A_87 : i32
      %rem3A_89 = arith.constant 8 : i32
      %rem3A_90 = arith.remsi %add3A_86, %rem3A_89 : i32
      %lt3A = arith.constant 125 : i32
      %lt3A_91 = arith.cmpi slt, %add3A_86, %lt3A : i32
      %convert_element_type3A = arith.extui %lt3A_91 : i1 to i32
      %cond3A = arith.constant 0 : i32
      %cond3A_92 = arith.cmpi ne, %convert_element_type3A, %cond3A : i32
      scf.if %cond3A_92 {
        %ge3A = arith.constant 4 : i32
        %ge3A_103 = arith.cmpi sge, %add3A_86, %ge3A : i32
        %convert_element_type3A_104 = arith.extui %ge3A_103 : i1 to i32
        %cond3A_105 = arith.constant 0 : i32
        %cond3A_106 = arith.cmpi ne, %convert_element_type3A_104, %cond3A_105 : i32
        scf.if %cond3A_106 {
          %sub3A = arith.constant 4 : i32
          %sub3A_124 = arith.subi %add3A_86, %sub3A : i32
          %rem3A_125 = arith.constant 8 : i32
          %rem3A_126 = arith.remsi %sub3A_124, %rem3A_125 : i32
          %dma_wait3A_127 = arith.constant 1 : i32
          %dma_wait3A_128 = arith.constant 0 : i32
          %dma_wait3A_129 = arith.constant 0 : i32
          %dma_wait3A_130 = tpu.memref_slice %arg7[%rem3A_88, %dma_wait3A_128, %dma_wait3A_129] : memref<4x80x128xf32, #tpu.memory_space<vmem>> -> memref<1x80x128xf32, #tpu.memory_space<vmem>>
          %dma_wait3A_131 = tpu.memref_squeeze %dma_wait3A_130 : memref<1x80x128xf32, #tpu.memory_space<vmem>> -> memref<80x128xf32, #tpu.memory_space<vmem>>
          %dma_wait3A_132 = arith.constant 0 : i32
          %dma_wait3A_133 = tpu.memref_slice %arg6[%rem3A_126, %dma_wait3A_127, %dma_wait3A_132] : memref<8x2x80xi32, #tpu.memory_space<vmem>> -> memref<1x1x80xi32, #tpu.memory_space<vmem>>
          %dma_wait3A_134 = tpu.memref_squeeze %dma_wait3A_133 : memref<1x1x80xi32, #tpu.memory_space<vmem>> -> memref<80xi32, #tpu.memory_space<vmem>>
          %dma_wait3A_135 = arith.constant 0 : i32
          %dma_wait3A_136 = arith.constant 0 : i32
          %dma_wait3A_137 = tpu.memref_slice %arg8[%dma_wait3A_135, %dma_wait3A_136] : memref<10240x128xf32, #tpu.memory_space<vmem_shared>> -> memref<10240x128xf32, #tpu.memory_space<vmem_shared>>
          %dma_wait3A_138 = tpu.memref_slice %arg11[%rem3A_88] : memref<4x!tpu.dma_semaphore, #tpu.memory_space<semaphore_mem>> -> memref<1x!tpu.dma_semaphore, #tpu.memory_space<semaphore_mem>>
          %dma_wait3A_139 = tpu.memref_squeeze %dma_wait3A_138 : memref<1x!tpu.dma_semaphore, #tpu.memory_space<semaphore_mem>> -> memref<!tpu.dma_semaphore, #tpu.memory_space<semaphore_mem>>
          tpu.wait_indirect_dma semaphore(%dma_wait3A_139 : memref<!tpu.dma_semaphore, #tpu.memory_space<semaphore_mem>>) src(%dma_wait3A_131 : memref<80x128xf32, #tpu.memory_space<vmem>>) dst(%dma_wait3A_137 : memref<10240x128xf32, #tpu.memory_space<vmem_shared>>)
        } else {
        }
        %gt3A = arith.constant 2 : i32
        %gt3A_107 = arith.cmpi sgt, %add3A_86, %gt3A : i32
        %convert_element_type3A_108 = arith.extui %gt3A_107 : i1 to i32
        %cond3A_109 = arith.constant 0 : i32
        %cond3A_110 = arith.cmpi ne, %convert_element_type3A_108, %cond3A_109 : i32
        scf.if %cond3A_110 {
          %dma_wait3A_124 = arith.constant 0 : i32
          %dma_wait3A_125 = arith.constant 0 : i32
          %dma_wait3A_126 = tpu.memref_slice %arg6[%rem3A_90, %dma_wait3A_124, %dma_wait3A_125] : memref<8x2x80xi32, #tpu.memory_space<vmem>> -> memref<1x2x80xi32, #tpu.memory_space<vmem>>
          %dma_wait3A_127 = tpu.memref_squeeze %dma_wait3A_126 : memref<1x2x80xi32, #tpu.memory_space<vmem>> -> memref<2x80xi32, #tpu.memory_space<vmem>>
          %dma_wait3A_128 = arith.constant 0 : i32
          %dma_wait3A_129 = arith.constant 0 : i32
          %dma_wait3A_130 = tpu.memref_slice %arg3[%add3A, %add3A_86, %dma_wait3A_128, %dma_wait3A_129] : memref<32x125x2x80xi32, #tpu.memory_space<hbm>> -> memref<1x1x2x80xi32, #tpu.memory_space<hbm>>
          %dma_wait3A_131 = tpu.memref_squeeze %dma_wait3A_130 : memref<1x1x2x80xi32, #tpu.memory_space<hbm>> -> memref<2x80xi32, #tpu.memory_space<hbm>>
          %dma_wait3A_132 = tpu.memref_slice %arg9[%rem3A_90] : memref<8x!tpu.dma_semaphore, #tpu.memory_space<semaphore_mem>> -> memref<1x!tpu.dma_semaphore, #tpu.memory_space<semaphore_mem>>
          %dma_wait3A_133 = tpu.memref_squeeze %dma_wait3A_132 : memref<1x!tpu.dma_semaphore, #tpu.memory_space<semaphore_mem>> -> memref<!tpu.dma_semaphore, #tpu.memory_space<semaphore_mem>>
          %dma_wait3A_134 = arith.constant 0 : i32
          %dma_wait3A_135 = arith.constant 0 : i32
          %dma_wait3A_136 = tpu.memref_slice %arg6[%rem3A_90, %dma_wait3A_134, %dma_wait3A_135] : memref<8x2x80xi32, #tpu.memory_space<vmem>> -> memref<1x2x80xi32, #tpu.memory_space<vmem>>
          %dma_wait3A_137 = tpu.memref_squeeze %dma_wait3A_136 : memref<1x2x80xi32, #tpu.memory_space<vmem>> -> memref<2x80xi32, #tpu.memory_space<vmem>>
          %dma_wait3A_138 = arith.constant 0 : i32
          %dma_wait3A_139 = arith.constant 0 : i32
          %dma_wait3A_140 = tpu.memref_slice %arg3[%add3A, %add3A_86, %dma_wait3A_138, %dma_wait3A_139] : memref<32x125x2x80xi32, #tpu.memory_space<hbm>> -> memref<1x1x2x80xi32, #tpu.memory_space<hbm>>
          %dma_wait3A_141 = tpu.memref_squeeze %dma_wait3A_140 : memref<1x1x2x80xi32, #tpu.memory_space<hbm>> -> memref<2x80xi32, #tpu.memory_space<hbm>>
          tpu.wait_dma2 semaphore(%dma_wait3A_133 : memref<!tpu.dma_semaphore, #tpu.memory_space<semaphore_mem>>) src(%dma_wait3A_141 : memref<2x80xi32, #tpu.memory_space<hbm>>) dst(%dma_wait3A_137 : memref<2x80xi32, #tpu.memory_space<vmem>>)
        } else {
        }
        %dma_start3A_111 = arith.constant 0 : i32
        %dma_start3A_112 = arith.constant 0 : i32
        %dma_start3A_113 = arith.constant 0 : i32
        %dma_start3A_114 = tpu.memref_slice %arg7[%rem3A_88, %dma_start3A_112, %dma_start3A_113] : memref<4x80x128xf32, #tpu.memory_space<vmem>> -> memref<1x80x128xf32, #tpu.memory_space<vmem>>
        %dma_start3A_115 = tpu.memref_squeeze %dma_start3A_114 : memref<1x80x128xf32, #tpu.memory_space<vmem>> -> memref<80x128xf32, #tpu.memory_space<vmem>>
        %dma_start3A_116 = arith.constant 0 : i32
        %dma_start3A_117 = tpu.memref_slice %arg6[%rem3A_90, %dma_start3A_111, %dma_start3A_116] : memref<8x2x80xi32, #tpu.memory_space<vmem>> -> memref<1x1x80xi32, #tpu.memory_space<vmem>>
        %dma_start3A_118 = tpu.memref_squeeze %dma_start3A_117 : memref<1x1x80xi32, #tpu.memory_space<vmem>> -> memref<80xi32, #tpu.memory_space<vmem>>
        %dma_start3A_119 = arith.constant 0 : i32
        %dma_start3A_120 = arith.constant 0 : i32
        %dma_start3A_121 = tpu.memref_slice %arg2[%dma_start3A_119, %dma_start3A_120] : memref<10000x128xf32, #tpu.memory_space<hbm>> -> memref<10000x128xf32, #tpu.memory_space<hbm>>
        %dma_start3A_122 = tpu.memref_slice %arg10[%rem3A_88] : memref<4x!tpu.dma_semaphore, #tpu.memory_space<semaphore_mem>> -> memref<1x!tpu.dma_semaphore, #tpu.memory_space<semaphore_mem>>
        %dma_start3A_123 = tpu.memref_squeeze %dma_start3A_122 : memref<1x!tpu.dma_semaphore, #tpu.memory_space<semaphore_mem>> -> memref<!tpu.dma_semaphore, #tpu.memory_space<semaphore_mem>>
        tpu.enqueue_indirect_dma source(%dma_start3A_121 : memref<10000x128xf32, #tpu.memory_space<hbm>>) target(%dma_start3A_115 : memref<80x128xf32, #tpu.memory_space<vmem>>) offsets(%dma_start3A_118 : memref<80xi32, #tpu.memory_space<vmem>>) semaphore(%dma_start3A_123 : memref<!tpu.dma_semaphore, #tpu.memory_space<semaphore_mem>>)
      } else {
      }
      %add3A_93 = arith.constant 2 : i32
      %add3A_94 = arith.addi %scan3A_55, %add3A_93 : i32
      %add3A_95 = arith.constant 1 : i32
      %add3A_96 = arith.addi %add3A_94, %add3A_95 : i32
      %lt3A_97 = arith.constant 125 : i32
      %lt3A_98 = arith.cmpi slt, %add3A_96, %lt3A_97 : i32
      %convert_element_type3A_99 = arith.extui %lt3A_98 : i1 to i32
      %cond3A_100 = arith.constant 0 : i32
      %cond3A_101 = arith.cmpi ne, %convert_element_type3A_99, %cond3A_100 : i32
      scf.if %cond3A_101 {
        %rem3A_103 = arith.constant 8 : i32
        %rem3A_104 = arith.remsi %add3A_96, %rem3A_103 : i32
        %rem3A_105 = arith.constant 8 : i32
        %rem3A_106 = arith.remsi %add3A_96, %rem3A_105 : i32
        %dma_start3A_107 = arith.constant 0 : i32
        %dma_start3A_108 = arith.constant 0 : i32
        %dma_start3A_109 = tpu.memref_slice %arg6[%rem3A_104, %dma_start3A_107, %dma_start3A_108] : memref<8x2x80xi32, #tpu.memory_space<vmem>> -> memref<1x2x80xi32, #tpu.memory_space<vmem>>
        %dma_start3A_110 = tpu.memref_squeeze %dma_start3A_109 : memref<1x2x80xi32, #tpu.memory_space<vmem>> -> memref<2x80xi32, #tpu.memory_space<vmem>>
        %dma_start3A_111 = arith.constant 0 : i32
        %dma_start3A_112 = arith.constant 0 : i32
        %dma_start3A_113 = tpu.memref_slice %arg3[%add3A, %add3A_96, %dma_start3A_111, %dma_start3A_112] : memref<32x125x2x80xi32, #tpu.memory_space<hbm>> -> memref<1x1x2x80xi32, #tpu.memory_space<hbm>>
        %dma_start3A_114 = tpu.memref_squeeze %dma_start3A_113 : memref<1x1x2x80xi32, #tpu.memory_space<hbm>> -> memref<2x80xi32, #tpu.memory_space<hbm>>
        %dma_start3A_115 = tpu.memref_slice %arg9[%rem3A_106] : memref<8x!tpu.dma_semaphore, #tpu.memory_space<semaphore_mem>> -> memref<1x!tpu.dma_semaphore, #tpu.memory_space<semaphore_mem>>
        %dma_start3A_116 = tpu.memref_squeeze %dma_start3A_115 : memref<1x!tpu.dma_semaphore, #tpu.memory_space<semaphore_mem>> -> memref<!tpu.dma_semaphore, #tpu.memory_space<semaphore_mem>>
        %dma_start3A_117 = arith.constant 0 : i32
        %dma_start3A_118 = arith.constant 0 : i32
        %dma_start3A_119 = tpu.memref_slice %arg6[%rem3A_104, %dma_start3A_117, %dma_start3A_118] : memref<8x2x80xi32, #tpu.memory_space<vmem>> -> memref<1x2x80xi32, #tpu.memory_space<vmem>>
        %dma_start3A_120 = tpu.memref_squeeze %dma_start3A_119 : memref<1x2x80xi32, #tpu.memory_space<vmem>> -> memref<2x80xi32, #tpu.memory_space<vmem>>
        %dma_start3A_121 = arith.constant 0 : i32
        %dma_start3A_122 = arith.constant 0 : i32
        %dma_start3A_123 = tpu.memref_slice %arg3[%add3A, %add3A_96, %dma_start3A_121, %dma_start3A_122] : memref<32x125x2x80xi32, #tpu.memory_space<hbm>> -> memref<1x1x2x80xi32, #tpu.memory_space<hbm>>
        %dma_start3A_124 = tpu.memref_squeeze %dma_start3A_123 : memref<1x1x2x80xi32, #tpu.memory_space<hbm>> -> memref<2x80xi32, #tpu.memory_space<hbm>>
        tpu.enqueue_dma source(%dma_start3A_124 : memref<2x80xi32, #tpu.memory_space<hbm>>) target(%dma_start3A_120 : memref<2x80xi32, #tpu.memory_space<vmem>>) target_semaphore(%dma_start3A_116 : memref<!tpu.dma_semaphore, #tpu.memory_space<semaphore_mem>>)
      } else {
      }
      %scan3A_102 = arith.constant 0 : i32
      scf.yield %scan3A_102 : i32
    }
    %scan3A_44 = arith.constant 125 : i32
    %scan3A_45 = arith.constant 0 : i32
    %scan3A_46 = arith.constant 0 : i32
    %scan3A_47 = arith.constant 4 : i32
    %scan3A_48 = arith.addi %scan3A_46, %scan3A_47 : i32
    %scan3A_49 = arith.constant 1 : i32
    %scan3A_50 = scf.for %scan3A_55 = %scan3A_46 to %scan3A_48 step %scan3A_49 iter_args(%scan3A_56 = %scan3A_45) -> (i32)  : i32 {
      %add3A_57 = arith.constant 121 : i32
      %add3A_58 = arith.addi %add3A_57, %scan3A_55 : i32
      %rem3A = arith.constant 4 : i32
      %rem3A_59 = arith.remsi %add3A_58, %rem3A : i32
      %rem3A_60 = arith.constant 8 : i32
      %rem3A_61 = arith.remsi %add3A_58, %rem3A_60 : i32
      %dma_wait3A = arith.constant 1 : i32
      %dma_wait3A_62 = arith.constant 0 : i32
      %dma_wait3A_63 = arith.constant 0 : i32
      %dma_wait3A_64 = tpu.memref_slice %arg7[%rem3A_59, %dma_wait3A_62, %dma_wait3A_63] : memref<4x80x128xf32, #tpu.memory_space<vmem>> -> memref<1x80x128xf32, #tpu.memory_space<vmem>>
      %dma_wait3A_65 = tpu.memref_squeeze %dma_wait3A_64 : memref<1x80x128xf32, #tpu.memory_space<vmem>> -> memref<80x128xf32, #tpu.memory_space<vmem>>
      %dma_wait3A_66 = arith.constant 0 : i32
      %dma_wait3A_67 = tpu.memref_slice %arg6[%rem3A_61, %dma_wait3A, %dma_wait3A_66] : memref<8x2x80xi32, #tpu.memory_space<vmem>> -> memref<1x1x80xi32, #tpu.memory_space<vmem>>
      %dma_wait3A_68 = tpu.memref_squeeze %dma_wait3A_67 : memref<1x1x80xi32, #tpu.memory_space<vmem>> -> memref<80xi32, #tpu.memory_space<vmem>>
      %dma_wait3A_69 = arith.constant 0 : i32
      %dma_wait3A_70 = arith.constant 0 : i32
      %dma_wait3A_71 = tpu.memref_slice %arg8[%dma_wait3A_69, %dma_wait3A_70] : memref<10240x128xf32, #tpu.memory_space<vmem_shared>> -> memref<10240x128xf32, #tpu.memory_space<vmem_shared>>
      %dma_wait3A_72 = tpu.memref_slice %arg11[%rem3A_59] : memref<4x!tpu.dma_semaphore, #tpu.memory_space<semaphore_mem>> -> memref<1x!tpu.dma_semaphore, #tpu.memory_space<semaphore_mem>>
      %dma_wait3A_73 = tpu.memref_squeeze %dma_wait3A_72 : memref<1x!tpu.dma_semaphore, #tpu.memory_space<semaphore_mem>> -> memref<!tpu.dma_semaphore, #tpu.memory_space<semaphore_mem>>
      tpu.wait_indirect_dma semaphore(%dma_wait3A_73 : memref<!tpu.dma_semaphore, #tpu.memory_space<semaphore_mem>>) src(%dma_wait3A_65 : memref<80x128xf32, #tpu.memory_space<vmem>>) dst(%dma_wait3A_71 : memref<10240x128xf32, #tpu.memory_space<vmem_shared>>)
      %scan3A_74 = arith.constant 0 : i32
      scf.yield %scan3A_74 : i32
    }
    %scan3A_51 = arith.constant 4 : i32
    %barrier3A_52 = arith.constant 0 : index
    tpu.barrier barrier_id(%barrier3A_52)
    %mul3A_53 = arith.constant 640 : i32
    %mul3A_54 = arith.muli %arg1, %mul3A_53 : i32
    "tpu.region"() ({
      %run_scoped3A_55 = tpu.sem_alloc : memref<!tpu.dma_semaphore, #tpu.memory_space<semaphore_mem>>
      %dma_start3A_56 = arith.constant 0 : i32
      %dma_start3A_57 = tpu.memref_slice %arg5[%arg0, %mul3A_54, %dma_start3A_56] : memref<2x10240x128xf32, #tpu.memory_space<hbm>> -> memref<1x640x128xf32, #tpu.memory_space<hbm>>
      %dma_start3A_58 = tpu.memref_squeeze %dma_start3A_57 : memref<1x640x128xf32, #tpu.memory_space<hbm>> -> memref<640x128xf32, #tpu.memory_space<hbm>>
      %dma_start3A_59 = arith.constant 0 : i32
      %dma_start3A_60 = tpu.memref_slice %arg8[%mul3A_54, %dma_start3A_59] : memref<10240x128xf32, #tpu.memory_space<vmem_shared>> -> memref<640x128xf32, #tpu.memory_space<vmem_shared>>
      tpu.enqueue_dma source(%dma_start3A_60 : memref<640x128xf32, #tpu.memory_space<vmem_shared>>) target(%dma_start3A_58 : memref<640x128xf32, #tpu.memory_space<hbm>>) target_semaphore(%run_scoped3A_55 : memref<!tpu.dma_semaphore, #tpu.memory_space<semaphore_mem>>)
      %dma_wait3A = arith.constant 0 : i32
      %dma_wait3A_61 = tpu.memref_slice %arg5[%arg0, %mul3A_54, %dma_wait3A] : memref<2x10240x128xf32, #tpu.memory_space<hbm>> -> memref<1x640x128xf32, #tpu.memory_space<hbm>>
      %dma_wait3A_62 = tpu.memref_squeeze %dma_wait3A_61 : memref<1x640x128xf32, #tpu.memory_space<hbm>> -> memref<640x128xf32, #tpu.memory_space<hbm>>
      %dma_wait3A_63 = arith.constant 0 : i32
      %dma_wait3A_64 = tpu.memref_slice %arg8[%mul3A_54, %dma_wait3A_63] : memref<10240x128xf32, #tpu.memory_space<vmem_shared>> -> memref<640x128xf32, #tpu.memory_space<vmem_shared>>
      tpu.wait_dma2 semaphore(%run_scoped3A_55 : memref<!tpu.dma_semaphore, #tpu.memory_space<semaphore_mem>>) src(%dma_wait3A_64 : memref<640x128xf32, #tpu.memory_space<vmem_shared>>) dst(%dma_wait3A_62 : memref<640x128xf32, #tpu.memory_space<hbm>>)
      tpu.yield
    }) : () -> ()
    return
  }
}

#map = affine_map<(d0, d1) -> (0, 0)>
#map1 = affine_map<(d0, d1) -> (0, 0, 0, 0)>
#map2 = affine_map<(d0, d1) -> (0, 0, 0)>
module attributes {stable_mosaic.version = 14 : i64} {
  func.func @_agg(%arg0: i32, %arg1: i32, %arg2: memref<10000x128xf32, #tpu.memory_space<hbm>>, %arg3: memref<32x125x2x80xi32, #tpu.memory_space<hbm>>, %arg4: memref<640x128xf32, #tpu.memory_space<hbm>>, %arg5: memref<2x10240x128xf32, #tpu.memory_space<hbm>>, %arg6: memref<8x2x80xi32, #tpu.memory_space<vmem>>, %arg7: memref<4x80x128xf32, #tpu.memory_space<vmem>>, %arg8: memref<10240x128xf32, #tpu.memory_space<vmem_shared>>, %arg9: memref<8x!tpu.dma_semaphore, #tpu.memory_space<semaphore_mem>>, %arg10: memref<4x!tpu.dma_semaphore, #tpu.memory_space<semaphore_mem>>, %arg11: memref<4x!tpu.dma_semaphore, #tpu.memory_space<semaphore_mem>>) attributes {dimension_semantics = [#tpu.dimension_semantics<core_parallel>, #tpu.dimension_semantics<subcore_parallel>], iteration_bounds = array<i64: 2, 16>, scalar_prefetch = 0 : i64, scratch_operands = 6 : i64, tpu.core_type = #tpu.core_type<sc_vector_subcore>, window_params = [{transform_indices = #map}, {transform_indices = #map1}, {transform_indices = #map}, {transform_indices = #map2}]} {
    %mul3A = arith.constant 16 : i32
    %mul3A_0 = arith.muli %arg0, %mul3A : i32
    %add3A = arith.addi %mul3A_0, %arg1 : i32
    %mul3A_1 = arith.constant 640 : i32
    %mul3A_2 = arith.muli %arg1, %mul3A_1 : i32
    "tpu.region"() ({
      %run_scoped3A_55 = tpu.sem_alloc : memref<!tpu.dma_semaphore, #tpu.memory_space<semaphore_mem>>
      %dma_start3A_56 = arith.constant 0 : i32
      %dma_start3A_57 = tpu.memref_slice %arg8[%mul3A_2, %dma_start3A_56] : memref<10240x128xf32, #tpu.memory_space<vmem_shared>> -> memref<640x128xf32, #tpu.memory_space<vmem_shared>>
      tpu.enqueue_dma source(%arg4 : memref<640x128xf32, #tpu.memory_space<hbm>>) target(%dma_start3A_57 : memref<640x128xf32, #tpu.memory_space<vmem_shared>>) target_semaphore(%run_scoped3A_55 : memref<!tpu.dma_semaphore, #tpu.memory_space<semaphore_mem>>)
      %dma_wait3A = arith.constant 0 : i32
      %dma_wait3A_58 = tpu.memref_slice %arg8[%mul3A_2, %dma_wait3A] : memref<10240x128xf32, #tpu.memory_space<vmem_shared>> -> memref<640x128xf32, #tpu.memory_space<vmem_shared>>
      tpu.wait_dma2 semaphore(%run_scoped3A_55 : memref<!tpu.dma_semaphore, #tpu.memory_space<semaphore_mem>>) src(%arg4 : memref<640x128xf32, #tpu.memory_space<hbm>>) dst(%dma_wait3A_58 : memref<640x128xf32, #tpu.memory_space<vmem_shared>>)
      tpu.yield
    }) : () -> ()
    %run_scoped3A = arith.constant 0 : i32
    %run_scoped3A_3 = arith.constant 0 : i32
    "tpu.region"() ({
      %run_scoped3A_55 = tpu.sem_alloc : memref<!tpu.dma_semaphore, #tpu.memory_space<semaphore_mem>>
      %dma_start3A_56 = arith.constant 0 : i32
      %dma_start3A_57 = arith.constant 0 : i32
      %dma_start3A_58 = tpu.memref_slice %arg6[%run_scoped3A_3, %dma_start3A_56, %dma_start3A_57] : memref<8x2x80xi32, #tpu.memory_space<vmem>> -> memref<1x2x80xi32, #tpu.memory_space<vmem>>
      %dma_start3A_59 = tpu.memref_squeeze %dma_start3A_58 : memref<1x2x80xi32, #tpu.memory_space<vmem>> -> memref<2x80xi32, #tpu.memory_space<vmem>>
      %dma_start3A_60 = arith.constant 0 : i32
      %dma_start3A_61 = arith.constant 0 : i32
      %dma_start3A_62 = tpu.memref_slice %arg3[%add3A, %run_scoped3A, %dma_start3A_60, %dma_start3A_61] : memref<32x125x2x80xi32, #tpu.memory_space<hbm>> -> memref<1x1x2x80xi32, #tpu.memory_space<hbm>>
      %dma_start3A_63 = tpu.memref_squeeze %dma_start3A_62 : memref<1x1x2x80xi32, #tpu.memory_space<hbm>> -> memref<2x80xi32, #tpu.memory_space<hbm>>
      %dma_start3A_64 = arith.constant 0 : i32
      %dma_start3A_65 = arith.constant 0 : i32
      %dma_start3A_66 = tpu.memref_slice %arg6[%run_scoped3A_3, %dma_start3A_64, %dma_start3A_65] : memref<8x2x80xi32, #tpu.memory_space<vmem>> -> memref<1x2x80xi32, #tpu.memory_space<vmem>>
      %dma_start3A_67 = tpu.memref_squeeze %dma_start3A_66 : memref<1x2x80xi32, #tpu.memory_space<vmem>> -> memref<2x80xi32, #tpu.memory_space<vmem>>
      %dma_start3A_68 = arith.constant 0 : i32
      %dma_start3A_69 = arith.constant 0 : i32
      %dma_start3A_70 = tpu.memref_slice %arg3[%add3A, %run_scoped3A, %dma_start3A_68, %dma_start3A_69] : memref<32x125x2x80xi32, #tpu.memory_space<hbm>> -> memref<1x1x2x80xi32, #tpu.memory_space<hbm>>
      %dma_start3A_71 = tpu.memref_squeeze %dma_start3A_70 : memref<1x1x2x80xi32, #tpu.memory_space<hbm>> -> memref<2x80xi32, #tpu.memory_space<hbm>>
      tpu.enqueue_dma source(%dma_start3A_71 : memref<2x80xi32, #tpu.memory_space<hbm>>) target(%dma_start3A_67 : memref<2x80xi32, #tpu.memory_space<vmem>>) target_semaphore(%run_scoped3A_55 : memref<!tpu.dma_semaphore, #tpu.memory_space<semaphore_mem>>)
      %dma_wait3A = arith.constant 0 : i32
      %dma_wait3A_72 = arith.constant 0 : i32
      %dma_wait3A_73 = tpu.memref_slice %arg6[%run_scoped3A_3, %dma_wait3A, %dma_wait3A_72] : memref<8x2x80xi32, #tpu.memory_space<vmem>> -> memref<1x2x80xi32, #tpu.memory_space<vmem>>
      %dma_wait3A_74 = tpu.memref_squeeze %dma_wait3A_73 : memref<1x2x80xi32, #tpu.memory_space<vmem>> -> memref<2x80xi32, #tpu.memory_space<vmem>>
      %dma_wait3A_75 = arith.constant 0 : i32
      %dma_wait3A_76 = arith.constant 0 : i32
      %dma_wait3A_77 = tpu.memref_slice %arg3[%add3A, %run_scoped3A, %dma_wait3A_75, %dma_wait3A_76] : memref<32x125x2x80xi32, #tpu.memory_space<hbm>> -> memref<1x1x2x80xi32, #tpu.memory_space<hbm>>
      %dma_wait3A_78 = tpu.memref_squeeze %dma_wait3A_77 : memref<1x1x2x80xi32, #tpu.memory_space<hbm>> -> memref<2x80xi32, #tpu.memory_space<hbm>>
      %dma_wait3A_79 = arith.constant 0 : i32
      %dma_wait3A_80 = arith.constant 0 : i32
      %dma_wait3A_81 = tpu.memref_slice %arg6[%run_scoped3A_3, %dma_wait3A_79, %dma_wait3A_80] : memref<8x2x80xi32, #tpu.memory_space<vmem>> -> memref<1x2x80xi32, #tpu.memory_space<vmem>>
      %dma_wait3A_82 = tpu.memref_squeeze %dma_wait3A_81 : memref<1x2x80xi32, #tpu.memory_space<vmem>> -> memref<2x80xi32, #tpu.memory_space<vmem>>
      %dma_wait3A_83 = arith.constant 0 : i32
      %dma_wait3A_84 = arith.constant 0 : i32
      %dma_wait3A_85 = tpu.memref_slice %arg3[%add3A, %run_scoped3A, %dma_wait3A_83, %dma_wait3A_84] : memref<32x125x2x80xi32, #tpu.memory_space<hbm>> -> memref<1x1x2x80xi32, #tpu.memory_space<hbm>>
      %dma_wait3A_86 = tpu.memref_squeeze %dma_wait3A_85 : memref<1x1x2x80xi32, #tpu.memory_space<hbm>> -> memref<2x80xi32, #tpu.memory_space<hbm>>
      tpu.wait_dma2 semaphore(%run_scoped3A_55 : memref<!tpu.dma_semaphore, #tpu.memory_space<semaphore_mem>>) src(%dma_wait3A_86 : memref<2x80xi32, #tpu.memory_space<hbm>>) dst(%dma_wait3A_82 : memref<2x80xi32, #tpu.memory_space<vmem>>)
      tpu.yield
    }) : () -> ()
    %run_scoped3A_4 = arith.constant 1 : i32
    %run_scoped3A_5 = arith.constant 1 : i32
    "tpu.region"() ({
      %run_scoped3A_55 = tpu.sem_alloc : memref<!tpu.dma_semaphore, #tpu.memory_space<semaphore_mem>>
      %dma_start3A_56 = arith.constant 0 : i32
      %dma_start3A_57 = arith.constant 0 : i32
      %dma_start3A_58 = tpu.memref_slice %arg6[%run_scoped3A_5, %dma_start3A_56, %dma_start3A_57] : memref<8x2x80xi32, #tpu.memory_space<vmem>> -> memref<1x2x80xi32, #tpu.memory_space<vmem>>
      %dma_start3A_59 = tpu.memref_squeeze %dma_start3A_58 : memref<1x2x80xi32, #tpu.memory_space<vmem>> -> memref<2x80xi32, #tpu.memory_space<vmem>>
      %dma_start3A_60 = arith.constant 0 : i32
      %dma_start3A_61 = arith.constant 0 : i32
      %dma_start3A_62 = tpu.memref_slice %arg3[%add3A, %run_scoped3A_4, %dma_start3A_60, %dma_start3A_61] : memref<32x125x2x80xi32, #tpu.memory_space<hbm>> -> memref<1x1x2x80xi32, #tpu.memory_space<hbm>>
      %dma_start3A_63 = tpu.memref_squeeze %dma_start3A_62 : memref<1x1x2x80xi32, #tpu.memory_space<hbm>> -> memref<2x80xi32, #tpu.memory_space<hbm>>
      %dma_start3A_64 = arith.constant 0 : i32
      %dma_start3A_65 = arith.constant 0 : i32
      %dma_start3A_66 = tpu.memref_slice %arg6[%run_scoped3A_5, %dma_start3A_64, %dma_start3A_65] : memref<8x2x80xi32, #tpu.memory_space<vmem>> -> memref<1x2x80xi32, #tpu.memory_space<vmem>>
      %dma_start3A_67 = tpu.memref_squeeze %dma_start3A_66 : memref<1x2x80xi32, #tpu.memory_space<vmem>> -> memref<2x80xi32, #tpu.memory_space<vmem>>
      %dma_start3A_68 = arith.constant 0 : i32
      %dma_start3A_69 = arith.constant 0 : i32
      %dma_start3A_70 = tpu.memref_slice %arg3[%add3A, %run_scoped3A_4, %dma_start3A_68, %dma_start3A_69] : memref<32x125x2x80xi32, #tpu.memory_space<hbm>> -> memref<1x1x2x80xi32, #tpu.memory_space<hbm>>
      %dma_start3A_71 = tpu.memref_squeeze %dma_start3A_70 : memref<1x1x2x80xi32, #tpu.memory_space<hbm>> -> memref<2x80xi32, #tpu.memory_space<hbm>>
      tpu.enqueue_dma source(%dma_start3A_71 : memref<2x80xi32, #tpu.memory_space<hbm>>) target(%dma_start3A_67 : memref<2x80xi32, #tpu.memory_space<vmem>>) target_semaphore(%run_scoped3A_55 : memref<!tpu.dma_semaphore, #tpu.memory_space<semaphore_mem>>)
      %dma_wait3A = arith.constant 0 : i32
      %dma_wait3A_72 = arith.constant 0 : i32
      %dma_wait3A_73 = tpu.memref_slice %arg6[%run_scoped3A_5, %dma_wait3A, %dma_wait3A_72] : memref<8x2x80xi32, #tpu.memory_space<vmem>> -> memref<1x2x80xi32, #tpu.memory_space<vmem>>
      %dma_wait3A_74 = tpu.memref_squeeze %dma_wait3A_73 : memref<1x2x80xi32, #tpu.memory_space<vmem>> -> memref<2x80xi32, #tpu.memory_space<vmem>>
      %dma_wait3A_75 = arith.constant 0 : i32
      %dma_wait3A_76 = arith.constant 0 : i32
      %dma_wait3A_77 = tpu.memref_slice %arg3[%add3A, %run_scoped3A_4, %dma_wait3A_75, %dma_wait3A_76] : memref<32x125x2x80xi32, #tpu.memory_space<hbm>> -> memref<1x1x2x80xi32, #tpu.memory_space<hbm>>
      %dma_wait3A_78 = tpu.memref_squeeze %dma_wait3A_77 : memref<1x1x2x80xi32, #tpu.memory_space<hbm>> -> memref<2x80xi32, #tpu.memory_space<hbm>>
      %dma_wait3A_79 = arith.constant 0 : i32
      %dma_wait3A_80 = arith.constant 0 : i32
      %dma_wait3A_81 = tpu.memref_slice %arg6[%run_scoped3A_5, %dma_wait3A_79, %dma_wait3A_80] : memref<8x2x80xi32, #tpu.memory_space<vmem>> -> memref<1x2x80xi32, #tpu.memory_space<vmem>>
      %dma_wait3A_82 = tpu.memref_squeeze %dma_wait3A_81 : memref<1x2x80xi32, #tpu.memory_space<vmem>> -> memref<2x80xi32, #tpu.memory_space<vmem>>
      %dma_wait3A_83 = arith.constant 0 : i32
      %dma_wait3A_84 = arith.constant 0 : i32
      %dma_wait3A_85 = tpu.memref_slice %arg3[%add3A, %run_scoped3A_4, %dma_wait3A_83, %dma_wait3A_84] : memref<32x125x2x80xi32, #tpu.memory_space<hbm>> -> memref<1x1x2x80xi32, #tpu.memory_space<hbm>>
      %dma_wait3A_86 = tpu.memref_squeeze %dma_wait3A_85 : memref<1x1x2x80xi32, #tpu.memory_space<hbm>> -> memref<2x80xi32, #tpu.memory_space<hbm>>
      tpu.wait_dma2 semaphore(%run_scoped3A_55 : memref<!tpu.dma_semaphore, #tpu.memory_space<semaphore_mem>>) src(%dma_wait3A_86 : memref<2x80xi32, #tpu.memory_space<hbm>>) dst(%dma_wait3A_82 : memref<2x80xi32, #tpu.memory_space<vmem>>)
      tpu.yield
    }) : () -> ()
    %run_scoped3A_6 = arith.constant 2 : i32
    %run_scoped3A_7 = arith.constant 2 : i32
    "tpu.region"() ({
      %run_scoped3A_55 = tpu.sem_alloc : memref<!tpu.dma_semaphore, #tpu.memory_space<semaphore_mem>>
      %dma_start3A_56 = arith.constant 0 : i32
      %dma_start3A_57 = arith.constant 0 : i32
      %dma_start3A_58 = tpu.memref_slice %arg6[%run_scoped3A_7, %dma_start3A_56, %dma_start3A_57] : memref<8x2x80xi32, #tpu.memory_space<vmem>> -> memref<1x2x80xi32, #tpu.memory_space<vmem>>
      %dma_start3A_59 = tpu.memref_squeeze %dma_start3A_58 : memref<1x2x80xi32, #tpu.memory_space<vmem>> -> memref<2x80xi32, #tpu.memory_space<vmem>>
      %dma_start3A_60 = arith.constant 0 : i32
      %dma_start3A_61 = arith.constant 0 : i32
      %dma_start3A_62 = tpu.memref_slice %arg3[%add3A, %run_scoped3A_6, %dma_start3A_60, %dma_start3A_61] : memref<32x125x2x80xi32, #tpu.memory_space<hbm>> -> memref<1x1x2x80xi32, #tpu.memory_space<hbm>>
      %dma_start3A_63 = tpu.memref_squeeze %dma_start3A_62 : memref<1x1x2x80xi32, #tpu.memory_space<hbm>> -> memref<2x80xi32, #tpu.memory_space<hbm>>
      %dma_start3A_64 = arith.constant 0 : i32
      %dma_start3A_65 = arith.constant 0 : i32
      %dma_start3A_66 = tpu.memref_slice %arg6[%run_scoped3A_7, %dma_start3A_64, %dma_start3A_65] : memref<8x2x80xi32, #tpu.memory_space<vmem>> -> memref<1x2x80xi32, #tpu.memory_space<vmem>>
      %dma_start3A_67 = tpu.memref_squeeze %dma_start3A_66 : memref<1x2x80xi32, #tpu.memory_space<vmem>> -> memref<2x80xi32, #tpu.memory_space<vmem>>
      %dma_start3A_68 = arith.constant 0 : i32
      %dma_start3A_69 = arith.constant 0 : i32
      %dma_start3A_70 = tpu.memref_slice %arg3[%add3A, %run_scoped3A_6, %dma_start3A_68, %dma_start3A_69] : memref<32x125x2x80xi32, #tpu.memory_space<hbm>> -> memref<1x1x2x80xi32, #tpu.memory_space<hbm>>
      %dma_start3A_71 = tpu.memref_squeeze %dma_start3A_70 : memref<1x1x2x80xi32, #tpu.memory_space<hbm>> -> memref<2x80xi32, #tpu.memory_space<hbm>>
      tpu.enqueue_dma source(%dma_start3A_71 : memref<2x80xi32, #tpu.memory_space<hbm>>) target(%dma_start3A_67 : memref<2x80xi32, #tpu.memory_space<vmem>>) target_semaphore(%run_scoped3A_55 : memref<!tpu.dma_semaphore, #tpu.memory_space<semaphore_mem>>)
      %dma_wait3A = arith.constant 0 : i32
      %dma_wait3A_72 = arith.constant 0 : i32
      %dma_wait3A_73 = tpu.memref_slice %arg6[%run_scoped3A_7, %dma_wait3A, %dma_wait3A_72] : memref<8x2x80xi32, #tpu.memory_space<vmem>> -> memref<1x2x80xi32, #tpu.memory_space<vmem>>
      %dma_wait3A_74 = tpu.memref_squeeze %dma_wait3A_73 : memref<1x2x80xi32, #tpu.memory_space<vmem>> -> memref<2x80xi32, #tpu.memory_space<vmem>>
      %dma_wait3A_75 = arith.constant 0 : i32
      %dma_wait3A_76 = arith.constant 0 : i32
      %dma_wait3A_77 = tpu.memref_slice %arg3[%add3A, %run_scoped3A_6, %dma_wait3A_75, %dma_wait3A_76] : memref<32x125x2x80xi32, #tpu.memory_space<hbm>> -> memref<1x1x2x80xi32, #tpu.memory_space<hbm>>
      %dma_wait3A_78 = tpu.memref_squeeze %dma_wait3A_77 : memref<1x1x2x80xi32, #tpu.memory_space<hbm>> -> memref<2x80xi32, #tpu.memory_space<hbm>>
      %dma_wait3A_79 = arith.constant 0 : i32
      %dma_wait3A_80 = arith.constant 0 : i32
      %dma_wait3A_81 = tpu.memref_slice %arg6[%run_scoped3A_7, %dma_wait3A_79, %dma_wait3A_80] : memref<8x2x80xi32, #tpu.memory_space<vmem>> -> memref<1x2x80xi32, #tpu.memory_space<vmem>>
      %dma_wait3A_82 = tpu.memref_squeeze %dma_wait3A_81 : memref<1x2x80xi32, #tpu.memory_space<vmem>> -> memref<2x80xi32, #tpu.memory_space<vmem>>
      %dma_wait3A_83 = arith.constant 0 : i32
      %dma_wait3A_84 = arith.constant 0 : i32
      %dma_wait3A_85 = tpu.memref_slice %arg3[%add3A, %run_scoped3A_6, %dma_wait3A_83, %dma_wait3A_84] : memref<32x125x2x80xi32, #tpu.memory_space<hbm>> -> memref<1x1x2x80xi32, #tpu.memory_space<hbm>>
      %dma_wait3A_86 = tpu.memref_squeeze %dma_wait3A_85 : memref<1x1x2x80xi32, #tpu.memory_space<hbm>> -> memref<2x80xi32, #tpu.memory_space<hbm>>
      tpu.wait_dma2 semaphore(%run_scoped3A_55 : memref<!tpu.dma_semaphore, #tpu.memory_space<semaphore_mem>>) src(%dma_wait3A_86 : memref<2x80xi32, #tpu.memory_space<hbm>>) dst(%dma_wait3A_82 : memref<2x80xi32, #tpu.memory_space<vmem>>)
      tpu.yield
    }) : () -> ()
    %dma_start3A = arith.constant 0 : i32
    %dma_start3A_8 = arith.constant 0 : i32
    %dma_start3A_9 = arith.constant 0 : i32
    %dma_start3A_10 = arith.constant 0 : i32
    %dma_start3A_11 = arith.constant 0 : i32
    %dma_start3A_12 = arith.constant 0 : i32
    %dma_start3A_13 = tpu.memref_slice %arg7[%dma_start3A_9, %dma_start3A_11, %dma_start3A_12] : memref<4x80x128xf32, #tpu.memory_space<vmem>> -> memref<1x80x128xf32, #tpu.memory_space<vmem>>
    %dma_start3A_14 = tpu.memref_squeeze %dma_start3A_13 : memref<1x80x128xf32, #tpu.memory_space<vmem>> -> memref<80x128xf32, #tpu.memory_space<vmem>>
    %dma_start3A_15 = arith.constant 0 : i32
    %dma_start3A_16 = tpu.memref_slice %arg6[%dma_start3A, %dma_start3A_8, %dma_start3A_15] : memref<8x2x80xi32, #tpu.memory_space<vmem>> -> memref<1x1x80xi32, #tpu.memory_space<vmem>>
    %dma_start3A_17 = tpu.memref_squeeze %dma_start3A_16 : memref<1x1x80xi32, #tpu.memory_space<vmem>> -> memref<80xi32, #tpu.memory_space<vmem>>
    %dma_start3A_18 = arith.constant 0 : i32
    %dma_start3A_19 = arith.constant 0 : i32
    %dma_start3A_20 = tpu.memref_slice %arg2[%dma_start3A_18, %dma_start3A_19] : memref<10000x128xf32, #tpu.memory_space<hbm>> -> memref<10000x128xf32, #tpu.memory_space<hbm>>
    %dma_start3A_21 = tpu.memref_slice %arg10[%dma_start3A_10] : memref<4x!tpu.dma_semaphore, #tpu.memory_space<semaphore_mem>> -> memref<1x!tpu.dma_semaphore, #tpu.memory_space<semaphore_mem>>
    %dma_start3A_22 = tpu.memref_squeeze %dma_start3A_21 : memref<1x!tpu.dma_semaphore, #tpu.memory_space<semaphore_mem>> -> memref<!tpu.dma_semaphore, #tpu.memory_space<semaphore_mem>>
    tpu.enqueue_indirect_dma source(%dma_start3A_20 : memref<10000x128xf32, #tpu.memory_space<hbm>>) target(%dma_start3A_14 : memref<80x128xf32, #tpu.memory_space<vmem>>) offsets(%dma_start3A_17 : memref<80xi32, #tpu.memory_space<vmem>>) semaphore(%dma_start3A_22 : memref<!tpu.dma_semaphore, #tpu.memory_space<semaphore_mem>>)
    %dma_start3A_23 = arith.constant 1 : i32
    %dma_start3A_24 = arith.constant 0 : i32
    %dma_start3A_25 = arith.constant 1 : i32
    %dma_start3A_26 = arith.constant 1 : i32
    %dma_start3A_27 = arith.constant 0 : i32
    %dma_start3A_28 = arith.constant 0 : i32
    %dma_start3A_29 = tpu.memref_slice %arg7[%dma_start3A_25, %dma_start3A_27, %dma_start3A_28] : memref<4x80x128xf32, #tpu.memory_space<vmem>> -> memref<1x80x128xf32, #tpu.memory_space<vmem>>
    %dma_start3A_30 = tpu.memref_squeeze %dma_start3A_29 : memref<1x80x128xf32, #tpu.memory_space<vmem>> -> memref<80x128xf32, #tpu.memory_space<vmem>>
    %dma_start3A_31 = arith.constant 0 : i32
    %dma_start3A_32 = tpu.memref_slice %arg6[%dma_start3A_23, %dma_start3A_24, %dma_start3A_31] : memref<8x2x80xi32, #tpu.memory_space<vmem>> -> memref<1x1x80xi32, #tpu.memory_space<vmem>>
    %dma_start3A_33 = tpu.memref_squeeze %dma_start3A_32 : memref<1x1x80xi32, #tpu.memory_space<vmem>> -> memref<80xi32, #tpu.memory_space<vmem>>
    %dma_start3A_34 = arith.constant 0 : i32
    %dma_start3A_35 = arith.constant 0 : i32
    %dma_start3A_36 = tpu.memref_slice %arg2[%dma_start3A_34, %dma_start3A_35] : memref<10000x128xf32, #tpu.memory_space<hbm>> -> memref<10000x128xf32, #tpu.memory_space<hbm>>
    %dma_start3A_37 = tpu.memref_slice %arg10[%dma_start3A_26] : memref<4x!tpu.dma_semaphore, #tpu.memory_space<semaphore_mem>> -> memref<1x!tpu.dma_semaphore, #tpu.memory_space<semaphore_mem>>
    %dma_start3A_38 = tpu.memref_squeeze %dma_start3A_37 : memref<1x!tpu.dma_semaphore, #tpu.memory_space<semaphore_mem>> -> memref<!tpu.dma_semaphore, #tpu.memory_space<semaphore_mem>>
    tpu.enqueue_indirect_dma source(%dma_start3A_36 : memref<10000x128xf32, #tpu.memory_space<hbm>>) target(%dma_start3A_30 : memref<80x128xf32, #tpu.memory_space<vmem>>) offsets(%dma_start3A_33 : memref<80xi32, #tpu.memory_space<vmem>>) semaphore(%dma_start3A_38 : memref<!tpu.dma_semaphore, #tpu.memory_space<semaphore_mem>>)
    %barrier3A = arith.constant 0 : index
    tpu.barrier barrier_id(%barrier3A)
    %scan3A = arith.constant 0 : i32
    %scan3A_39 = arith.constant 0 : i32
    %scan3A_40 = arith.constant 125 : i32
    %scan3A_41 = arith.addi %scan3A_39, %scan3A_40 : i32
    %scan3A_42 = arith.constant 1 : i32
    %scan3A_43 = scf.for %scan3A_55 = %scan3A_39 to %scan3A_41 step %scan3A_42 iter_args(%scan3A_56 = %scan3A) -> (i32)  : i32 {
      %rem3A = arith.constant 4 : i32
      %rem3A_57 = arith.remsi %scan3A_55, %rem3A : i32
      %rem3A_58 = arith.constant 8 : i32
      %rem3A_59 = arith.remsi %scan3A_55, %rem3A_58 : i32
      %dma_wait3A = arith.constant 0 : i32
      %dma_wait3A_60 = arith.constant 0 : i32
      %dma_wait3A_61 = arith.constant 0 : i32
      %dma_wait3A_62 = tpu.memref_slice %arg7[%rem3A_57, %dma_wait3A_60, %dma_wait3A_61] : memref<4x80x128xf32, #tpu.memory_space<vmem>> -> memref<1x80x128xf32, #tpu.memory_space<vmem>>
      %dma_wait3A_63 = tpu.memref_squeeze %dma_wait3A_62 : memref<1x80x128xf32, #tpu.memory_space<vmem>> -> memref<80x128xf32, #tpu.memory_space<vmem>>
      %dma_wait3A_64 = arith.constant 0 : i32
      %dma_wait3A_65 = tpu.memref_slice %arg6[%rem3A_59, %dma_wait3A, %dma_wait3A_64] : memref<8x2x80xi32, #tpu.memory_space<vmem>> -> memref<1x1x80xi32, #tpu.memory_space<vmem>>
      %dma_wait3A_66 = tpu.memref_squeeze %dma_wait3A_65 : memref<1x1x80xi32, #tpu.memory_space<vmem>> -> memref<80xi32, #tpu.memory_space<vmem>>
      %dma_wait3A_67 = arith.constant 0 : i32
      %dma_wait3A_68 = arith.constant 0 : i32
      %dma_wait3A_69 = tpu.memref_slice %arg2[%dma_wait3A_67, %dma_wait3A_68] : memref<10000x128xf32, #tpu.memory_space<hbm>> -> memref<10000x128xf32, #tpu.memory_space<hbm>>
      %dma_wait3A_70 = tpu.memref_slice %arg10[%rem3A_57] : memref<4x!tpu.dma_semaphore, #tpu.memory_space<semaphore_mem>> -> memref<1x!tpu.dma_semaphore, #tpu.memory_space<semaphore_mem>>
      %dma_wait3A_71 = tpu.memref_squeeze %dma_wait3A_70 : memref<1x!tpu.dma_semaphore, #tpu.memory_space<semaphore_mem>> -> memref<!tpu.dma_semaphore, #tpu.memory_space<semaphore_mem>>
      tpu.wait_indirect_dma semaphore(%dma_wait3A_71 : memref<!tpu.dma_semaphore, #tpu.memory_space<semaphore_mem>>) src(%dma_wait3A_69 : memref<10000x128xf32, #tpu.memory_space<hbm>>) dst(%dma_wait3A_63 : memref<80x128xf32, #tpu.memory_space<vmem>>)
      %dma_start3A_72 = arith.constant 1 : i32
      %dma_start3A_73 = arith.constant 0 : i32
      %dma_start3A_74 = arith.constant 0 : i32
      %dma_start3A_75 = tpu.memref_slice %arg7[%rem3A_57, %dma_start3A_73, %dma_start3A_74] : memref<4x80x128xf32, #tpu.memory_space<vmem>> -> memref<1x80x128xf32, #tpu.memory_space<vmem>>
      %dma_start3A_76 = tpu.memref_squeeze %dma_start3A_75 : memref<1x80x128xf32, #tpu.memory_space<vmem>> -> memref<80x128xf32, #tpu.memory_space<vmem>>
      %dma_start3A_77 = arith.constant 0 : i32
      %dma_start3A_78 = tpu.memref_slice %arg6[%rem3A_59, %dma_start3A_72, %dma_start3A_77] : memref<8x2x80xi32, #tpu.memory_space<vmem>> -> memref<1x1x80xi32, #tpu.memory_space<vmem>>
      %dma_start3A_79 = tpu.memref_squeeze %dma_start3A_78 : memref<1x1x80xi32, #tpu.memory_space<vmem>> -> memref<80xi32, #tpu.memory_space<vmem>>
      %dma_start3A_80 = arith.constant 0 : i32
      %dma_start3A_81 = arith.constant 0 : i32
      %dma_start3A_82 = tpu.memref_slice %arg8[%dma_start3A_80, %dma_start3A_81] : memref<10240x128xf32, #tpu.memory_space<vmem_shared>> -> memref<10240x128xf32, #tpu.memory_space<vmem_shared>>
      %dma_start3A_83 = tpu.memref_slice %arg11[%rem3A_57] : memref<4x!tpu.dma_semaphore, #tpu.memory_space<semaphore_mem>> -> memref<1x!tpu.dma_semaphore, #tpu.memory_space<semaphore_mem>>
      %dma_start3A_84 = tpu.memref_squeeze %dma_start3A_83 : memref<1x!tpu.dma_semaphore, #tpu.memory_space<semaphore_mem>> -> memref<!tpu.dma_semaphore, #tpu.memory_space<semaphore_mem>>
      tpu.enqueue_indirect_dma source(%dma_start3A_76 : memref<80x128xf32, #tpu.memory_space<vmem>>) target(%dma_start3A_82 : memref<10240x128xf32, #tpu.memory_space<vmem_shared>>) offsets(%dma_start3A_79 : memref<80xi32, #tpu.memory_space<vmem>>) semaphore(%dma_start3A_84 : memref<!tpu.dma_semaphore, #tpu.memory_space<semaphore_mem>>) {add = true}
      %add3A_85 = arith.constant 2 : i32
      %add3A_86 = arith.addi %scan3A_55, %add3A_85 : i32
      %rem3A_87 = arith.constant 4 : i32
      %rem3A_88 = arith.remsi %add3A_86, %rem3A_87 : i32
      %rem3A_89 = arith.constant 8 : i32
      %rem3A_90 = arith.remsi %add3A_86, %rem3A_89 : i32
      %lt3A = arith.constant 125 : i32
      %lt3A_91 = arith.cmpi slt, %add3A_86, %lt3A : i32
      %convert_element_type3A = arith.extui %lt3A_91 : i1 to i32
      %cond3A = arith.constant 0 : i32
      %cond3A_92 = arith.cmpi ne, %convert_element_type3A, %cond3A : i32
      scf.if %cond3A_92 {
        %ge3A = arith.constant 4 : i32
        %ge3A_103 = arith.cmpi sge, %add3A_86, %ge3A : i32
        %convert_element_type3A_104 = arith.extui %ge3A_103 : i1 to i32
        %cond3A_105 = arith.constant 0 : i32
        %cond3A_106 = arith.cmpi ne, %convert_element_type3A_104, %cond3A_105 : i32
        scf.if %cond3A_106 {
          %sub3A = arith.constant 4 : i32
          %sub3A_124 = arith.subi %add3A_86, %sub3A : i32
          %rem3A_125 = arith.constant 8 : i32
          %rem3A_126 = arith.remsi %sub3A_124, %rem3A_125 : i32
          %dma_wait3A_127 = arith.constant 1 : i32
          %dma_wait3A_128 = arith.constant 0 : i32
          %dma_wait3A_129 = arith.constant 0 : i32
          %dma_wait3A_130 = tpu.memref_slice %arg7[%rem3A_88, %dma_wait3A_128, %dma_wait3A_129] : memref<4x80x128xf32, #tpu.memory_space<vmem>> -> memref<1x80x128xf32, #tpu.memory_space<vmem>>
          %dma_wait3A_131 = tpu.memref_squeeze %dma_wait3A_130 : memref<1x80x128xf32, #tpu.memory_space<vmem>> -> memref<80x128xf32, #tpu.memory_space<vmem>>
          %dma_wait3A_132 = arith.constant 0 : i32
          %dma_wait3A_133 = tpu.memref_slice %arg6[%rem3A_126, %dma_wait3A_127, %dma_wait3A_132] : memref<8x2x80xi32, #tpu.memory_space<vmem>> -> memref<1x1x80xi32, #tpu.memory_space<vmem>>
          %dma_wait3A_134 = tpu.memref_squeeze %dma_wait3A_133 : memref<1x1x80xi32, #tpu.memory_space<vmem>> -> memref<80xi32, #tpu.memory_space<vmem>>
          %dma_wait3A_135 = arith.constant 0 : i32
          %dma_wait3A_136 = arith.constant 0 : i32
          %dma_wait3A_137 = tpu.memref_slice %arg8[%dma_wait3A_135, %dma_wait3A_136] : memref<10240x128xf32, #tpu.memory_space<vmem_shared>> -> memref<10240x128xf32, #tpu.memory_space<vmem_shared>>
          %dma_wait3A_138 = tpu.memref_slice %arg11[%rem3A_88] : memref<4x!tpu.dma_semaphore, #tpu.memory_space<semaphore_mem>> -> memref<1x!tpu.dma_semaphore, #tpu.memory_space<semaphore_mem>>
          %dma_wait3A_139 = tpu.memref_squeeze %dma_wait3A_138 : memref<1x!tpu.dma_semaphore, #tpu.memory_space<semaphore_mem>> -> memref<!tpu.dma_semaphore, #tpu.memory_space<semaphore_mem>>
          tpu.wait_indirect_dma semaphore(%dma_wait3A_139 : memref<!tpu.dma_semaphore, #tpu.memory_space<semaphore_mem>>) src(%dma_wait3A_131 : memref<80x128xf32, #tpu.memory_space<vmem>>) dst(%dma_wait3A_137 : memref<10240x128xf32, #tpu.memory_space<vmem_shared>>)
        } else {
        }
        %gt3A = arith.constant 2 : i32
        %gt3A_107 = arith.cmpi sgt, %add3A_86, %gt3A : i32
        %convert_element_type3A_108 = arith.extui %gt3A_107 : i1 to i32
        %cond3A_109 = arith.constant 0 : i32
        %cond3A_110 = arith.cmpi ne, %convert_element_type3A_108, %cond3A_109 : i32
        scf.if %cond3A_110 {
          %dma_wait3A_124 = arith.constant 0 : i32
          %dma_wait3A_125 = arith.constant 0 : i32
          %dma_wait3A_126 = tpu.memref_slice %arg6[%rem3A_90, %dma_wait3A_124, %dma_wait3A_125] : memref<8x2x80xi32, #tpu.memory_space<vmem>> -> memref<1x2x80xi32, #tpu.memory_space<vmem>>
          %dma_wait3A_127 = tpu.memref_squeeze %dma_wait3A_126 : memref<1x2x80xi32, #tpu.memory_space<vmem>> -> memref<2x80xi32, #tpu.memory_space<vmem>>
          %dma_wait3A_128 = arith.constant 0 : i32
          %dma_wait3A_129 = arith.constant 0 : i32
          %dma_wait3A_130 = tpu.memref_slice %arg3[%add3A, %add3A_86, %dma_wait3A_128, %dma_wait3A_129] : memref<32x125x2x80xi32, #tpu.memory_space<hbm>> -> memref<1x1x2x80xi32, #tpu.memory_space<hbm>>
          %dma_wait3A_131 = tpu.memref_squeeze %dma_wait3A_130 : memref<1x1x2x80xi32, #tpu.memory_space<hbm>> -> memref<2x80xi32, #tpu.memory_space<hbm>>
          %dma_wait3A_132 = tpu.memref_slice %arg9[%rem3A_90] : memref<8x!tpu.dma_semaphore, #tpu.memory_space<semaphore_mem>> -> memref<1x!tpu.dma_semaphore, #tpu.memory_space<semaphore_mem>>
          %dma_wait3A_133 = tpu.memref_squeeze %dma_wait3A_132 : memref<1x!tpu.dma_semaphore, #tpu.memory_space<semaphore_mem>> -> memref<!tpu.dma_semaphore, #tpu.memory_space<semaphore_mem>>
          %dma_wait3A_134 = arith.constant 0 : i32
          %dma_wait3A_135 = arith.constant 0 : i32
          %dma_wait3A_136 = tpu.memref_slice %arg6[%rem3A_90, %dma_wait3A_134, %dma_wait3A_135] : memref<8x2x80xi32, #tpu.memory_space<vmem>> -> memref<1x2x80xi32, #tpu.memory_space<vmem>>
          %dma_wait3A_137 = tpu.memref_squeeze %dma_wait3A_136 : memref<1x2x80xi32, #tpu.memory_space<vmem>> -> memref<2x80xi32, #tpu.memory_space<vmem>>
          %dma_wait3A_138 = arith.constant 0 : i32
          %dma_wait3A_139 = arith.constant 0 : i32
          %dma_wait3A_140 = tpu.memref_slice %arg3[%add3A, %add3A_86, %dma_wait3A_138, %dma_wait3A_139] : memref<32x125x2x80xi32, #tpu.memory_space<hbm>> -> memref<1x1x2x80xi32, #tpu.memory_space<hbm>>
          %dma_wait3A_141 = tpu.memref_squeeze %dma_wait3A_140 : memref<1x1x2x80xi32, #tpu.memory_space<hbm>> -> memref<2x80xi32, #tpu.memory_space<hbm>>
          tpu.wait_dma2 semaphore(%dma_wait3A_133 : memref<!tpu.dma_semaphore, #tpu.memory_space<semaphore_mem>>) src(%dma_wait3A_141 : memref<2x80xi32, #tpu.memory_space<hbm>>) dst(%dma_wait3A_137 : memref<2x80xi32, #tpu.memory_space<vmem>>)
        } else {
        }
        %dma_start3A_111 = arith.constant 0 : i32
        %dma_start3A_112 = arith.constant 0 : i32
        %dma_start3A_113 = arith.constant 0 : i32
        %dma_start3A_114 = tpu.memref_slice %arg7[%rem3A_88, %dma_start3A_112, %dma_start3A_113] : memref<4x80x128xf32, #tpu.memory_space<vmem>> -> memref<1x80x128xf32, #tpu.memory_space<vmem>>
        %dma_start3A_115 = tpu.memref_squeeze %dma_start3A_114 : memref<1x80x128xf32, #tpu.memory_space<vmem>> -> memref<80x128xf32, #tpu.memory_space<vmem>>
        %dma_start3A_116 = arith.constant 0 : i32
        %dma_start3A_117 = tpu.memref_slice %arg6[%rem3A_90, %dma_start3A_111, %dma_start3A_116] : memref<8x2x80xi32, #tpu.memory_space<vmem>> -> memref<1x1x80xi32, #tpu.memory_space<vmem>>
        %dma_start3A_118 = tpu.memref_squeeze %dma_start3A_117 : memref<1x1x80xi32, #tpu.memory_space<vmem>> -> memref<80xi32, #tpu.memory_space<vmem>>
        %dma_start3A_119 = arith.constant 0 : i32
        %dma_start3A_120 = arith.constant 0 : i32
        %dma_start3A_121 = tpu.memref_slice %arg2[%dma_start3A_119, %dma_start3A_120] : memref<10000x128xf32, #tpu.memory_space<hbm>> -> memref<10000x128xf32, #tpu.memory_space<hbm>>
        %dma_start3A_122 = tpu.memref_slice %arg10[%rem3A_88] : memref<4x!tpu.dma_semaphore, #tpu.memory_space<semaphore_mem>> -> memref<1x!tpu.dma_semaphore, #tpu.memory_space<semaphore_mem>>
        %dma_start3A_123 = tpu.memref_squeeze %dma_start3A_122 : memref<1x!tpu.dma_semaphore, #tpu.memory_space<semaphore_mem>> -> memref<!tpu.dma_semaphore, #tpu.memory_space<semaphore_mem>>
        tpu.enqueue_indirect_dma source(%dma_start3A_121 : memref<10000x128xf32, #tpu.memory_space<hbm>>) target(%dma_start3A_115 : memref<80x128xf32, #tpu.memory_space<vmem>>) offsets(%dma_start3A_118 : memref<80xi32, #tpu.memory_space<vmem>>) semaphore(%dma_start3A_123 : memref<!tpu.dma_semaphore, #tpu.memory_space<semaphore_mem>>)
      } else {
      }
      %add3A_93 = arith.constant 2 : i32
      %add3A_94 = arith.addi %scan3A_55, %add3A_93 : i32
      %add3A_95 = arith.constant 1 : i32
      %add3A_96 = arith.addi %add3A_94, %add3A_95 : i32
      %lt3A_97 = arith.constant 125 : i32
      %lt3A_98 = arith.cmpi slt, %add3A_96, %lt3A_97 : i32
      %convert_element_type3A_99 = arith.extui %lt3A_98 : i1 to i32
      %cond3A_100 = arith.constant 0 : i32
      %cond3A_101 = arith.cmpi ne, %convert_element_type3A_99, %cond3A_100 : i32
      scf.if %cond3A_101 {
        %rem3A_103 = arith.constant 8 : i32
        %rem3A_104 = arith.remsi %add3A_96, %rem3A_103 : i32
        %rem3A_105 = arith.constant 8 : i32
        %rem3A_106 = arith.remsi %add3A_96, %rem3A_105 : i32
        %dma_start3A_107 = arith.constant 0 : i32
        %dma_start3A_108 = arith.constant 0 : i32
        %dma_start3A_109 = tpu.memref_slice %arg6[%rem3A_104, %dma_start3A_107, %dma_start3A_108] : memref<8x2x80xi32, #tpu.memory_space<vmem>> -> memref<1x2x80xi32, #tpu.memory_space<vmem>>
        %dma_start3A_110 = tpu.memref_squeeze %dma_start3A_109 : memref<1x2x80xi32, #tpu.memory_space<vmem>> -> memref<2x80xi32, #tpu.memory_space<vmem>>
        %dma_start3A_111 = arith.constant 0 : i32
        %dma_start3A_112 = arith.constant 0 : i32
        %dma_start3A_113 = tpu.memref_slice %arg3[%add3A, %add3A_96, %dma_start3A_111, %dma_start3A_112] : memref<32x125x2x80xi32, #tpu.memory_space<hbm>> -> memref<1x1x2x80xi32, #tpu.memory_space<hbm>>
        %dma_start3A_114 = tpu.memref_squeeze %dma_start3A_113 : memref<1x1x2x80xi32, #tpu.memory_space<hbm>> -> memref<2x80xi32, #tpu.memory_space<hbm>>
        %dma_start3A_115 = tpu.memref_slice %arg9[%rem3A_106] : memref<8x!tpu.dma_semaphore, #tpu.memory_space<semaphore_mem>> -> memref<1x!tpu.dma_semaphore, #tpu.memory_space<semaphore_mem>>
        %dma_start3A_116 = tpu.memref_squeeze %dma_start3A_115 : memref<1x!tpu.dma_semaphore, #tpu.memory_space<semaphore_mem>> -> memref<!tpu.dma_semaphore, #tpu.memory_space<semaphore_mem>>
        %dma_start3A_117 = arith.constant 0 : i32
        %dma_start3A_118 = arith.constant 0 : i32
        %dma_start3A_119 = tpu.memref_slice %arg6[%rem3A_104, %dma_start3A_117, %dma_start3A_118] : memref<8x2x80xi32, #tpu.memory_space<vmem>> -> memref<1x2x80xi32, #tpu.memory_space<vmem>>
        %dma_start3A_120 = tpu.memref_squeeze %dma_start3A_119 : memref<1x2x80xi32, #tpu.memory_space<vmem>> -> memref<2x80xi32, #tpu.memory_space<vmem>>
        %dma_start3A_121 = arith.constant 0 : i32
        %dma_start3A_122 = arith.constant 0 : i32
        %dma_start3A_123 = tpu.memref_slice %arg3[%add3A, %add3A_96, %dma_start3A_121, %dma_start3A_122] : memref<32x125x2x80xi32, #tpu.memory_space<hbm>> -> memref<1x1x2x80xi32, #tpu.memory_space<hbm>>
        %dma_start3A_124 = tpu.memref_squeeze %dma_start3A_123 : memref<1x1x2x80xi32, #tpu.memory_space<hbm>> -> memref<2x80xi32, #tpu.memory_space<hbm>>
        tpu.enqueue_dma source(%dma_start3A_124 : memref<2x80xi32, #tpu.memory_space<hbm>>) target(%dma_start3A_120 : memref<2x80xi32, #tpu.memory_space<vmem>>) target_semaphore(%dma_start3A_116 : memref<!tpu.dma_semaphore, #tpu.memory_space<semaphore_mem>>)
      } else {
      }
      %scan3A_102 = arith.constant 0 : i32
      scf.yield %scan3A_102 : i32
    }
    %scan3A_44 = arith.constant 125 : i32
    %scan3A_45 = arith.constant 0 : i32
    %scan3A_46 = arith.constant 0 : i32
    %scan3A_47 = arith.constant 4 : i32
    %scan3A_48 = arith.addi %scan3A_46, %scan3A_47 : i32
    %scan3A_49 = arith.constant 1 : i32
    %scan3A_50 = scf.for %scan3A_55 = %scan3A_46 to %scan3A_48 step %scan3A_49 iter_args(%scan3A_56 = %scan3A_45) -> (i32)  : i32 {
      %add3A_57 = arith.constant 121 : i32
      %add3A_58 = arith.addi %add3A_57, %scan3A_55 : i32
      %rem3A = arith.constant 4 : i32
      %rem3A_59 = arith.remsi %add3A_58, %rem3A : i32
      %rem3A_60 = arith.constant 8 : i32
      %rem3A_61 = arith.remsi %add3A_58, %rem3A_60 : i32
      %dma_wait3A = arith.constant 1 : i32
      %dma_wait3A_62 = arith.constant 0 : i32
      %dma_wait3A_63 = arith.constant 0 : i32
      %dma_wait3A_64 = tpu.memref_slice %arg7[%rem3A_59, %dma_wait3A_62, %dma_wait3A_63] : memref<4x80x128xf32, #tpu.memory_space<vmem>> -> memref<1x80x128xf32, #tpu.memory_space<vmem>>
      %dma_wait3A_65 = tpu.memref_squeeze %dma_wait3A_64 : memref<1x80x128xf32, #tpu.memory_space<vmem>> -> memref<80x128xf32, #tpu.memory_space<vmem>>
      %dma_wait3A_66 = arith.constant 0 : i32
      %dma_wait3A_67 = tpu.memref_slice %arg6[%rem3A_61, %dma_wait3A, %dma_wait3A_66] : memref<8x2x80xi32, #tpu.memory_space<vmem>> -> memref<1x1x80xi32, #tpu.memory_space<vmem>>
      %dma_wait3A_68 = tpu.memref_squeeze %dma_wait3A_67 : memref<1x1x80xi32, #tpu.memory_space<vmem>> -> memref<80xi32, #tpu.memory_space<vmem>>
      %dma_wait3A_69 = arith.constant 0 : i32
      %dma_wait3A_70 = arith.constant 0 : i32
      %dma_wait3A_71 = tpu.memref_slice %arg8[%dma_wait3A_69, %dma_wait3A_70] : memref<10240x128xf32, #tpu.memory_space<vmem_shared>> -> memref<10240x128xf32, #tpu.memory_space<vmem_shared>>
      %dma_wait3A_72 = tpu.memref_slice %arg11[%rem3A_59] : memref<4x!tpu.dma_semaphore, #tpu.memory_space<semaphore_mem>> -> memref<1x!tpu.dma_semaphore, #tpu.memory_space<semaphore_mem>>
      %dma_wait3A_73 = tpu.memref_squeeze %dma_wait3A_72 : memref<1x!tpu.dma_semaphore, #tpu.memory_space<semaphore_mem>> -> memref<!tpu.dma_semaphore, #tpu.memory_space<semaphore_mem>>
      tpu.wait_indirect_dma semaphore(%dma_wait3A_73 : memref<!tpu.dma_semaphore, #tpu.memory_space<semaphore_mem>>) src(%dma_wait3A_65 : memref<80x128xf32, #tpu.memory_space<vmem>>) dst(%dma_wait3A_71 : memref<10240x128xf32, #tpu.memory_space<vmem_shared>>)
      %scan3A_74 = arith.constant 0 : i32
      scf.yield %scan3A_74 : i32
    }
    %scan3A_51 = arith.constant 4 : i32
    %barrier3A_52 = arith.constant 0 : index
    tpu.barrier barrier_id(%barrier3A_52)
    %mul3A_53 = arith.constant 640 : i32
    %mul3A_54 = arith.muli %arg1, %mul3A_53 : i32
    "tpu.region"() ({
      %run_scoped3A_55 = tpu.sem_alloc : memref<!tpu.dma_semaphore, #tpu.memory_space<semaphore_mem>>
      %dma_start3A_56 = arith.constant 0 : i32
      %dma_start3A_57 = tpu.memref_slice %arg5[%arg0, %mul3A_54, %dma_start3A_56] : memref<2x10240x128xf32, #tpu.memory_space<hbm>> -> memref<1x640x128xf32, #tpu.memory_space<hbm>>
      %dma_start3A_58 = tpu.memref_squeeze %dma_start3A_57 : memref<1x640x128xf32, #tpu.memory_space<hbm>> -> memref<640x128xf32, #tpu.memory_space<hbm>>
      %dma_start3A_59 = arith.constant 0 : i32
      %dma_start3A_60 = tpu.memref_slice %arg8[%mul3A_54, %dma_start3A_59] : memref<10240x128xf32, #tpu.memory_space<vmem_shared>> -> memref<640x128xf32, #tpu.memory_space<vmem_shared>>
      tpu.enqueue_dma source(%dma_start3A_60 : memref<640x128xf32, #tpu.memory_space<vmem_shared>>) target(%dma_start3A_58 : memref<640x128xf32, #tpu.memory_space<hbm>>) target_semaphore(%run_scoped3A_55 : memref<!tpu.dma_semaphore, #tpu.memory_space<semaphore_mem>>)
      %dma_wait3A = arith.constant 0 : i32
      %dma_wait3A_61 = tpu.memref_slice %arg5[%arg0, %mul3A_54, %dma_wait3A] : memref<2x10240x128xf32, #tpu.memory_space<hbm>> -> memref<1x640x128xf32, #tpu.memory_space<hbm>>
      %dma_wait3A_62 = tpu.memref_squeeze %dma_wait3A_61 : memref<1x640x128xf32, #tpu.memory_space<hbm>> -> memref<640x128xf32, #tpu.memory_space<hbm>>
      %dma_wait3A_63 = arith.constant 0 : i32
      %dma_wait3A_64 = tpu.memref_slice %arg8[%mul3A_54, %dma_wait3A_63] : memref<10240x128xf32, #tpu.memory_space<vmem_shared>> -> memref<640x128xf32, #tpu.memory_space<vmem_shared>>
      tpu.wait_dma2 semaphore(%run_scoped3A_55 : memref<!tpu.dma_semaphore, #tpu.memory_space<semaphore_mem>>) src(%dma_wait3A_64 : memref<640x128xf32, #tpu.memory_space<vmem_shared>>) dst(%dma_wait3A_62 : memref<640x128xf32, #tpu.memory_space<hbm>>)
      tpu.yield
    }) : () -> ()
    return
  }
}

#map = affine_map<(d0, d1) -> (0, 0, 0)>
#map1 = affine_map<(d0, d1) -> (0)>
module attributes {stable_mosaic.version = 14 : i64} {
  func.func @_deg(%arg0: i32, %arg1: i32, %arg2: memref<32x125x80xi32, #tpu.memory_space<hbm>>, %arg3: memref<20480xf32, #tpu.memory_space<hbm>>, %arg4: memref<125x80xi32, #tpu.memory_space<vmem>>, %arg5: memref<80xf32, #tpu.memory_space<vmem>>, %arg6: memref<640xf32, #tpu.memory_space<vmem>>, %arg7: memref<10240xf32, #tpu.memory_space<vmem_shared>>, %arg8: memref<!tpu.dma_semaphore, #tpu.memory_space<semaphore_mem>>) attributes {dimension_semantics = [#tpu.dimension_semantics<core_parallel>, #tpu.dimension_semantics<subcore_parallel>], iteration_bounds = array<i64: 2, 16>, scalar_prefetch = 0 : i64, scratch_operands = 5 : i64, tpu.core_type = #tpu.core_type<sc_vector_subcore>, window_params = [{transform_indices = #map}, {transform_indices = #map1}]} {
    %mul3A = arith.constant 16 : i32
    %mul3A_0 = arith.muli %arg0, %mul3A : i32
    %add3A = arith.addi %mul3A_0, %arg1 : i32
    %scan3A = arith.constant 0 : i32
    %scan3A_1 = arith.constant 0 : i32
    %scan3A_2 = arith.constant 5 : i32
    %scan3A_3 = arith.addi %scan3A_1, %scan3A_2 : i32
    %scan3A_4 = arith.constant 1 : i32
    %scan3A_5 = scf.for %scan3A_36 = %scan3A_1 to %scan3A_3 step %scan3A_4 iter_args(%scan3A_37 = %scan3A) -> (i32)  : i32 {
      %broadcast_in_dim3A = arith.constant 1.000000e+00 : f32
      %broadcast_in_dim3A_38 = vector.broadcast %broadcast_in_dim3A : f32 to vector<16xf32>
      %mul3A_39 = arith.constant 16 : i32
      %mul3A_40 = arith.muli %scan3A_36, %mul3A_39 : i32
      %swap3A = arith.index_cast %mul3A_40 : i32 to index
      %swap3A_41 = tpu.vector_load %arg5[%swap3A] {strides = array<i32>} : memref<80xf32, #tpu.memory_space<vmem>>, vector<16xf32>,
      %swap3A_42 = vector.shape_cast %swap3A_41 : vector<16xf32> to vector<16xf32>
      %swap3A_43 = vector.shape_cast %broadcast_in_dim3A_38 : vector<16xf32> to vector<16xf32>
      tpu.vector_store %arg5[%swap3A], %swap3A_43 {strides = array<i32>} : memref<80xf32, #tpu.memory_space<vmem>>, vector<16xf32>,
      %scan3A_44 = arith.constant 0 : i32
      scf.yield %scan3A_44 : i32
    }
    %scan3A_6 = arith.constant 5 : i32
    %scan3A_7 = arith.constant 0 : i32
    %scan3A_8 = arith.constant 0 : i32
    %scan3A_9 = arith.constant 40 : i32
    %scan3A_10 = arith.addi %scan3A_8, %scan3A_9 : i32
    %scan3A_11 = arith.constant 1 : i32
    %scan3A_12 = scf.for %scan3A_36 = %scan3A_8 to %scan3A_10 step %scan3A_11 iter_args(%scan3A_37 = %scan3A_7) -> (i32)  : i32 {
      %broadcast_in_dim3A = arith.constant 0.000000e+00 : f32
      %broadcast_in_dim3A_38 = vector.broadcast %broadcast_in_dim3A : f32 to vector<16xf32>
      %mul3A_39 = arith.constant 16 : i32
      %mul3A_40 = arith.muli %scan3A_36, %mul3A_39 : i32
      %swap3A = arith.index_cast %mul3A_40 : i32 to index
      %swap3A_41 = tpu.vector_load %arg6[%swap3A] {strides = array<i32>} : memref<640xf32, #tpu.memory_space<vmem>>, vector<16xf32>,
      %swap3A_42 = vector.shape_cast %swap3A_41 : vector<16xf32> to vector<16xf32>
      %swap3A_43 = vector.shape_cast %broadcast_in_dim3A_38 : vector<16xf32> to vector<16xf32>
      tpu.vector_store %arg6[%swap3A], %swap3A_43 {strides = array<i32>} : memref<640xf32, #tpu.memory_space<vmem>>, vector<16xf32>,
      %scan3A_44 = arith.constant 0 : i32
      scf.yield %scan3A_44 : i32
    }
    %scan3A_13 = arith.constant 40 : i32
    %mul3A_14 = arith.constant 640 : i32
    %mul3A_15 = arith.muli %arg1, %mul3A_14 : i32
    "tpu.region"() ({
      %run_scoped3A = tpu.sem_alloc : memref<!tpu.dma_semaphore, #tpu.memory_space<semaphore_mem>>
      %dma_start3A = tpu.memref_slice %arg7[%mul3A_15] : memref<10240xf32, #tpu.memory_space<vmem_shared>> -> memref<640xf32, #tpu.memory_space<vmem_shared>>
      %dma_start3A_36 = tpu.memref_slice %arg7[%mul3A_15] : memref<10240xf32, #tpu.memory_space<vmem_shared>> -> memref<640xf32, #tpu.memory_space<vmem_shared>>
      tpu.enqueue_dma source(%arg6 : memref<640xf32, #tpu.memory_space<vmem>>) target(%dma_start3A_36 : memref<640xf32, #tpu.memory_space<vmem_shared>>) target_semaphore(%run_scoped3A : memref<!tpu.dma_semaphore, #tpu.memory_space<semaphore_mem>>)
      %dma_wait3A = tpu.memref_slice %arg7[%mul3A_15] : memref<10240xf32, #tpu.memory_space<vmem_shared>> -> memref<640xf32, #tpu.memory_space<vmem_shared>>
      %dma_wait3A_37 = tpu.memref_slice %arg7[%mul3A_15] : memref<10240xf32, #tpu.memory_space<vmem_shared>> -> memref<640xf32, #tpu.memory_space<vmem_shared>>
      tpu.wait_dma2 semaphore(%run_scoped3A : memref<!tpu.dma_semaphore, #tpu.memory_space<semaphore_mem>>) src(%arg6 : memref<640xf32, #tpu.memory_space<vmem>>) dst(%dma_wait3A_37 : memref<640xf32, #tpu.memory_space<vmem_shared>>)
      tpu.yield
    }) : () -> ()
    "tpu.region"() ({
      %run_scoped3A = tpu.sem_alloc : memref<!tpu.dma_semaphore, #tpu.memory_space<semaphore_mem>>
      %dma_start3A = arith.constant 0 : i32
      %dma_start3A_36 = arith.constant 0 : i32
      %dma_start3A_37 = tpu.memref_slice %arg2[%add3A, %dma_start3A, %dma_start3A_36] : memref<32x125x80xi32, #tpu.memory_space<hbm>> -> memref<1x125x80xi32, #tpu.memory_space<hbm>>
      %dma_start3A_38 = tpu.memref_squeeze %dma_start3A_37 : memref<1x125x80xi32, #tpu.memory_space<hbm>> -> memref<125x80xi32, #tpu.memory_space<hbm>>
      %dma_start3A_39 = arith.constant 0 : i32
      %dma_start3A_40 = arith.constant 0 : i32
      %dma_start3A_41 = tpu.memref_slice %arg2[%add3A, %dma_start3A_39, %dma_start3A_40] : memref<32x125x80xi32, #tpu.memory_space<hbm>> -> memref<1x125x80xi32, #tpu.memory_space<hbm>>
      %dma_start3A_42 = tpu.memref_squeeze %dma_start3A_41 : memref<1x125x80xi32, #tpu.memory_space<hbm>> -> memref<125x80xi32, #tpu.memory_space<hbm>>
      tpu.enqueue_dma source(%dma_start3A_42 : memref<125x80xi32, #tpu.memory_space<hbm>>) target(%arg4 : memref<125x80xi32, #tpu.memory_space<vmem>>) target_semaphore(%run_scoped3A : memref<!tpu.dma_semaphore, #tpu.memory_space<semaphore_mem>>)
      %dma_wait3A = arith.constant 0 : i32
      %dma_wait3A_43 = arith.constant 0 : i32
      %dma_wait3A_44 = tpu.memref_slice %arg2[%add3A, %dma_wait3A, %dma_wait3A_43] : memref<32x125x80xi32, #tpu.memory_space<hbm>> -> memref<1x125x80xi32, #tpu.memory_space<hbm>>
      %dma_wait3A_45 = tpu.memref_squeeze %dma_wait3A_44 : memref<1x125x80xi32, #tpu.memory_space<hbm>> -> memref<125x80xi32, #tpu.memory_space<hbm>>
      %dma_wait3A_46 = arith.constant 0 : i32
      %dma_wait3A_47 = arith.constant 0 : i32
      %dma_wait3A_48 = tpu.memref_slice %arg2[%add3A, %dma_wait3A_46, %dma_wait3A_47] : memref<32x125x80xi32, #tpu.memory_space<hbm>> -> memref<1x125x80xi32, #tpu.memory_space<hbm>>
      %dma_wait3A_49 = tpu.memref_squeeze %dma_wait3A_48 : memref<1x125x80xi32, #tpu.memory_space<hbm>> -> memref<125x80xi32, #tpu.memory_space<hbm>>
      tpu.wait_dma2 semaphore(%run_scoped3A : memref<!tpu.dma_semaphore, #tpu.memory_space<semaphore_mem>>) src(%dma_wait3A_49 : memref<125x80xi32, #tpu.memory_space<hbm>>) dst(%arg4 : memref<125x80xi32, #tpu.memory_space<vmem>>)
      tpu.yield
    }) : () -> ()
    %barrier3A = arith.constant 0 : index
    tpu.barrier barrier_id(%barrier3A)
    %scan3A_16 = arith.constant 0 : i32
    %scan3A_17 = arith.constant 0 : i32
    %scan3A_18 = arith.constant 125 : i32
    %scan3A_19 = arith.addi %scan3A_17, %scan3A_18 : i32
    %scan3A_20 = arith.constant 1 : i32
    %scan3A_21 = scf.for %scan3A_36 = %scan3A_17 to %scan3A_19 step %scan3A_20 iter_args(%scan3A_37 = %scan3A_16) -> (i32)  : i32 {
      %dma_start3A = arith.constant 0 : i32
      %dma_start3A_38 = tpu.memref_slice %arg4[%scan3A_36, %dma_start3A] : memref<125x80xi32, #tpu.memory_space<vmem>> -> memref<1x80xi32, #tpu.memory_space<vmem>>
      %dma_start3A_39 = tpu.memref_squeeze %dma_start3A_38 : memref<1x80xi32, #tpu.memory_space<vmem>> -> memref<80xi32, #tpu.memory_space<vmem>>
      %dma_start3A_40 = arith.constant 0 : i32
      %dma_start3A_41 = tpu.memref_slice %arg7[%dma_start3A_40] : memref<10240xf32, #tpu.memory_space<vmem_shared>> -> memref<10240xf32, #tpu.memory_space<vmem_shared>>
      tpu.enqueue_indirect_dma source(%arg5 : memref<80xf32, #tpu.memory_space<vmem>>) target(%dma_start3A_41 : memref<10240xf32, #tpu.memory_space<vmem_shared>>) offsets(%dma_start3A_39 : memref<80xi32, #tpu.memory_space<vmem>>) semaphore(%arg8 : memref<!tpu.dma_semaphore, #tpu.memory_space<semaphore_mem>>) {add = true}
      %scan3A_42 = arith.constant 0 : i32
      scf.yield %scan3A_42 : i32
    }
    %scan3A_22 = arith.constant 125 : i32
    %scan3A_23 = arith.constant 0 : i32
    %scan3A_24 = arith.constant 0 : i32
    %scan3A_25 = arith.constant 125 : i32
    %scan3A_26 = arith.addi %scan3A_24, %scan3A_25 : i32
    %scan3A_27 = arith.constant 1 : i32
    %scan3A_28 = scf.for %scan3A_36 = %scan3A_24 to %scan3A_26 step %scan3A_27 iter_args(%scan3A_37 = %scan3A_23) -> (i32)  : i32 {
      %dma_wait3A = arith.constant 0 : i32
      %dma_wait3A_38 = tpu.memref_slice %arg4[%scan3A_36, %dma_wait3A] : memref<125x80xi32, #tpu.memory_space<vmem>> -> memref<1x80xi32, #tpu.memory_space<vmem>>
      %dma_wait3A_39 = tpu.memref_squeeze %dma_wait3A_38 : memref<1x80xi32, #tpu.memory_space<vmem>> -> memref<80xi32, #tpu.memory_space<vmem>>
      %dma_wait3A_40 = arith.constant 0 : i32
      %dma_wait3A_41 = tpu.memref_slice %arg7[%dma_wait3A_40] : memref<10240xf32, #tpu.memory_space<vmem_shared>> -> memref<10240xf32, #tpu.memory_space<vmem_shared>>
      tpu.wait_indirect_dma semaphore(%arg8 : memref<!tpu.dma_semaphore, #tpu.memory_space<semaphore_mem>>) src(%arg5 : memref<80xf32, #tpu.memory_space<vmem>>) dst(%dma_wait3A_41 : memref<10240xf32, #tpu.memory_space<vmem_shared>>)
      %scan3A_42 = arith.constant 0 : i32
      scf.yield %scan3A_42 : i32
    }
    %scan3A_29 = arith.constant 125 : i32
    %barrier3A_30 = arith.constant 0 : index
    tpu.barrier barrier_id(%barrier3A_30)
    "tpu.region"() ({
      %run_scoped3A = tpu.sem_alloc : memref<!tpu.dma_semaphore, #tpu.memory_space<semaphore_mem>>
      %dma_start3A = tpu.memref_slice %arg7[%mul3A_15] : memref<10240xf32, #tpu.memory_space<vmem_shared>> -> memref<640xf32, #tpu.memory_space<vmem_shared>>
      %dma_start3A_36 = tpu.memref_slice %arg7[%mul3A_15] : memref<10240xf32, #tpu.memory_space<vmem_shared>> -> memref<640xf32, #tpu.memory_space<vmem_shared>>
      tpu.enqueue_dma source(%dma_start3A_36 : memref<640xf32, #tpu.memory_space<vmem_shared>>) target(%arg6 : memref<640xf32, #tpu.memory_space<vmem>>) target_semaphore(%run_scoped3A : memref<!tpu.dma_semaphore, #tpu.memory_space<semaphore_mem>>)
      %dma_wait3A = tpu.memref_slice %arg7[%mul3A_15] : memref<10240xf32, #tpu.memory_space<vmem_shared>> -> memref<640xf32, #tpu.memory_space<vmem_shared>>
      %dma_wait3A_37 = tpu.memref_slice %arg7[%mul3A_15] : memref<10240xf32, #tpu.memory_space<vmem_shared>> -> memref<640xf32, #tpu.memory_space<vmem_shared>>
      tpu.wait_dma2 semaphore(%run_scoped3A : memref<!tpu.dma_semaphore, #tpu.memory_space<semaphore_mem>>) src(%dma_wait3A_37 : memref<640xf32, #tpu.memory_space<vmem_shared>>) dst(%arg6 : memref<640xf32, #tpu.memory_space<vmem>>)
      tpu.yield
    }) : () -> ()
    %mul3A_31 = arith.constant 10240 : i32
    %mul3A_32 = arith.muli %arg0, %mul3A_31 : i32
    %mul3A_33 = arith.constant 640 : i32
    %mul3A_34 = arith.muli %arg1, %mul3A_33 : i32
    %add3A_35 = arith.addi %mul3A_32, %mul3A_34 : i32
    "tpu.region"() ({
      %run_scoped3A = tpu.sem_alloc : memref<!tpu.dma_semaphore, #tpu.memory_space<semaphore_mem>>
      %dma_start3A = tpu.memref_slice %arg3[%add3A_35] : memref<20480xf32, #tpu.memory_space<hbm>> -> memref<640xf32, #tpu.memory_space<hbm>>
      %dma_start3A_36 = tpu.memref_slice %arg3[%add3A_35] : memref<20480xf32, #tpu.memory_space<hbm>> -> memref<640xf32, #tpu.memory_space<hbm>>
      tpu.enqueue_dma source(%arg6 : memref<640xf32, #tpu.memory_space<vmem>>) target(%dma_start3A_36 : memref<640xf32, #tpu.memory_space<hbm>>) target_semaphore(%run_scoped3A : memref<!tpu.dma_semaphore, #tpu.memory_space<semaphore_mem>>)
      %dma_wait3A = tpu.memref_slice %arg3[%add3A_35] : memref<20480xf32, #tpu.memory_space<hbm>> -> memref<640xf32, #tpu.memory_space<hbm>>
      %dma_wait3A_37 = tpu.memref_slice %arg3[%add3A_35] : memref<20480xf32, #tpu.memory_space<hbm>> -> memref<640xf32, #tpu.memory_space<hbm>>
      tpu.wait_dma2 semaphore(%run_scoped3A : memref<!tpu.dma_semaphore, #tpu.memory_space<semaphore_mem>>) src(%arg6 : memref<640xf32, #tpu.memory_space<vmem>>) dst(%dma_wait3A_37 : memref<640xf32, #tpu.memory_space<hbm>>)
      tpu.yield
    }) : () -> ()
    return
  }
}

module attributes {stable_mosaic.version = 14 : i64} {
  func.func @_t0_body(%arg0: i32, %arg1: memref<2000x128xf32, #tpu.memory_space<vmem>>, %arg2: memref<128x128xf32, #tpu.memory_space<vmem>>, %arg3: memref<2000x1xf32, #tpu.memory_space<vmem>>, %arg4: memref<2000x1xf32, #tpu.memory_space<vmem>>, %arg5: memref<2000x128xf32, #tpu.memory_space<vmem>>, %arg6: memref<2000x1xf32, #tpu.memory_space<vmem>>) attributes {dimension_semantics = [#tpu.dimension_semantics<arbitrary>], iteration_bounds = array<i64: 5>, scalar_prefetch = 0 : i64, scratch_operands = 0 : i64, tpu.core_type = #tpu.core_type<tc>, window_params = [{transform_indices = @transform_0, window_bounds = array<i64: 2000, 128>}, {pipeline_mode = #tpu.pipeline_mode<synchronous>, transform_indices = @transform_1, window_bounds = array<i64: 128, 128>}, {transform_indices = @transform_2, window_bounds = array<i64: 2000, 1>}, {transform_indices = @transform_3, window_bounds = array<i64: 2000, 1>}, {transform_indices = @transform_4, window_bounds = array<i64: 2000, 128>}, {transform_indices = @transform_5, window_bounds = array<i64: 2000, 1>}]} {
    %get3A = arith.constant 0 : index
    %get3A_0 = arith.constant 0 : index
    %get3A_1 = vector.load %arg3[%get3A, %get3A_0] : memref<2000x1xf32, #tpu.memory_space<vmem>>, vector<2000x1xf32>
    %get3A_2 = arith.constant 0 : index
    %get3A_3 = arith.constant 0 : index
    %get3A_4 = vector.load %arg4[%get3A_2, %get3A_3] : memref<2000x1xf32, #tpu.memory_space<vmem>>, vector<2000x1xf32>
    %add3A = arith.addf %get3A_1, %get3A_4 : vector<2000x1xf32>
    %add3A_5 = arith.constant 1.000000e+00 : f32
    %add3A_6 = vector.broadcast %add3A_5 : f32 to vector<2000x1xf32>
    %add3A_7 = arith.addf %add3A, %add3A_6 : vector<2000x1xf32>
    %rsqrt3A = math.rsqrt %add3A_7 : vector<2000x1xf32>
    %swap3A = arith.constant 0 : index
    %swap3A_8 = arith.constant 0 : index
    %swap3A_9 = vector.load %arg6[%swap3A, %swap3A_8] : memref<2000x1xf32, #tpu.memory_space<vmem>>, vector<2000x1xf32>
    tpu.vector_store %arg6[%swap3A, %swap3A_8], %rsqrt3A {strides = array<i32>} : memref<2000x1xf32, #tpu.memory_space<vmem>>, vector<2000x1xf32>,
    %get3A_10 = arith.constant 0 : index
    %get3A_11 = arith.constant 0 : index
    %get3A_12 = vector.load %arg1[%get3A_10, %get3A_11] : memref<2000x128xf32, #tpu.memory_space<vmem>>, vector<2000x128xf32>
    %get3A_13 = arith.constant 0 : index
    %get3A_14 = arith.constant 0 : index
    %get3A_15 = vector.load %arg2[%get3A_13, %get3A_14] : memref<128x128xf32, #tpu.memory_space<vmem>>, vector<128x128xf32>
    %dot_general3A = arith.constant dense<0.000000e+00> : vector<2000x128xf32>
    %dot_general3A_16 = tpu.matmul %get3A_12, %get3A_15, %dot_general3A {dimension_numbers = #tpu.dot_dimension_numbers<[1], [0], [0], [1], [0, 0, 1, 1], [], []>, transpose_lhs_hint = false} : vector<2000x128xf32>, vector<128x128xf32>, vector<2000x128xf32> -> vector<2000x128xf32>
    %mul3A = vector.broadcast %rsqrt3A : vector<2000x1xf32> to vector<2000x128xf32>
    %mul3A_17 = arith.mulf %dot_general3A_16, %mul3A : vector<2000x128xf32>
    %swap3A_18 = arith.constant 0 : index
    %swap3A_19 = arith.constant 0 : index
    %swap3A_20 = vector.load %arg5[%swap3A_18, %swap3A_19] : memref<2000x128xf32, #tpu.memory_space<vmem>>, vector<2000x128xf32>
    tpu.vector_store %arg5[%swap3A_18, %swap3A_19], %mul3A_17 {strides = array<i32>} : memref<2000x128xf32, #tpu.memory_space<vmem>>, vector<2000x128xf32>,
    return
  }
  func.func @transform_0(%arg0: i32) -> (i32, i32) {
    %c0_i32 = arith.constant 0 : i32
    %c0_i32_0 = arith.constant 0 : i32
    return %arg0, %c0_i32 : i32, i32
  }
  func.func @transform_1(%arg0: i32) -> (i32, i32) {
    %c0_i32 = arith.constant 0 : i32
    %c0_i32_0 = arith.constant 0 : i32
    %c0_i32_1 = arith.constant 0 : i32
    return %c0_i32, %c0_i32_0 : i32, i32
  }
  func.func @transform_2(%arg0: i32) -> (i32, i32) {
    %c0_i32 = arith.constant 0 : i32
    %c0_i32_0 = arith.constant 0 : i32
    return %arg0, %c0_i32 : i32, i32
  }
  func.func @transform_3(%arg0: i32) -> (i32, i32) {
    %c0_i32 = arith.constant 0 : i32
    %c0_i32_0 = arith.constant 0 : i32
    return %arg0, %c0_i32 : i32, i32
  }
  func.func @transform_4(%arg0: i32) -> (i32, i32) {
    %c0_i32 = arith.constant 0 : i32
    %c0_i32_0 = arith.constant 0 : i32
    return %arg0, %c0_i32 : i32, i32
  }
  func.func @transform_5(%arg0: i32) -> (i32, i32) {
    %c0_i32 = arith.constant 0 : i32
    %c0_i32_0 = arith.constant 0 : i32
    return %arg0, %c0_i32 : i32, i32
  }
}

module attributes {stable_mosaic.version = 14 : i64} {
  func.func @_tmid_body(%arg0: i32, %arg1: memref<2x2000x128xf32, #tpu.memory_space<vmem>>, %arg2: memref<2000x128xf32, #tpu.memory_space<vmem>>, %arg3: memref<2000x1xf32, #tpu.memory_space<vmem>>, %arg4: memref<1x128xf32, #tpu.memory_space<vmem>>, %arg5: memref<1x128xf32, #tpu.memory_space<vmem>>, %arg6: memref<1x128xf32, #tpu.memory_space<vmem>>, %arg7: memref<128x128xf32, #tpu.memory_space<vmem>>, %arg8: memref<2000x128xf32, #tpu.memory_space<vmem>>) attributes {dimension_semantics = [#tpu.dimension_semantics<arbitrary>], iteration_bounds = array<i64: 5>, scalar_prefetch = 0 : i64, scratch_operands = 0 : i64, tpu.core_type = #tpu.core_type<tc>, window_params = [{transform_indices = @transform_0, window_bounds = array<i64: 2, 2000, 128>}, {transform_indices = @transform_1, window_bounds = array<i64: 2000, 128>}, {transform_indices = @transform_2, window_bounds = array<i64: 2000, 1>}, {pipeline_mode = #tpu.pipeline_mode<synchronous>, transform_indices = @transform_3, window_bounds = array<i64: 1, 128>}, {pipeline_mode = #tpu.pipeline_mode<synchronous>, transform_indices = @transform_4, window_bounds = array<i64: 1, 128>}, {pipeline_mode = #tpu.pipeline_mode<synchronous>, transform_indices = @transform_5, window_bounds = array<i64: 1, 128>}, {pipeline_mode = #tpu.pipeline_mode<synchronous>, transform_indices = @transform_6, window_bounds = array<i64: 128, 128>}, {transform_indices = @transform_7, window_bounds = array<i64: 2000, 128>}]} {
    %get3A = arith.constant 0 : index
    %get3A_0 = arith.constant 0 : index
    %get3A_1 = vector.load %arg3[%get3A, %get3A_0] : memref<2000x1xf32, #tpu.memory_space<vmem>>, vector<2000x1xf32>
    %get3A_2 = arith.constant 0 : index
    %get3A_3 = arith.constant 0 : index
    %get3A_4 = arith.constant 0 : index
    %get3A_5 = vector.load %arg1[%get3A_2, %get3A_3, %get3A_4] : memref<2x2000x128xf32, #tpu.memory_space<vmem>>, vector<1x2000x128xf32>
    %get3A_6 = vector.shape_cast %get3A_5 : vector<1x2000x128xf32> to vector<2000x128xf32>
    %get3A_7 = arith.constant 1 : index
    %get3A_8 = arith.constant 0 : index
    %get3A_9 = arith.constant 0 : index
    %get3A_10 = vector.load %arg1[%get3A_7, %get3A_8, %get3A_9] : memref<2x2000x128xf32, #tpu.memory_space<vmem>>, vector<1x2000x128xf32>
    %get3A_11 = vector.shape_cast %get3A_10 : vector<1x2000x128xf32> to vector<2000x128xf32>
    %add3A = arith.addf %get3A_6, %get3A_11 : vector<2000x128xf32>
    %get3A_12 = arith.constant 0 : index
    %get3A_13 = arith.constant 0 : index
    %get3A_14 = vector.load %arg2[%get3A_12, %get3A_13] : memref<2000x128xf32, #tpu.memory_space<vmem>>, vector<2000x128xf32>
    %add3A_15 = arith.addf %add3A, %get3A_14 : vector<2000x128xf32>
    %mul3A = vector.broadcast %get3A_1 : vector<2000x1xf32> to vector<2000x128xf32>
    %mul3A_16 = arith.mulf %add3A_15, %mul3A : vector<2000x128xf32>
    %get3A_17 = arith.constant 0 : index
    %get3A_18 = arith.constant 0 : index
    %get3A_19 = vector.load %arg4[%get3A_17, %get3A_18] : memref<1x128xf32, #tpu.memory_space<vmem>>, vector<1x128xf32>
    %add3A_20 = vector.broadcast %get3A_19 : vector<1x128xf32> to vector<2000x128xf32>
    %add3A_21 = arith.addf %mul3A_16, %add3A_20 : vector<2000x128xf32>
    %get3A_22 = arith.constant 0 : index
    %get3A_23 = arith.constant 0 : index
    %get3A_24 = vector.load %arg5[%get3A_22, %get3A_23] : memref<1x128xf32, #tpu.memory_space<vmem>>, vector<1x128xf32>
    %mul3A_25 = arith.constant 0.999994993 : f32
    %mul3A_26 = vector.broadcast %mul3A_25 : f32 to vector<1x128xf32>
    %mul3A_27 = arith.mulf %get3A_24, %mul3A_26 : vector<1x128xf32>
    %mul3A_28 = vector.broadcast %mul3A_27 : vector<1x128xf32> to vector<2000x128xf32>
    %mul3A_29 = arith.mulf %add3A_21, %mul3A_28 : vector<2000x128xf32>
    %get3A_30 = arith.constant 0 : index
    %get3A_31 = arith.constant 0 : index
    %get3A_32 = vector.load %arg6[%get3A_30, %get3A_31] : memref<1x128xf32, #tpu.memory_space<vmem>>, vector<1x128xf32>
    %add3A_33 = vector.broadcast %get3A_32 : vector<1x128xf32> to vector<2000x128xf32>
    %add3A_34 = arith.addf %mul3A_29, %add3A_33 : vector<2000x128xf32>
    %max3A = arith.constant 0.000000e+00 : f32
    %max3A_35 = vector.broadcast %max3A : f32 to vector<2000x128xf32>
    %max3A_36 = arith.maximumf %add3A_34, %max3A_35 : vector<2000x128xf32>
    %get3A_37 = arith.constant 0 : index
    %get3A_38 = arith.constant 0 : index
    %get3A_39 = vector.load %arg7[%get3A_37, %get3A_38] : memref<128x128xf32, #tpu.memory_space<vmem>>, vector<128x128xf32>
    %dot_general3A = arith.constant dense<0.000000e+00> : vector<2000x128xf32>
    %dot_general3A_40 = tpu.matmul %max3A_36, %get3A_39, %dot_general3A {dimension_numbers = #tpu.dot_dimension_numbers<[1], [0], [0], [1], [0, 0, 1, 1], [], []>, transpose_lhs_hint = false} : vector<2000x128xf32>, vector<128x128xf32>, vector<2000x128xf32> -> vector<2000x128xf32>
    %mul3A_41 = vector.broadcast %get3A_1 : vector<2000x1xf32> to vector<2000x128xf32>
    %mul3A_42 = arith.mulf %dot_general3A_40, %mul3A_41 : vector<2000x128xf32>
    %swap3A = arith.constant 0 : index
    %swap3A_43 = arith.constant 0 : index
    %swap3A_44 = vector.load %arg8[%swap3A, %swap3A_43] : memref<2000x128xf32, #tpu.memory_space<vmem>>, vector<2000x128xf32>
    tpu.vector_store %arg8[%swap3A, %swap3A_43], %mul3A_42 {strides = array<i32>} : memref<2000x128xf32, #tpu.memory_space<vmem>>, vector<2000x128xf32>,
    return
  }
  func.func @transform_0(%arg0: i32) -> (i32, i32, i32) {
    %c0_i32 = arith.constant 0 : i32
    %c0_i32_0 = arith.constant 0 : i32
    %c0_i32_1 = arith.constant 0 : i32
    return %c0_i32, %arg0, %c0_i32_0 : i32, i32, i32
  }
  func.func @transform_1(%arg0: i32) -> (i32, i32) {
    %c0_i32 = arith.constant 0 : i32
    %c0_i32_0 = arith.constant 0 : i32
    return %arg0, %c0_i32 : i32, i32
  }
  func.func @transform_2(%arg0: i32) -> (i32, i32) {
    %c0_i32 = arith.constant 0 : i32
    %c0_i32_0 = arith.constant 0 : i32
    return %arg0, %c0_i32 : i32, i32
  }
  func.func @transform_3(%arg0: i32) -> (i32, i32) {
    %c0_i32 = arith.constant 0 : i32
    %c0_i32_0 = arith.constant 0 : i32
    %c0_i32_1 = arith.constant 0 : i32
    return %c0_i32, %c0_i32_0 : i32, i32
  }
  func.func @transform_4(%arg0: i32) -> (i32, i32) {
    %c0_i32 = arith.constant 0 : i32
    %c0_i32_0 = arith.constant 0 : i32
    %c0_i32_1 = arith.constant 0 : i32
    return %c0_i32, %c0_i32_0 : i32, i32
  }
  func.func @transform_5(%arg0: i32) -> (i32, i32) {
    %c0_i32 = arith.constant 0 : i32
    %c0_i32_0 = arith.constant 0 : i32
    %c0_i32_1 = arith.constant 0 : i32
    return %c0_i32, %c0_i32_0 : i32, i32
  }
  func.func @transform_6(%arg0: i32) -> (i32, i32) {
    %c0_i32 = arith.constant 0 : i32
    %c0_i32_0 = arith.constant 0 : i32
    %c0_i32_1 = arith.constant 0 : i32
    return %c0_i32, %c0_i32_0 : i32, i32
  }
  func.func @transform_7(%arg0: i32) -> (i32, i32) {
    %c0_i32 = arith.constant 0 : i32
    %c0_i32_0 = arith.constant 0 : i32
    return %arg0, %c0_i32 : i32, i32
  }
}

module attributes {stable_mosaic.version = 14 : i64} {
  func.func @_t3_body(%arg0: i32, %arg1: memref<2x2000x128xf32, #tpu.memory_space<vmem>>, %arg2: memref<2000x128xf32, #tpu.memory_space<vmem>>, %arg3: memref<2000x1xf32, #tpu.memory_space<vmem>>, %arg4: memref<1x128xf32, #tpu.memory_space<vmem>>, %arg5: memref<1x128xf32, #tpu.memory_space<vmem>>, %arg6: memref<1x128xf32, #tpu.memory_space<vmem>>, %arg7: memref<128x64xf32, #tpu.memory_space<vmem>>, %arg8: memref<1x64xf32, #tpu.memory_space<vmem>>, %arg9: memref<64x4xf32, #tpu.memory_space<vmem>>, %arg10: memref<1x4xf32, #tpu.memory_space<vmem>>, %arg11: memref<1x4xf32, #tpu.memory_space<vmem>>, %arg12: memref<1x128xf32, #tpu.memory_space<vmem>>) attributes {dimension_semantics = [#tpu.dimension_semantics<arbitrary>], iteration_bounds = array<i64: 5>, scalar_prefetch = 0 : i64, scratch_operands = 1 : i64, tpu.core_type = #tpu.core_type<tc>, window_params = [{transform_indices = @transform_0, window_bounds = array<i64: 2, 2000, 128>}, {transform_indices = @transform_1, window_bounds = array<i64: 2000, 128>}, {transform_indices = @transform_2, window_bounds = array<i64: 2000, 1>}, {pipeline_mode = #tpu.pipeline_mode<synchronous>, transform_indices = @transform_3, window_bounds = array<i64: 1, 128>}, {pipeline_mode = #tpu.pipeline_mode<synchronous>, transform_indices = @transform_4, window_bounds = array<i64: 1, 128>}, {pipeline_mode = #tpu.pipeline_mode<synchronous>, transform_indices = @transform_5, window_bounds = array<i64: 1, 128>}, {pipeline_mode = #tpu.pipeline_mode<synchronous>, transform_indices = @transform_6, window_bounds = array<i64: 128, 64>}, {pipeline_mode = #tpu.pipeline_mode<synchronous>, transform_indices = @transform_7, window_bounds = array<i64: 1, 64>}, {pipeline_mode = #tpu.pipeline_mode<synchronous>, transform_indices = @transform_8, window_bounds = array<i64: 64, 4>}, {pipeline_mode = #tpu.pipeline_mode<synchronous>, transform_indices = @transform_9, window_bounds = array<i64: 1, 4>}, {pipeline_mode = #tpu.pipeline_mode<synchronous>, transform_indices = @transform_10, window_bounds = array<i64: 1, 4>}]} {
    %get3A = arith.constant 0 : index
    %get3A_0 = arith.constant 0 : index
    %get3A_1 = arith.constant 0 : index
    %get3A_2 = vector.load %arg1[%get3A, %get3A_0, %get3A_1] : memref<2x2000x128xf32, #tpu.memory_space<vmem>>, vector<1x2000x128xf32>
    %get3A_3 = vector.shape_cast %get3A_2 : vector<1x2000x128xf32> to vector<2000x128xf32>
    %get3A_4 = arith.constant 1 : index
    %get3A_5 = arith.constant 0 : index
    %get3A_6 = arith.constant 0 : index
    %get3A_7 = vector.load %arg1[%get3A_4, %get3A_5, %get3A_6] : memref<2x2000x128xf32, #tpu.memory_space<vmem>>, vector<1x2000x128xf32>
    %get3A_8 = vector.shape_cast %get3A_7 : vector<1x2000x128xf32> to vector<2000x128xf32>
    %add3A = arith.addf %get3A_3, %get3A_8 : vector<2000x128xf32>
    %get3A_9 = arith.constant 0 : index
    %get3A_10 = arith.constant 0 : index
    %get3A_11 = vector.load %arg2[%get3A_9, %get3A_10] : memref<2000x128xf32, #tpu.memory_space<vmem>>, vector<2000x128xf32>
    %add3A_12 = arith.addf %add3A, %get3A_11 : vector<2000x128xf32>
    %get3A_13 = arith.constant 0 : index
    %get3A_14 = arith.constant 0 : index
    %get3A_15 = vector.load %arg3[%get3A_13, %get3A_14] : memref<2000x1xf32, #tpu.memory_space<vmem>>, vector<2000x1xf32>
    %mul3A = vector.broadcast %get3A_15 : vector<2000x1xf32> to vector<2000x128xf32>
    %mul3A_16 = arith.mulf %add3A_12, %mul3A : vector<2000x128xf32>
    %get3A_17 = arith.constant 0 : index
    %get3A_18 = arith.constant 0 : index
    %get3A_19 = vector.load %arg4[%get3A_17, %get3A_18] : memref<1x128xf32, #tpu.memory_space<vmem>>, vector<1x128xf32>
    %add3A_20 = vector.broadcast %get3A_19 : vector<1x128xf32> to vector<2000x128xf32>
    %add3A_21 = arith.addf %mul3A_16, %add3A_20 : vector<2000x128xf32>
    %get3A_22 = arith.constant 0 : index
    %get3A_23 = arith.constant 0 : index
    %get3A_24 = vector.load %arg5[%get3A_22, %get3A_23] : memref<1x128xf32, #tpu.memory_space<vmem>>, vector<1x128xf32>
    %mul3A_25 = arith.constant 0.999994993 : f32
    %mul3A_26 = vector.broadcast %mul3A_25 : f32 to vector<1x128xf32>
    %mul3A_27 = arith.mulf %get3A_24, %mul3A_26 : vector<1x128xf32>
    %mul3A_28 = vector.broadcast %mul3A_27 : vector<1x128xf32> to vector<2000x128xf32>
    %mul3A_29 = arith.mulf %add3A_21, %mul3A_28 : vector<2000x128xf32>
    %get3A_30 = arith.constant 0 : index
    %get3A_31 = arith.constant 0 : index
    %get3A_32 = vector.load %arg6[%get3A_30, %get3A_31] : memref<1x128xf32, #tpu.memory_space<vmem>>, vector<1x128xf32>
    %add3A_33 = vector.broadcast %get3A_32 : vector<1x128xf32> to vector<2000x128xf32>
    %add3A_34 = arith.addf %mul3A_29, %add3A_33 : vector<2000x128xf32>
    %max3A = arith.constant 0.000000e+00 : f32
    %max3A_35 = vector.broadcast %max3A : f32 to vector<2000x128xf32>
    %max3A_36 = arith.maximumf %add3A_34, %max3A_35 : vector<2000x128xf32>
    %reduce_sum3A = arith.constant dense<0.000000e+00> : vector<128xf32>
    %reduce_sum3A_37 = vector.multi_reduction <add>, %max3A_36, %reduce_sum3A [0] : vector<2000x128xf32> to vector<128xf32>
    %broadcast_in_dim3A = vector.shape_cast %reduce_sum3A_37 : vector<128xf32> to vector<1x128xf32>
    %eq3A = arith.constant 0 : i32
    %eq3A_38 = arith.cmpi eq, %arg0, %eq3A : i32
    %convert_element_type3A = arith.extui %eq3A_38 : i1 to i32
    %cond3A = arith.constant 0 : i32
    %cond3A_39 = arith.cmpi ne, %convert_element_type3A, %cond3A : i32
    scf.if %cond3A_39 {
      %swap3A = arith.constant 0 : index
      %swap3A_49 = arith.constant 0 : index
      %swap3A_50 = vector.load %arg12[%swap3A, %swap3A_49] : memref<1x128xf32, #tpu.memory_space<vmem>>, vector<1x128xf32>
      tpu.vector_store %arg12[%swap3A, %swap3A_49], %broadcast_in_dim3A {strides = array<i32>} : memref<1x128xf32, #tpu.memory_space<vmem>>, vector<1x128xf32>,
    } else {
    }
    %gt3A = arith.constant 0 : i32
    %gt3A_40 = arith.cmpi sgt, %arg0, %gt3A : i32
    %convert_element_type3A_41 = arith.extui %gt3A_40 : i1 to i32
    %cond3A_42 = arith.constant 0 : i32
    %cond3A_43 = arith.cmpi ne, %convert_element_type3A_41, %cond3A_42 : i32
    scf.if %cond3A_43 {
      %get3A_49 = arith.constant 0 : index
      %get3A_50 = arith.constant 0 : index
      %get3A_51 = vector.load %arg12[%get3A_49, %get3A_50] : memref<1x128xf32, #tpu.memory_space<vmem>>, vector<1x128xf32>
      %add3A_52 = arith.addf %get3A_51, %broadcast_in_dim3A : vector<1x128xf32>
      %swap3A = arith.constant 0 : index
      %swap3A_53 = arith.constant 0 : index
      %swap3A_54 = vector.load %arg12[%swap3A, %swap3A_53] : memref<1x128xf32, #tpu.memory_space<vmem>>, vector<1x128xf32>
      tpu.vector_store %arg12[%swap3A, %swap3A_53], %add3A_52 {strides = array<i32>} : memref<1x128xf32, #tpu.memory_space<vmem>>, vector<1x128xf32>,
    } else {
    }
    %eq3A_44 = arith.constant 4 : i32
    %eq3A_45 = arith.cmpi eq, %arg0, %eq3A_44 : i32
    %convert_element_type3A_46 = arith.extui %eq3A_45 : i1 to i32
    %cond3A_47 = arith.constant 0 : i32
    %cond3A_48 = arith.cmpi ne, %convert_element_type3A_46, %cond3A_47 : i32
    scf.if %cond3A_48 {
      %get3A_49 = arith.constant 0 : index
      %get3A_50 = arith.constant 0 : index
      %get3A_51 = vector.load %arg12[%get3A_49, %get3A_50] : memref<1x128xf32, #tpu.memory_space<vmem>>, vector<1x128xf32>
      %mul3A_52 = arith.constant 9.99999974E-5 : f32
      %mul3A_53 = vector.broadcast %mul3A_52 : f32 to vector<1x128xf32>
      %mul3A_54 = arith.mulf %get3A_51, %mul3A_53 : vector<1x128xf32>
      %get3A_55 = arith.constant 0 : index
      %get3A_56 = arith.constant 0 : index
      %get3A_57 = vector.load %arg7[%get3A_55, %get3A_56] : memref<128x64xf32, #tpu.memory_space<vmem>>, vector<128x64xf32>
      %dot_general3A = arith.constant dense<0.000000e+00> : vector<1x64xf32>
      %dot_general3A_58 = tpu.matmul %mul3A_54, %get3A_57, %dot_general3A {dimension_numbers = #tpu.dot_dimension_numbers<[1], [0], [0], [1], [0, 0, 1, 1], [], []>, transpose_lhs_hint = false} : vector<1x128xf32>, vector<128x64xf32>, vector<1x64xf32> -> vector<1x64xf32>
      %get3A_59 = arith.constant 0 : index
      %get3A_60 = arith.constant 0 : index
      %get3A_61 = vector.load %arg8[%get3A_59, %get3A_60] : memref<1x64xf32, #tpu.memory_space<vmem>>, vector<1x64xf32>
      %add3A_62 = arith.addf %dot_general3A_58, %get3A_61 : vector<1x64xf32>
      %max3A_63 = arith.constant 0.000000e+00 : f32
      %max3A_64 = vector.broadcast %max3A_63 : f32 to vector<1x64xf32>
      %max3A_65 = arith.maximumf %add3A_62, %max3A_64 : vector<1x64xf32>
      %get3A_66 = arith.constant 0 : index
      %get3A_67 = arith.constant 0 : index
      %get3A_68 = vector.load %arg9[%get3A_66, %get3A_67] : memref<64x4xf32, #tpu.memory_space<vmem>>, vector<64x4xf32>
      %dot_general3A_69 = arith.constant dense<0.000000e+00> : vector<1x4xf32>
      %dot_general3A_70 = tpu.matmul %max3A_65, %get3A_68, %dot_general3A_69 {dimension_numbers = #tpu.dot_dimension_numbers<[1], [0], [0], [1], [0, 0, 1, 1], [], []>, transpose_lhs_hint = false} : vector<1x64xf32>, vector<64x4xf32>, vector<1x4xf32> -> vector<1x4xf32>
      %get3A_71 = arith.constant 0 : index
      %get3A_72 = arith.constant 0 : index
      %get3A_73 = vector.load %arg10[%get3A_71, %get3A_72] : memref<1x4xf32, #tpu.memory_space<vmem>>, vector<1x4xf32>
      %add3A_74 = arith.addf %dot_general3A_70, %get3A_73 : vector<1x4xf32>
      %swap3A = arith.constant 0 : index
      %swap3A_75 = arith.constant 0 : index
      %swap3A_76 = vector.load %arg11[%swap3A, %swap3A_75] : memref<1x4xf32, #tpu.memory_space<vmem>>, vector<1x4xf32>
      tpu.vector_store %arg11[%swap3A, %swap3A_75], %add3A_74 {strides = array<i32>} : memref<1x4xf32, #tpu.memory_space<vmem>>, vector<1x4xf32>,
    } else {
    }
    return
  }
  func.func @transform_0(%arg0: i32) -> (i32, i32, i32) {
    %c0_i32 = arith.constant 0 : i32
    %c0_i32_0 = arith.constant 0 : i32
    %c0_i32_1 = arith.constant 0 : i32
    return %c0_i32, %arg0, %c0_i32_0 : i32, i32, i32
  }
  func.func @transform_1(%arg0: i32) -> (i32, i32) {
    %c0_i32 = arith.constant 0 : i32
    %c0_i32_0 = arith.constant 0 : i32
    return %arg0, %c0_i32 : i32, i32
  }
  func.func @transform_2(%arg0: i32) -> (i32, i32) {
    %c0_i32 = arith.constant 0 : i32
    %c0_i32_0 = arith.constant 0 : i32
    return %arg0, %c0_i32 : i32, i32
  }
  func.func @transform_3(%arg0: i32) -> (i32, i32) {
    %c0_i32 = arith.constant 0 : i32
    %c0_i32_0 = arith.constant 0 : i32
    %c0_i32_1 = arith.constant 0 : i32
    return %c0_i32, %c0_i32_0 : i32, i32
  }
  func.func @transform_4(%arg0: i32) -> (i32, i32) {
    %c0_i32 = arith.constant 0 : i32
    %c0_i32_0 = arith.constant 0 : i32
    %c0_i32_1 = arith.constant 0 : i32
    return %c0_i32, %c0_i32_0 : i32, i32
  }
  func.func @transform_5(%arg0: i32) -> (i32, i32) {
    %c0_i32 = arith.constant 0 : i32
    %c0_i32_0 = arith.constant 0 : i32
    %c0_i32_1 = arith.constant 0 : i32
    return %c0_i32, %c0_i32_0 : i32, i32
  }
  func.func @transform_6(%arg0: i32) -> (i32, i32) {
    %c0_i32 = arith.constant 0 : i32
    %c0_i32_0 = arith.constant 0 : i32
    %c0_i32_1 = arith.constant 0 : i32
    return %c0_i32, %c0_i32_0 : i32, i32
  }
  func.func @transform_7(%arg0: i32) -> (i32, i32) {
    %c0_i32 = arith.constant 0 : i32
    %c0_i32_0 = arith.constant 0 : i32
    %c0_i32_1 = arith.constant 0 : i32
    return %c0_i32, %c0_i32_0 : i32, i32
  }
  func.func @transform_8(%arg0: i32) -> (i32, i32) {
    %c0_i32 = arith.constant 0 : i32
    %c0_i32_0 = arith.constant 0 : i32
    %c0_i32_1 = arith.constant 0 : i32
    return %c0_i32, %c0_i32_0 : i32, i32
  }
  func.func @transform_9(%arg0: i32) -> (i32, i32) {
    %c0_i32 = arith.constant 0 : i32
    %c0_i32_0 = arith.constant 0 : i32
    %c0_i32_1 = arith.constant 0 : i32
    return %c0_i32, %c0_i32_0 : i32, i32
  }
  func.func @transform_10(%arg0: i32) -> (i32, i32) {
    %c0_i32 = arith.constant 0 : i32
    %c0_i32_0 = arith.constant 0 : i32
    %c0_i32_1 = arith.constant 0 : i32
    return %c0_i32, %c0_i32_0 : i32, i32
  }
}

</mosaic_0001>

<sc_bundles>
// kernel: kernel.10.cloned.1.call-start
scs
__scs_entry_jumppad:
0x0: {  	(pc) =	sbr.rel $0x88, $3  }
0x1: {  	(tag) =	ssettag $0x0;
	lr =	simm.s32 $0x1  }
0x2: {  	[smem:$0x3F8F] =	sst lr;
	_ =	strace $0xD0000000  }
0x3: {  	_ = 	snop  }
0x4: {  	_ = 	snop  }
0x5: {  	_ = 	snop  }
0x6: {  	_ = 	snop  }
0x7: {  	_ = 	snop  }
__scs_overlays_trampoline_lowered:
0x8: {  	[smem:$0x3F9E] =	sst s0  }
0x9: {  	[smem:$0x3F9F] =	sst s1  }
0xa: {  	[smem:$0x3FA0] =	sst s2  }
0xb: {  	[smem:$0x3FA1] =	sst s3  }
0xc: {  	[smem:$0x3FA2] =	sst s4  }
0xd: {  	[smem:$0x3FA3] =	sst s5  }
0xe: {  	[smem:$0x3FA4] =	sst s6  }
0xf: {  	[smem:$0x3FA5] =	sst s7  }
0x10: {  	[smem:$0x3FA6] =	sst s8  }
0x11: {  	[smem:$0x3FA7] =	sst s9;
	s0 =	simm.s32 @!p0 $0x0  }
0x12: {  	s1 =	sld [smem:$0x3F8D];
	s0 =	simm.s32 @p0 $0x1  }
0x13: {  	[smem:$0x3FA8] =	sst s0;
	s0 =	simm.s32 @!p1 $0x0  }
0x14: {  	s2 =	sld [smem:$0x3F8C];
	s0 =	simm.s32 @p1 $0x1  }
0x15: {  	[smem:$0x3FA9] =	sst s0;
	s0 =	simm.s32 @!p2 $0x0  }
0x16: {  	s3 =	sld [smem:$0x3FDB];
	s0 =	simm.s32 @p2 $0x1  }
0x17: {  	s4 =	simm.s32 $0x1BF5;
	[smem:$0x3FAB] =	sst s0  }
0x18: {  	s0 =	sld [smem:$0x3F8E];
	_ =	swait.ge [sflag:s4], $0x0  }
0x19: {  	s7 =	sld [smem:$0x3F8F]  }
0x1a: {  	s8 =	sadd.s32 $0xFFFFE003, lr  }
0x1b: {  	s9 =	sadd.s32 $0xFFFFFEF7, lr;
	s5 =	simm.s32 $0xFFFFFFFF;
	p2 =	slt.u32 s8, $0xFFFFF086  }
0x1c: {  	p1 =	slt.u32 s9, $0xF7A;
	s5 =	simm.s32 @!p2 $0x0  }
0x1d: {  	s5 =	simm.s32 @p1 $0x1;
	p0 =	seq.s32 s7, s2  }
0x1e: {  	s7 =	smul.u32 @!p0 $0xF7A, s2;
	p2 =	seq.s32 @!p0 s5, $0x0  }
0x1f: {  	s9 =	smul.u32 $0xF7A, s1;
	s8 =	simm.s32 @!p0 $0x1BF5;
	p2 =	por !p2, p0  }
0x20: {  	[sflag:s8] =	ssyncset.s32 @!p0 $0xFFFFF086;
	s6 =	sadd.s32 @!p0 s3, s7;
	s7 =	simm.s32 @!p0 $0x108  }
0x21: {  	s3 =	sadd.s32 s3, s9;
	s6 =	sadd.s32 @!p0 $0x88, s6;
	s7 =	simm.s32 @p2 $0x1082  }
0x22: {  	[simem:s7], [sflag:s8] =	dma.local @!p0 [hbm:s6], $0xF7A  }
0x23: {  	s9 =	sor.u32 $0xD0000000, s2;
	s6 =	simm.s32 $0x108;
	_ =	swait.ge @!p0 [sflag:s8], $0x0  }
0x24: {  	s3 =	sadd.s32 $0x88, s3;
	s6 =	simm.s32 @!p1 $0x1082;
	[sflag:s4] =	ssyncset.s32 $0xFFFFF086  }
0x25: {  	[simem:s6], [sflag:s4] =	dma.local [hbm:s3], $0xF7A  }
0x26: {  	[smem:$0x3F8F] =	sst s1;
	(tag) =	ssettag s2;
	_ =	strace s9  }
0x27: {  	s1 =	sld [smem:$0x3F9F]  }
0x28: {  	s2 =	sld [smem:$0x3FA0]  }
0x29: {  	s4 =	sld [smem:$0x3FA2]  }
0x2a: {  	p0 =	seq.s32 s5, $0x0;
	s5 =	sld [smem:$0x3FA3]  }
0x2b: {  	s6 =	sld [smem:$0x3FA4]  }
0x2c: {  	s7 =	sld [smem:$0x3FA5]  }
0x2d: {  	s3 =	simm.s32 $0x108;
	s8 =	sld [smem:$0x3FA6]  }
0x2e: {  	s3 =	simm.s32 @!p0 $0x1082;
	s9 =	sld [smem:$0x3FA7]  }
0x2f: {  	lr =	sadd.s32 s0, s3;
	s0 =	sld [smem:$0x3F9E]  }
0x30: {  	s3 =	sld [smem:$0x3FA1]  }
0x31: {  	[smem:$0x3FAA] =	sst s10  }
0x32: {  	s10 =	sld [smem:$0x3FA8];
	_ =	sdelay $0x3  }
0x33: {  	p0 =	seq.s32 s10, $0x1;
	s10 =	sld [smem:$0x3FAA];
	_ =	sdelay $0x3  }
0x34: {  	[smem:$0x3FAA] =	sst s10  }
0x35: {  	s10 =	sld [smem:$0x3FA9];
	_ =	sdelay $0x3  }
0x36: {  	p1 =	seq.s32 s10, $0x1;
	s10 =	sld [smem:$0x3FAA];
	_ =	sdelay $0x3  }
0x37: {  	[smem:$0x3FAA] =	sst s10  }
0x38: {  	s10 =	sld [smem:$0x3FAB]  }
0x39: {  	_ = 	snop;
	(pc) =	sbr.ind lr, $3  }
0x3a: {  	_ = 	snop  }
0x3b: {  	_ = 	snop  }
0x3c: {  	p2 =	seq.s32 s10, $0x1;
	s10 =	sld [smem:$0x3FAA]  }
0x3d: {  	_ =	shalt  }
0x3e: {  	_ =	shalt  }
0x3f: {  	_ =	shalt  }
0x40: {  	_ =	shalt  }
0x41: {  	_ =	shalt  }
0x42: {  	_ =	shalt  }
0x43: {  	_ =	shalt  }
0x44: {  	_ =	shalt  }
0x45: {  	_ =	shalt  }
0x46: {  	_ =	shalt  }
0x47: {  	_ =	shalt  }
0x48: {  	_ =	shalt  }
0x49: {  	_ =	shalt  }
0x4a: {  	_ =	shalt  }
0x4b: {  	_ =	shalt  }
0x4c: {  	_ =	shalt  }
0x4d: {  	_ =	shalt  }
0x4e: {  	_ =	shalt  }
0x4f: {  	_ =	shalt  }
0x50: {  	_ =	shalt  }
0x51: {  	_ =	shalt  }
0x52: {  	_ =	shalt  }
0x53: {  	_ =	shalt  }
0x54: {  	_ =	shalt  }
0x55: {  	_ =	shalt  }
0x56: {  	_ =	shalt  }
0x57: {  	_ =	shalt  }
0x58: {  	_ =	shalt  }
0x59: {  	_ =	shalt  }
0x5a: {  	_ =	shalt  }
0x5b: {  	_ =	shalt  }
0x5c: {  	_ =	shalt  }
0x5d: {  	_ =	shalt  }
0x5e: {  	_ =	shalt  }
0x5f: {  	_ =	shalt  }
0x60: {  	_ =	shalt  }
0x61: {  	_ =	shalt  }
0x62: {  	_ =	shalt  }
0x63: {  	_ =	shalt  }
0x64: {  	_ =	shalt  }
0x65: {  	_ =	shalt  }
0x66: {  	_ =	shalt  }
0x67: {  	_ =	shalt  }
0x68: {  	_ =	shalt  }
0x69: {  	_ =	shalt  }
0x6a: {  	_ =	shalt  }
0x6b: {  	_ =	shalt  }
0x6c: {  	_ =	shalt  }
0x6d: {  	_ =	shalt  }
0x6e: {  	_ =	shalt  }
0x6f: {  	_ =	shalt  }
0x70: {  	_ =	shalt  }
0x71: {  	_ =	shalt  }
0x72: {  	_ =	shalt  }
0x73: {  	_ =	shalt  }
0x74: {  	_ =	shalt  }
0x75: {  	_ =	shalt  }
0x76: {  	_ =	shalt  }
0x77: {  	_ =	shalt  }
0x78: {  	_ =	shalt  }
0x79: {  	_ =	shalt  }
0x7a: {  	_ =	shalt  }
0x7b: {  	_ =	shalt  }
0x7c: {  	_ =	shalt  }
0x7d: {  	_ =	shalt  }
0x7e: {  	_ =	shalt  }
0x7f: {  	_ =	shalt  }
0x80: {  	_ =	shalt  }
0x81: {  	_ =	shalt  }
0x82: {  	_ =	shalt  }
0x83: {  	_ =	shalt  }
0x84: {  	_ =	shalt  }
0x85: {  	_ =	shalt  }
0x86: {  	_ =	shalt  }
0x87: {  	_ =	shalt  }
.Lfunc_end0:
.L_simem_size_0:
called_computation_lowered:
.L_overlay_start_0:
0x88: {  	s2 =	sld [smem:$0x3FD9]  }
0x89: {  	s3 =	sld [smem:$0x3FFE];
	_ =	sdelay $0x1  }
0x8a: {  	s1 =	srdreg.scid  }
0x8b: {  	s0 =	sand.u32 $0x1, s1  }
0x8c: {  	s16 =	sshll.u32 s0, $0xA;
	s2 =	sadd.s32 s3, s2  }
0x8d: {  	s2 =	sadd.s32 s2, s16  }
0x8e: {  	[smem:$0x3FB6] =	sst s2  }
0x8f: {  	_ = 	snop  }
0x90: {  	(tm) =	ssettm $0x1  }
0x91: {  	s17 =	sld [smem:$0x3FFB];
	_ =	sdelay $0x3  }
0x92: {  	_ =	strace s17  }
0x93: {  	s2 =	sld [smem:$0x3FFC];
	_ =	sdelay $0x3  }
0x94: {  	_ =	strace s2  }
0x95: {  	s2 =	sld [smem:$0x3FFD];
	_ =	sdelay $0x3  }
0x96: {  	_ =	strace s2  }
0x97: {  	_ =	strace $0x8FFFFFFF  }
0x98: {  	s18 =	sld [smem:$0x3FDB];
	_ =	sdelay $0x1  }
0x99: {  	s19 =	simm.s32 $_scs_section_size  }
0x9a: {  	s4 =	simm.s32 $_size__tile_overlayer_lowered;
	s5 =	simm.s32 $_tile_overlayer_lowered  }
0x9b: {  	s22 =	simm.s32 $0x1BFF;
	s21 =	sshll.u32 s5, $0x1;
	s2 =	sadd.s32 s19, s18  }
0x9c: {  	s6 =	simm.s32 $0x0;
	s20 =	sshll.u32 s4, $0x1;
	s4 =	sadd.s32 s21, s2  }
0x9d: {  	[timem:s6], [sflag:s22] =	dma.local [hbm:s4], s20  }
0x9e: {  	_ =	swait.ge [sflag:s22], s20  }
0x9f: {  	s3 =	ssub.s32 $0x0, s20;
	[sflag:s22] =	ssyncset.done $0x0  }
0xa0: {  	[sflag:s22] =	ssyncadd.s32 s3;
	_ =	sdelay $0x1  }
0xa1: {  	s23 =	simm.s32 $0x1B8B  }
0xa2: {  	_ =	swait.ge [sflag:s23], $0x1  }
0xa3: {  	[sflag:s23] =	ssyncset.done $0x0  }
0xa4: {  	s25 =	simm.s32 $0x1B8E;
	s24 =	sld [smem:$0x3FFE];
	[sflag:s23] =	ssyncadd.s32 $0xFFFFFFFF  }
0xa5: {  	s26 =	simm.s32 $execute0_lowered;
	[smem:$0x3FD2] =	sst s25  }
0xa6: {  	s4 =	sshll.u32 s26, $0x1;
	_ =	strace $0x80000046;
	[dreg:$0x1] =	wrdreg $0xFFFFFFFF  }
0xa7: {  	s28 =	simm.s32 $_size_execute0_lowered;
	s2 =	sadd.s32 s2, s4;
	[dreg:$0x0] =	wrdreg $0x0  }
0xa8: {  	s4 =	sshll.u32 s28, $0x1;
	[dreg:$0x2] =	wrdreg s2  }
0xa9: {  	[dreg:$0x3] =	wrdreg s4  }
0xaa: {  	[dreg:$0x4] =	wrdreg $0xC0  }
0xab: {  	_ =	task [dreg:s6], $0x5FFFF  }
0xac: {  	[dreg:$0x1] =	wrdreg $0xFFFFFFFF  }
0xad: {  	[dreg:$0x0] =	wrdreg $0x60  }
0xae: {  	[dreg:$0x2] =	wrdreg s24  }
0xaf: {  	[dreg:$0x3] =	wrdreg $0x43000  }
0xb0: {  	[dreg:$0x4] =	wrdreg $0x9  }
0xb1: {  	_ =	task.clear_ibuf [dreg:s6], $0x5FFFF;
	_ =	strace $0x90000046  }
0xb2: {  	s29 =	simm.s32 $0x9;
	_ =	strace $0x80000048  }
0xb3: {  	_ =	swait.ge [sflag:s29], $0x1  }
0xb4: {  	[sflag:s29] =	ssyncadd.s32 $0xFFFFFFFF  }
0xb5: {  	_ =	strace $0x90000048  }
0xb6: {  	_ =	sfence  }
0xb7: {  	s30 =	sld [smem:$0x0];
	_ =	sdelay $0x2  }
0xb8: {  	s31 =	sshll.u32 s1, $0xD;
	s1 =	sshrl.u32 s1, $0x2  }
0xb9: {  	s3 =	sand.u32 $0x4000, s31;
	s1 =	sadd.s32 s1, s30  }
0xba: {  	s0 =	sor.u32 s3, s0;
	s1 =	sshll.u32 s1, $0x11  }
0xbb: {  	s0 =	sor.u32 s1, s0  }
0xbc: {  	s0 =	sadd.s32 $0x8F2B, s0  }
0xbd: {  	[sflag:s0] =	ssyncadd.remote.s32 $0x1  }
0xbe: {  	_ =	sfence.sel $0xFFFF  }
0xbf: {  	[dreg:$0x0] =	wrdreg $0xFFFFFFFF;
	(pc) =	sbr.abs _section_cstart, $3  }
0xc0: {  	[dreg:$0x1] =	wrdreg $0xFFFFFFFF  }
0xc1: {  	_ =	task.clear_ibuf [dreg:s6], $0x2FFFF;
	_ =	strace $0x9FFFFFFF  }
0xc2: {  	(tm) =	ssettm $0x7FFFFFFF  }
0xc3: {  	_ =	shalt  }
tec
execute0_lowered:
.L_overlay_start_1:
0x0: {  	(tag) =	ssettag $0x1  }
0x1: {  	s4 =	rddreg [dreg:$0x0];
	s0 =	stileid.u32  }
0x2: {  	s1 =	srdreg.scid;
	s2 =	rddreg [dreg:$0x1]  }
0x3: {  	s3 =	simm.s32 $0x0;
	s10 =	simm.s32 $0x50;
	s11 =	simm.s32 $0x4000  }
0x4: {  	s12 =	simm.s32 $0x1;
	s5 =	sand.u32 $0x1, s1;
	s1 =	rddreg [dreg:$0x2]  }
0x5: {  	s13 =	simm.s32 $0x0;
	s6 =	smul.u32 $0x280, s0;
	[smem:$0x7FF] =	sst s3  }
0x6: {  	s8 =	sshll.u32 s0, $0xB;
	s7 =	smul.u32 $0x2800, s5;
	_ =	strace $0x80000047  }
0x7: {  	s8 =	sadd.s32 s8, s4;
	s9 =	ssub.s32 $0x2, s5;
	s5 =	sshll.u32 s5, $0xF  }
0x8: {  	s31 =	sshrl.u32 s9, $0x1;
	s5 =	sadd.s32 s5, s8;
	s7 =	sadd.s32 s6, s7  }
0x9: {  	s8 =	simm.s32 $0x4080;
	s9 =	ssub.s32 s9, s31;
	s7 =	sshrl.u32 s7, $0x3  }
0xa: {  	s5 =	sadd.s32 $0x4800, s5;
	s7 =	sadd.s32 s7, s4;
	s4 =	sadd.s32 s6, s2  }
0xb: {  	v0 =	vimm.f32 $1.000000000e+00;
	v1 =	vimm.f32 $0.0e+00;
	s6 =	sadd.s32 $0x14800, s7;
	s7 =	smax.u32 s9, $0x1;
	s9 =	simm.s32 $0x2  }
.LBB2_1:
0xc: {  	[tilespmem:$0x4000] =	vst v0  }
0xd: {  	[tilespmem:$0x4010] =	vst v0  }
0xe: {  	[tilespmem:$0x4020] =	vst v0  }
0xf: {  	[tilespmem:$0x4030] =	vst v0  }
0x10: {  	[tilespmem:$0x4040] =	vst v0  }
0x11: {  	[tilespmem:$0x4080] =	vst v1  }
0x12: {  	[tilespmem:$0x4090] =	vst v1  }
0x13: {  	[tilespmem:$0x40A0] =	vst v1  }
0x14: {  	[tilespmem:$0x40B0] =	vst v1  }
0x15: {  	[tilespmem:$0x40C0] =	vst v1  }
0x16: {  	[tilespmem:$0x40D0] =	vst v1  }
0x17: {  	[tilespmem:$0x40E0] =	vst v1  }
0x18: {  	[tilespmem:$0x40F0] =	vst v1  }
0x19: {  	[tilespmem:$0x4100] =	vst v1  }
0x1a: {  	[tilespmem:$0x4110] =	vst v1  }
0x1b: {  	[tilespmem:$0x4120] =	vst v1  }
0x1c: {  	[tilespmem:$0x4130] =	vst v1  }
0x1d: {  	[tilespmem:$0x4140] =	vst v1  }
0x1e: {  	[tilespmem:$0x4150] =	vst v1  }
0x1f: {  	[tilespmem:$0x4160] =	vst v1  }
0x20: {  	[tilespmem:$0x4170] =	vst v1  }
0x21: {  	[tilespmem:$0x4180] =	vst v1  }
0x22: {  	[tilespmem:$0x4190] =	vst v1  }
0x23: {  	[tilespmem:$0x41A0] =	vst v1  }
0x24: {  	[tilespmem:$0x41B0] =	vst v1  }
0x25: {  	[tilespmem:$0x41C0] =	vst v1  }
0x26: {  	[tilespmem:$0x41D0] =	vst v1  }
0x27: {  	[tilespmem:$0x41E0] =	vst v1  }
0x28: {  	[tilespmem:$0x41F0] =	vst v1  }
0x29: {  	[tilespmem:$0x4200] =	vst v1  }
0x2a: {  	[tilespmem:$0x4210] =	vst v1  }
0x2b: {  	[tilespmem:$0x4220] =	vst v1  }
0x2c: {  	[tilespmem:$0x4230] =	vst v1  }
0x2d: {  	[tilespmem:$0x4240] =	vst v1  }
0x2e: {  	[tilespmem:$0x4250] =	vst v1  }
0x2f: {  	[tilespmem:$0x4260] =	vst v1  }
0x30: {  	[tilespmem:$0x4270] =	vst v1  }
0x31: {  	[tilespmem:$0x4280] =	vst v1  }
0x32: {  	[tilespmem:$0x4290] =	vst v1  }
0x33: {  	[tilespmem:$0x42A0] =	vst v1  }
0x34: {  	[tilespmem:$0x42B0] =	vst v1  }
0x35: {  	[tilespmem:$0x42C0] =	vst v1  }
0x36: {  	[tilespmem:$0x42D0] =	vst v1  }
0x37: {  	[tilespmem:$0x42E0] =	vst v1  }
0x38: {  	[tilespmem:$0x42F0] =	vst v1  }
0x39: {  	[spmem:s4] =	stream.linear.scatter [tilespmem:s8], [sflag:$0x2], $0x280, $0x38;
	[tilespmem:$0x4580] =	vst v63  }
0x3a: {  	_ =	swait.ge [sflag:s9], $0x280  }
0x3b: {  	[sflag:s9] =	ssyncset.done $0x0  }
0x3c: {  	[sflag:s9] =	ssyncadd.s32 $0xFFFFFD80  }
0x3d: {  	[tilespmem:s3], [sflag:$0x2] =	stream.linear.gather [hbm4b:s5+s3], $0x3E80, $0x38;
	[tilespmem:$0x4580] =	vst v63  }
0x3e: {  	_ =	swait.ge [sflag:s9], $0x3E80  }
0x3f: {  	[sflag:s9] =	ssyncset.done $0x0  }
0x40: {  	[sflag:s9] =	ssyncadd.s32 $0xFFFFC180  }
0x41: {  	s14 =	simm.s32 $0x0;
	[bflag:$0x0] =	sbarrier.arrive $0xFFFF  }
.LBB2_2:
0x42: {  	p0 =	sne.s32 s14, $0xF800  }
.Ltmp0:
0x43: {  	_ = 	snop;
	(pc) =	sbr.rel @p0 .LBB2_2-.Ltmp0, $3  }
0x44: {  	_ =	sdelay $0x1  }
0x45: {  	s15 =	sshra.s32 s14, $0x2;
	s14 =	sadd.s32 $0x200, s14  }
0x46: {  	[spmem:s2] =	stream.indirect.scatter.add.f32 [tilespmem:s11], [sflag:$0x1], $0x1, s15, s10, $0xb8;
	[tilespmem:$0x4580] =	vst v63  }
0x47: {  	_ =	swait.ge [sflag:s12], $0x50  }
0x48: {  	s14 =	simm.s32 $0x7C;
	[sflag:s12] =	ssyncset.done $0x0  }
.LBB2_4:
0x49: {  	p0 =	sne.s32 s14, $0x1;
	s14 =	sadd.s32 $0xFFFFFFFF, s14;
	[sflag:s12] =	ssyncadd.s32 $0xFFFFFFB0  }
.Ltmp1:
0x4a: {  	(pc) =	sbr.rel @p0 .LBB2_4-.Ltmp1, $3  }
0x4b: {  	_ =	sdelay $0x1  }
0x4c: {  	_ =	swait.ge [sflag:s12], $0x50  }
0x4d: {  	[sflag:s12] =	ssyncset.done $0x0  }
0x4e: {  	[sflag:s12] =	ssyncadd.s32 $0xFFFFFFB0  }
0x4f: {  	[bflag:$0x0] =	sbarrier.arrive $0xFFFF  }
0x50: {  	[tilespmem:s8], [sflag:$0x2] =	stream.linear.gather [spmem:s4], $0x280, $0x38;
	[tilespmem:$0x4580] =	vst v63  }
0x51: {  	s13 =	sadd.s32 $0x1, s13;
	_ =	swait.ge [sflag:s9], $0x280  }
0x52: {  	p0 =	sne.s32 s13, s7;
	[sflag:s9] =	ssyncset.done $0x0  }
.Ltmp2:
0x53: {  	[sflag:s9] =	ssyncadd.s32 $0xFFFFFD80;
	(pc) =	sbr.rel @p0 .LBB2_1-.Ltmp2, $4  }
0x54: {  	[hbm4b:s6+s3] =	stream.linear.scatter [tilespmem:s8], [sflag:$0x2], $0x280, $0x38;
	[tilespmem:$0x4580] =	vst v63  }
0x55: {  	_ =	swait.ge [sflag:s9], $0x280  }
0x56: {  	[sflag:s9] =	ssyncset.done $0x0  }
0x57: {  	[sflag:s9] =	ssyncadd.s32 $0xFFFFFD80  }
0x58: {  	_ =	sfence.sel $0x180000  }
0x59: {  	[bflag:$0x0] =	sbarrier.arrive $0xFFFF  }
0x5a: {  	p0 =	sne.s32 s0, $0x0;
	_ =	strace $0x90000047  }
0x5b: {  	s0 =	sadd.s32 @!p0 $0x100000, s1;
	[bflag:$0x2] =	sbarrier.arrive $0xFFFF  }
0x5c: {  	[sflag:s0] =	ssyncadd.tile.s32 @!p0 $0x1;
	_ =	shalt  }
.Lfunc_end2:
_tile_overlayer_lowered:
.L_overlay_start_2:
0x5d: {  	(tag) =	ssettag $0x2  }
0x5e: {  	s0 =	rddreg [dreg:$0x0];
	s2 =	stileid.u32  }
0x5f: {  	s1 =	rddreg [dreg:$0x1];
	p0 =	sne.s32 s2, $0x0  }
0x60: {  	s3 =	rddreg [dreg:$0x2];
	[bflag:$0x3] =	sbarrier.arrive $0xFFFF;
	s2 =	simm.s32 @!p0 $0x1C02  }
0x61: {  	[timem:s3], [sflag:s2] =	dma.local @!p0 [hbm:s0], s1  }
0x62: {  	s0 =	simm.s32 @!p0 $0x2  }
0x63: {  	_ =	swait.ge @!p0 [sflag:s0], s1  }
0x64: {  	s1 =	ssub.s32 @!p0 $0x0, s1;
	[sflag:s0] =	ssyncset.done @!p0 $0x0  }
0x65: {  	[sflag:s0] =	ssyncadd.s32 @!p0 s1  }
0x66: {  	[bflag:$0x3] =	sbarrier.arrive $0xFFFF  }
0x67: {  	_ =	shalt  }

// kernel: kernel.13.cloned.1.call-start
scs
__scs_entry_jumppad:
0x0: {  	(pc) =	sbr.rel $0x88, $3  }
0x1: {  	(tag) =	ssettag $0x0;
	lr =	simm.s32 $0x1  }
0x2: {  	[smem:$0x3F8F] =	sst lr;
	_ =	strace $0xD0000000  }
0x3: {  	_ = 	snop  }
0x4: {  	_ = 	snop  }
0x5: {  	_ = 	snop  }
0x6: {  	_ = 	snop  }
0x7: {  	_ = 	snop  }
__scs_overlays_trampoline_lowered:
0x8: {  	[smem:$0x3F9E] =	sst s0  }
0x9: {  	[smem:$0x3F9F] =	sst s1  }
0xa: {  	[smem:$0x3FA0] =	sst s2  }
0xb: {  	[smem:$0x3FA1] =	sst s3  }
0xc: {  	[smem:$0x3FA2] =	sst s4  }
0xd: {  	[smem:$0x3FA3] =	sst s5  }
0xe: {  	[smem:$0x3FA4] =	sst s6  }
0xf: {  	[smem:$0x3FA5] =	sst s7  }
0x10: {  	[smem:$0x3FA6] =	sst s8  }
0x11: {  	[smem:$0x3FA7] =	sst s9;
	s0 =	simm.s32 @!p0 $0x0  }
0x12: {  	s1 =	sld [smem:$0x3F8D];
	s0 =	simm.s32 @p0 $0x1  }
0x13: {  	[smem:$0x3FA8] =	sst s0;
	s0 =	simm.s32 @!p1 $0x0  }
0x14: {  	s2 =	sld [smem:$0x3F8C];
	s0 =	simm.s32 @p1 $0x1  }
0x15: {  	[smem:$0x3FA9] =	sst s0;
	s0 =	simm.s32 @!p2 $0x0  }
0x16: {  	s3 =	sld [smem:$0x3FDB];
	s0 =	simm.s32 @p2 $0x1  }
0x17: {  	s4 =	simm.s32 $0x1BF5;
	[smem:$0x3FAB] =	sst s0  }
0x18: {  	s0 =	sld [smem:$0x3F8E];
	_ =	swait.ge [sflag:s4], $0x0  }
0x19: {  	s7 =	sld [smem:$0x3F8F]  }
0x1a: {  	s8 =	sadd.s32 $0xFFFFE003, lr  }
0x1b: {  	s9 =	sadd.s32 $0xFFFFFEF7, lr;
	s5 =	simm.s32 $0xFFFFFFFF;
	p2 =	slt.u32 s8, $0xFFFFF086  }
0x1c: {  	p1 =	slt.u32 s9, $0xF7A;
	s5 =	simm.s32 @!p2 $0x0  }
0x1d: {  	s5 =	simm.s32 @p1 $0x1;
	p0 =	seq.s32 s7, s2  }
0x1e: {  	s7 =	smul.u32 @!p0 $0xF7A, s2;
	p2 =	seq.s32 @!p0 s5, $0x0  }
0x1f: {  	s9 =	smul.u32 $0xF7A, s1;
	s8 =	simm.s32 @!p0 $0x1BF5;
	p2 =	por !p2, p0  }
0x20: {  	[sflag:s8] =	ssyncset.s32 @!p0 $0xFFFFF086;
	s6 =	sadd.s32 @!p0 s3, s7;
	s7 =	simm.s32 @!p0 $0x108  }
0x21: {  	s3 =	sadd.s32 s3, s9;
	s6 =	sadd.s32 @!p0 $0x88, s6;
	s7 =	simm.s32 @p2 $0x1082  }
0x22: {  	[simem:s7], [sflag:s8] =	dma.local @!p0 [hbm:s6], $0xF7A  }
0x23: {  	s9 =	sor.u32 $0xD0000000, s2;
	s6 =	simm.s32 $0x108;
	_ =	swait.ge @!p0 [sflag:s8], $0x0  }
0x24: {  	s3 =	sadd.s32 $0x88, s3;
	s6 =	simm.s32 @!p1 $0x1082;
	[sflag:s4] =	ssyncset.s32 $0xFFFFF086  }
0x25: {  	[simem:s6], [sflag:s4] =	dma.local [hbm:s3], $0xF7A  }
0x26: {  	[smem:$0x3F8F] =	sst s1;
	(tag) =	ssettag s2;
	_ =	strace s9  }
0x27: {  	s1 =	sld [smem:$0x3F9F]  }
0x28: {  	s2 =	sld [smem:$0x3FA0]  }
0x29: {  	s4 =	sld [smem:$0x3FA2]  }
0x2a: {  	p0 =	seq.s32 s5, $0x0;
	s5 =	sld [smem:$0x3FA3]  }
0x2b: {  	s6 =	sld [smem:$0x3FA4]  }
0x2c: {  	s7 =	sld [smem:$0x3FA5]  }
0x2d: {  	s3 =	simm.s32 $0x108;
	s8 =	sld [smem:$0x3FA6]  }
0x2e: {  	s3 =	simm.s32 @!p0 $0x1082;
	s9 =	sld [smem:$0x3FA7]  }
0x2f: {  	lr =	sadd.s32 s0, s3;
	s0 =	sld [smem:$0x3F9E]  }
0x30: {  	s3 =	sld [smem:$0x3FA1]  }
0x31: {  	[smem:$0x3FAA] =	sst s10  }
0x32: {  	s10 =	sld [smem:$0x3FA8];
	_ =	sdelay $0x3  }
0x33: {  	p0 =	seq.s32 s10, $0x1;
	s10 =	sld [smem:$0x3FAA];
	_ =	sdelay $0x3  }
0x34: {  	[smem:$0x3FAA] =	sst s10  }
0x35: {  	s10 =	sld [smem:$0x3FA9];
	_ =	sdelay $0x3  }
0x36: {  	p1 =	seq.s32 s10, $0x1;
	s10 =	sld [smem:$0x3FAA];
	_ =	sdelay $0x3  }
0x37: {  	[smem:$0x3FAA] =	sst s10  }
0x38: {  	s10 =	sld [smem:$0x3FAB]  }
0x39: {  	_ = 	snop;
	(pc) =	sbr.ind lr, $3  }
0x3a: {  	_ = 	snop  }
0x3b: {  	_ = 	snop  }
0x3c: {  	p2 =	seq.s32 s10, $0x1;
	s10 =	sld [smem:$0x3FAA]  }
0x3d: {  	_ =	shalt  }
0x3e: {  	_ =	shalt  }
0x3f: {  	_ =	shalt  }
0x40: {  	_ =	shalt  }
0x41: {  	_ =	shalt  }
0x42: {  	_ =	shalt  }
0x43: {  	_ =	shalt  }
0x44: {  	_ =	shalt  }
0x45: {  	_ =	shalt  }
0x46: {  	_ =	shalt  }
0x47: {  	_ =	shalt  }
0x48: {  	_ =	shalt  }
0x49: {  	_ =	shalt  }
0x4a: {  	_ =	shalt  }
0x4b: {  	_ =	shalt  }
0x4c: {  	_ =	shalt  }
0x4d: {  	_ =	shalt  }
0x4e: {  	_ =	shalt  }
0x4f: {  	_ =	shalt  }
0x50: {  	_ =	shalt  }
0x51: {  	_ =	shalt  }
0x52: {  	_ =	shalt  }
0x53: {  	_ =	shalt  }
0x54: {  	_ =	shalt  }
0x55: {  	_ =	shalt  }
0x56: {  	_ =	shalt  }
0x57: {  	_ =	shalt  }
0x58: {  	_ =	shalt  }
0x59: {  	_ =	shalt  }
0x5a: {  	_ =	shalt  }
0x5b: {  	_ =	shalt  }
0x5c: {  	_ =	shalt  }
0x5d: {  	_ =	shalt  }
0x5e: {  	_ =	shalt  }
0x5f: {  	_ =	shalt  }
0x60: {  	_ =	shalt  }
0x61: {  	_ =	shalt  }
0x62: {  	_ =	shalt  }
0x63: {  	_ =	shalt  }
0x64: {  	_ =	shalt  }
0x65: {  	_ =	shalt  }
0x66: {  	_ =	shalt  }
0x67: {  	_ =	shalt  }
0x68: {  	_ =	shalt  }
0x69: {  	_ =	shalt  }
0x6a: {  	_ =	shalt  }
0x6b: {  	_ =	shalt  }
0x6c: {  	_ =	shalt  }
0x6d: {  	_ =	shalt  }
0x6e: {  	_ =	shalt  }
0x6f: {  	_ =	shalt  }
0x70: {  	_ =	shalt  }
0x71: {  	_ =	shalt  }
0x72: {  	_ =	shalt  }
0x73: {  	_ =	shalt  }
0x74: {  	_ =	shalt  }
0x75: {  	_ =	shalt  }
0x76: {  	_ =	shalt  }
0x77: {  	_ =	shalt  }
0x78: {  	_ =	shalt  }
0x79: {  	_ =	shalt  }
0x7a: {  	_ =	shalt  }
0x7b: {  	_ =	shalt  }
0x7c: {  	_ =	shalt  }
0x7d: {  	_ =	shalt  }
0x7e: {  	_ =	shalt  }
0x7f: {  	_ =	shalt  }
0x80: {  	_ =	shalt  }
0x81: {  	_ =	shalt  }
0x82: {  	_ =	shalt  }
0x83: {  	_ =	shalt  }
0x84: {  	_ =	shalt  }
0x85: {  	_ =	shalt  }
0x86: {  	_ =	shalt  }
0x87: {  	_ =	shalt  }
.Lfunc_end0:
.L_simem_size_0:
called_computation.1_lowered:
.L_overlay_start_0:
0x88: {  	s2 =	sld [smem:$0x3FD9]  }
0x89: {  	s3 =	sld [smem:$0x3FFE];
	_ =	sdelay $0x1  }
0x8a: {  	s1 =	srdreg.scid  }
0x8b: {  	s0 =	sand.u32 $0x1, s1  }
0x8c: {  	s16 =	sshll.u32 s0, $0xA;
	s2 =	sadd.s32 s3, s2  }
0x8d: {  	s2 =	sadd.s32 s2, s16  }
0x8e: {  	[smem:$0x3FB6] =	sst s2  }
0x8f: {  	_ = 	snop  }
0x90: {  	(tm) =	ssettm $0x1  }
0x91: {  	s17 =	sld [smem:$0x3FFB];
	_ =	sdelay $0x3  }
0x92: {  	_ =	strace s17  }
0x93: {  	s2 =	sld [smem:$0x3FFC];
	_ =	sdelay $0x3  }
0x94: {  	_ =	strace s2  }
0x95: {  	s2 =	sld [smem:$0x3FFD];
	_ =	sdelay $0x3  }
0x96: {  	_ =	strace s2  }
0x97: {  	_ =	strace $0x8FFFFFFF  }
0x98: {  	s18 =	sld [smem:$0x3FDB];
	_ =	sdelay $0x1  }
0x99: {  	s19 =	simm.s32 $_scs_section_size  }
0x9a: {  	s4 =	simm.s32 $_size__tile_overlayer_lowered;
	s5 =	simm.s32 $_tile_overlayer_lowered  }
0x9b: {  	s22 =	simm.s32 $0x1BFF;
	s21 =	sshll.u32 s5, $0x1;
	s2 =	sadd.s32 s19, s18  }
0x9c: {  	s6 =	simm.s32 $0x0;
	s20 =	sshll.u32 s4, $0x1;
	s4 =	sadd.s32 s21, s2  }
0x9d: {  	[timem:s6], [sflag:s22] =	dma.local [hbm:s4], s20  }
0x9e: {  	_ =	swait.ge [sflag:s22], s20  }
0x9f: {  	s3 =	ssub.s32 $0x0, s20;
	[sflag:s22] =	ssyncset.done $0x0  }
0xa0: {  	[sflag:s22] =	ssyncadd.s32 s3;
	_ =	sdelay $0x1  }
0xa1: {  	s23 =	simm.s32 $0x1B8B  }
0xa2: {  	_ =	swait.ge [sflag:s23], $0x1  }
0xa3: {  	[sflag:s23] =	ssyncset.done $0x0  }
0xa4: {  	s25 =	simm.s32 $0x1B8E;
	s24 =	sld [smem:$0x3FFE];
	[sflag:s23] =	ssyncadd.s32 $0xFFFFFFFF  }
0xa5: {  	s26 =	simm.s32 $execute0_lowered;
	[smem:$0x3FD2] =	sst s25  }
0xa6: {  	s4 =	sshll.u32 s26, $0x1;
	_ =	strace $0x80000049;
	[dreg:$0x1] =	wrdreg $0xFFFFFFFF  }
0xa7: {  	s28 =	simm.s32 $_size_execute0_lowered;
	s2 =	sadd.s32 s2, s4;
	[dreg:$0x0] =	wrdreg $0x0  }
0xa8: {  	s4 =	sshll.u32 s28, $0x1;
	[dreg:$0x2] =	wrdreg s2  }
0xa9: {  	[dreg:$0x3] =	wrdreg s4  }
0xaa: {  	[dreg:$0x4] =	wrdreg $0xC0  }
0xab: {  	_ =	task [dreg:s6], $0x5FFFF  }
0xac: {  	[dreg:$0x1] =	wrdreg $0xFFFFFFFF  }
0xad: {  	[dreg:$0x0] =	wrdreg $0x60  }
0xae: {  	[dreg:$0x2] =	wrdreg s24  }
0xaf: {  	[dreg:$0x3] =	wrdreg $0xA8000  }
0xb0: {  	[dreg:$0x4] =	wrdreg $0x9  }
0xb1: {  	_ =	task.clear_ibuf [dreg:s6], $0x5FFFF;
	_ =	strace $0x90000049  }
0xb2: {  	s29 =	simm.s32 $0x9;
	_ =	strace $0x8000004B  }
0xb3: {  	_ =	swait.ge [sflag:s29], $0x1  }
0xb4: {  	[sflag:s29] =	ssyncadd.s32 $0xFFFFFFFF  }
0xb5: {  	_ =	strace $0x9000004B  }
0xb6: {  	_ =	sfence  }
0xb7: {  	s30 =	sld [smem:$0x0];
	_ =	sdelay $0x2  }
0xb8: {  	s31 =	sshll.u32 s1, $0xD;
	s1 =	sshrl.u32 s1, $0x2  }
0xb9: {  	s3 =	sand.u32 $0x4000, s31;
	s1 =	sadd.s32 s1, s30  }
0xba: {  	s0 =	sor.u32 s3, s0;
	s1 =	sshll.u32 s1, $0x11  }
0xbb: {  	s0 =	sor.u32 s1, s0  }
0xbc: {  	s0 =	sadd.s32 $0x8F2B, s0  }
0xbd: {  	[sflag:s0] =	ssyncadd.remote.s32 $0x1  }
0xbe: {  	_ =	sfence.sel $0xFFFF  }
0xbf: {  	[dreg:$0x0] =	wrdreg $0xFFFFFFFF;
	(pc) =	sbr.abs _section_cstart, $3  }
0xc0: {  	[dreg:$0x1] =	wrdreg $0xFFFFFFFF  }
0xc1: {  	_ =	task.clear_ibuf [dreg:s6], $0x2FFFF;
	_ =	strace $0x9FFFFFFF  }
0xc2: {  	(tm) =	ssettm $0x7FFFFFFF  }
0xc3: {  	_ =	shalt  }
tec
execute0_lowered:
.L_overlay_start_1:
0x0: {  	(tag) =	ssettag $0x1  }
0x1: {  	s0 =	rddreg [dreg:$0x0]  }
0x2: {  	s1 =	rddreg [dreg:$0x1];
	s2 =	srdreg.scid;
	s3 =	simm.s32 $0x0  }
0x3: {  	s11 =	stileid.u32;
	s16 =	simm.s32 $0x11;
	s28 =	simm.s32 $0x4  }
0x4: {  	s31 =	simm.s32 $0xE;
	s2 =	sand.u32 $0x1, s2;
	[smem:$0x7FF] =	sst s3  }
0x5: {  	s6 =	smul.u32 $0x14000, s11;
	s4 =	sadd.s32 $0x34600, s0;
	s8 =	sadd.s32 $0x15200, s0  }
0x6: {  	s18 =	sadd.s32 $0x4800, s0;
	s9 =	smul.u32 $0x50000, s11;
	s22 =	sshll.u32 s11, $0x6  }
0x7: {  	s5 =	smul.u32 $0x140000, s2;
	_ =	strace $0x8000004A;
	[dreg:$0x3] =	wrdreg s18  }
0x8: {  	s19 =	sshll.u32 s2, $0x4;
	s7 =	ssub.s32 $0x2, s2;
	s2 =	smul.u32 $0x7D000, s2  }
0x9: {  	s20 =	sshrl.u32 s7, $0x1;
	s21 =	sshrl.u32 s9, $0x2;
	s5 =	sadd.s32 s6, s5  }
0xa: {  	s6 =	sor.u32 s11, s19;
	s11 =	smul.u32 $0x7D00, s11;
	s14 =	sadd.s32 s21, s1  }
0xb: {  	s19 =	simm.s32 $0x50;
	s21 =	simm.s32 $0x9;
	s5 =	sshrl.u32 s5, $0x3  }
0xc: {  	s6 =	smul.u32 $0x7D00, s6;
	s15 =	sshrl.u32 s14, $0x3;
	s0 =	sadd.s32 s5, s0  }
0xd: {  	s5 =	ssub.s32 s7, s20;
	s2 =	sadd.s32 s11, s2;
	s20 =	simm.s32 $0x3000  }
0xe: {  	s10 =	sshrl.u32 s6, $0x3;
	s6 =	sor.u32 $0x1C11, s22;
	s0 =	sadd.s32 $0x5B800, s0  }
0xf: {  	s25 =	smax.u32 s5, $0x1;
	s26 =	sadd.s32 $0x500, s2;
	s2 =	simm.s32 $0x10  }
0x10: {  	s22 =	simm.s32 $0xD;
	s7 =	sadd.s32 s8, s10;
	[dreg:$0x6] =	wrdreg s0  }
0x11: {  	[dreg:$0x7] =	wrdreg s25;
	s0 =	sshrl.u32 s26, $0x3;
	s23 =	sadd.s32 $0x20, s7  }
0x12: {  	s25 =	simm.s32 $0xA;
	s24 =	sadd.s32 $0x40, s7;
	[dreg:$0x4] =	wrdreg s23  }
0x13: {  	s29 =	sadd.s32 $0x60, s7;
	s30 =	sadd.s32 $0x80, s7;
	[dreg:$0x5] =	wrdreg s24  }
0x14: {  	s5 =	sadd.s32 s0, s8;
	s0 =	simm.s32 $0xF;
	[dreg:$0x8] =	wrdreg s29  }
0x15: {  	[dreg:$0x9] =	wrdreg s30;
	s24 =	simm.s32 $0x300;
	s23 =	simm.s32 $0x0  }
.LBB2_1:
0x16: {  	s8 =	rddreg [dreg:$0x3]  }
0x17: {  	[spmem:s15], [sflag:s6] =	dma.local [hbm:s8], $0x2800  }
0x18: {  	_ =	swait.ge [sflag:s16], $0x2800  }
0x19: {  	[sflag:s16] =	ssyncset.done $0x0  }
0x1a: {  	[sflag:s16] =	ssyncadd.s32 $0xFFFFD800  }
0x1b: {  	[tilespmem:s3], [sflag:$0x11] =	stream.linear.gather [hbm4b:s7+s3], $0x100, $0x38;
	[tilespmem:$0x1E800] =	vst v63  }
0x1c: {  	_ =	swait.ge [sflag:s16], $0x100  }
0x1d: {  	[sflag:s16] =	ssyncset.done $0x0  }
0x1e: {  	s9 =	simm.s32 $0x100;
	s18 =	rddreg [dreg:$0x4];
	[sflag:s16] =	ssyncadd.s32 $0xFFFFFF00  }
0x1f: {  	[tilespmem:s9], [sflag:$0x11] =	stream.linear.gather [hbm4b:s18+s3], $0x100, $0x38;
	[tilespmem:$0x1E800] =	vst v63  }
0x20: {  	_ =	swait.ge [sflag:s16], $0x100  }
0x21: {  	[sflag:s16] =	ssyncset.done $0x0  }
0x22: {  	s10 =	simm.s32 $0x200;
	s26 =	rddreg [dreg:$0x5];
	[sflag:s16] =	ssyncadd.s32 $0xFFFFFF00  }
0x23: {  	[tilespmem:s10], [sflag:$0x11] =	stream.linear.gather [hbm4b:s26+s3], $0x100, $0x38;
	[tilespmem:$0x1E800] =	vst v63  }
0x24: {  	_ =	swait.ge [sflag:s16], $0x100  }
0x25: {  	[sflag:s16] =	ssyncset.done $0x0  }
0x26: {  	s8 =	simm.s32 $0x800;
	[sflag:s16] =	ssyncadd.s32 $0xFFFFFF00  }
0x27: {  	[tilespmem:s8], [sflag:$0x9] =	stream.indirect.gather [hbm4b:s4+s19], $0x80, s3, s19, $0xb8;
	[tilespmem:$0x1E800] =	vst v63  }
0x28: {  	_ = 	snop  }
0x29: {  	[tilespmem:s20], [sflag:$0xA] =	stream.indirect.gather [hbm4b:s4+s19], $0x80, s9, s19, $0xb8;
	[tilespmem:$0x1E800] =	vst v63  }
0x2a: {  	[bflag:$0x0] =	sbarrier.arrive $0xFFFF  }
0x2b: {  	_ =	swait.ge [sflag:s21], $0x2800  }
0x2c: {  	[sflag:s21] =	ssyncset.done $0x0  }
0x2d: {  	s11 =	simm.s32 $0x80;
	[sflag:s21] =	ssyncadd.s32 $0xFFFFD800  }
0x2e: {  	[spmem:s1] =	stream.indirect.scatter.add.f32 [tilespmem:s8], [sflag:$0xD], $0x80, s11, s19, $0xb8;
	[tilespmem:$0x1E800] =	vst v63  }
0x2f: {  	s12 =	simm.s32 $0x5800  }
0x30: {  	[tilespmem:s12], [sflag:$0xB] =	stream.indirect.gather [hbm4b:s4+s19], $0x80, s10, s19, $0xb8;
	[tilespmem:$0x1E800] =	vst v63  }
0x31: {  	s13 =	rddreg [dreg:$0x8]  }
0x32: {  	[tilespmem:s24], [sflag:$0x4] =	stream.linear.gather [hbm4b:s13+s3], $0x100, $0x38;
	[tilespmem:$0x1E800] =	vst v63  }
0x33: {  	_ =	swait.ge [sflag:s25], $0x2800  }
0x34: {  	[sflag:s25] =	ssyncset.done $0x0  }
0x35: {  	s14 =	simm.s32 $0x180;
	[sflag:s25] =	ssyncadd.s32 $0xFFFFD800  }
0x36: {  	[spmem:s1] =	stream.indirect.scatter.add.f32 [tilespmem:s20], [sflag:$0xE], $0x80, s14, s19, $0xb8;
	[tilespmem:$0x1E800] =	vst v63  }
0x37: {  	_ =	swait.ge [sflag:s28], $0x100  }
0x38: {  	s17 =	simm.s32 $0x8000;
	p0 =	por $0x0, $0x0;
	[sflag:s28] =	ssyncset.done $0x0  }
0x39: {  	s26 =	simm.s32 $0x400;
	s14 =	simm.s32 $0x2;
	[sflag:s28] =	ssyncadd.s32 $0xFFFFFF00  }
0x3a: {  	[tilespmem:s17], [sflag:$0xC] =	stream.indirect.gather [hbm4b:s4+s19], $0x80, s24, s19, $0xb8;
	[tilespmem:$0x1E800] =	vst v63  }
0x3b: {  	s8 =	sand.u32 $0x1C00, s8;
	s14 =	sand.u32 $0x3, s14;
	s18 =	rddreg [dreg:$0x9]  }
0x3c: {  	[tilespmem:s26], [sflag:$0x5] =	stream.linear.gather [hbm4b:s18+s3], $0x100, $0x38;
	[tilespmem:$0x1E800] =	vst v63  }
0x3d: {  	s8 =	sshrl.u32 s8, $0x2;
	s29 =	sadd.s32 $0x9, s14;
	s26 =	smul.u32 $0xA000, s14  }
0x3e: {  	s30 =	simm.s32 @!p0 $0x4;
	s8 =	sor.u32 $0x80, s8;
	_ =	swait.ge [sflag:s29], $0x2800  }
0x3f: {  	s14 =	sadd.s32 $0xD, s14;
	s26 =	sshrl.u32 s26, $0x2;
	[sflag:s29] =	ssyncset.done $0x0  }
0x40: {  	s26 =	sadd.s32 $0x800, s26;
	[sflag:s29] =	ssyncadd.s32 $0xFFFFD800;
	s29 =	sand.u32 @!p0 $0x3, s30  }
0x41: {  	[spmem:s1] =	stream.indirect.scatter.add.f32 [tilespmem:s26], [sflag:s14], $0x80, s8, s19, $0xb8;
	[tilespmem:$0x1E800] =	vst v63  }
0x42: {  	s8 =	sadd.s32 @!p0 $0xD, s29  }
0x43: {  	_ =	swait.ge @!p0 [sflag:s8], $0x2800  }
0x44: {  	p1 =	por @!p0 $0x0, $0x0;
	s26 =	sand.u32 @!p0 $0x7, s30;
	[sflag:s8] =	ssyncset.done @!p0 $0x0  }
0x45: {  	s14 =	smul.u32 @!p0 $0xA000, s29;
	s30 =	sadd.s32 @!p0 $0x1, s26;
	[sflag:s8] =	ssyncadd.s32 @!p0 $0xFFFFD800  }
0x46: {  	p2 =	por p1, p0;
	s26 =	sshll.u32 @!p0 s26, $0x8;
	_ =	swait.ge @!p0 [sflag:s30], $0x100  }
0x47: {  	s14 =	sshrl.u32 @!p0 s14, $0x2;
	s8 =	sadd.s32 @!p0 $0x9, s29;
	[sflag:s30] =	ssyncset.done @!p0 $0x0  }
0x48: {  	s14 =	sadd.s32 @!p0 $0x800, s14;
	s29 =	simm.s32 @!p0 $0x50;
	[sflag:s30] =	ssyncadd.s32 @!p0 $0xFFFFFF00  }
0x49: {  	[tilespmem:s14], [sflag:s8] =	stream.indirect.gather @!p0 [hbm4b:s4+s29], $0x80, s26, s29, $0xb8;
	[tilespmem:$0x1E800] =	vst v63  }
0x4a: {  	s30 =	sadd.s32 $0x20, s5;
	s8 =	simm.s32 $0x5;
	s26 =	simm.s32 $0x6  }
0x4b: {  	s29 =	simm.s32 $0xC00;
	s14 =	smov.u32 s5;
	s8 =	sand.u32 @!p2 $0x7, s8  }
.LBB2_2:
0x4c: {  	s9 =	sshll.u32 @!p2 s8, $0x8;
	s8 =	sadd.s32 @!p2 $0x1, s8;
	s10 =	simm.s32 @!p2 $0x0  }
0x4d: {  	[tilespmem:s9], [sflag:s8] =	stream.linear.gather @!p2 [hbm4b:s14+s10], $0x100, $0x38;
	[tilespmem:$0x1E800] =	vst v63  }
0x4e: {  	s8 =	smov.u32 s26;
	s26 =	sadd.s32 $0x1, s26;
	s14 =	smov.u32 s30  }
0x4f: {  	s9 =	sadd.s32 $0xFFFFFFFD, s8;
	p0 =	sne.s32 s26, $0x80  }
0x50: {  	s11 =	sand.u32 $0x1C00, s29;
	s29 =	sadd.s32 $0x400, s29;
	s10 =	sand.u32 $0x3, s9  }
0x51: {  	s12 =	smul.u32 $0xA000, s10;
	s13 =	sadd.s32 $0x9, s10;
	s10 =	sadd.s32 $0xD, s10  }
0x52: {  	s11 =	sshrl.u32 s11, $0x2;
	p1 =	sgt.u32 s9, $0x7A;
	_ =	swait.ge [sflag:s13], $0x2800  }
0x53: {  	s9 =	sshrl.u32 s12, $0x2;
	s12 =	sadd.s32 @!p1 $0xFFFFFFFF, s8;
	[sflag:s13] =	ssyncset.done $0x0  }
0x54: {  	s9 =	sadd.s32 $0x800, s9;
	[sflag:s13] =	ssyncadd.s32 $0xFFFFD800;
	s13 =	sand.u32 @!p1 $0x3, s12  }
0x55: {  	s11 =	sor.u32 $0x80, s11;
	s17 =	sadd.s32 @!p1 $0xD, s13;
	s18 =	smul.u32 @!p1 $0xA000, s13  }
0x56: {  	[spmem:s1] =	stream.indirect.scatter.add.f32 [tilespmem:s9], [sflag:s10], $0x80, s11, s19, $0xb8;
	[tilespmem:$0x1E800] =	vst v63  }
0x57: {  	s9 =	sand.u32 @!p1 $0x7, s12;
	s10 =	sadd.s32 @!p1 $0x9, s13;
	_ =	swait.ge @!p1 [sflag:s17], $0x2800  }
0x58: {  	s11 =	sadd.s32 @!p1 $0x1, s9;
	s12 =	sshrl.u32 @!p1 s18, $0x2;
	[sflag:s17] =	ssyncset.done @!p1 $0x0  }
.Ltmp0:
0x59: {  	s12 =	sadd.s32 @!p1 $0x800, s12;
	[sflag:s17] =	ssyncadd.s32 @!p1 $0xFFFFD800;
	(pc) =	sbr.rel @p0 .LBB2_2-.Ltmp0, $4  }
0x5a: {  	p2 =	seq.s32 @!p1 s8, $0x7D;
	s9 =	sshll.u32 @!p1 s9, $0x8;
	_ =	swait.ge @!p1 [sflag:s11], $0x100  }
0x5b: {  	s30 =	sadd.s32 $0x20, s30;
	p2 =	por p2, p1;
	[sflag:s11] =	ssyncset.done @!p1 $0x0  }
0x5c: {  	s8 =	sand.u32 @!p2 $0x7, s8;
	[sflag:s11] =	ssyncadd.s32 @!p1 $0xFFFFFF00;
	s11 =	simm.s32 @!p1 $0x50  }
0x5d: {  	[tilespmem:s12], [sflag:s10] =	stream.indirect.gather @!p1 [hbm4b:s4+s11], $0x80, s9, s11, $0xb8;
	[tilespmem:$0x1E800] =	vst v63  }
0x5e: {  	s9 =	sshll.u32 @!p2 s8, $0x8;
	s8 =	sadd.s32 @!p2 $0x1, s8;
	s10 =	simm.s32 @!p2 $0x0  }
0x5f: {  	[tilespmem:s9], [sflag:s8] =	stream.linear.gather @!p2 [hbm4b:s14+s10], $0x100, $0x38;
	[tilespmem:$0x1E800] =	vst v63  }
0x60: {  	_ =	swait.ge [sflag:s31], $0x2800  }
0x61: {  	[sflag:s31] =	ssyncset.done $0x0  }
0x62: {  	[sflag:s31] =	ssyncadd.s32 $0xFFFFD800  }
0x63: {  	_ =	swait.ge [sflag:s0], $0x2800  }
0x64: {  	[sflag:s0] =	ssyncset.done $0x0  }
0x65: {  	[sflag:s0] =	ssyncadd.s32 $0xFFFFD800  }
0x66: {  	_ =	swait.ge [sflag:s2], $0x2800  }
0x67: {  	[sflag:s2] =	ssyncset.done $0x0  }
0x68: {  	[sflag:s2] =	ssyncadd.s32 $0xFFFFD800  }
0x69: {  	_ =	swait.ge [sflag:s22], $0x2800  }
0x6a: {  	[sflag:s22] =	ssyncset.done $0x0  }
0x6b: {  	[sflag:s22] =	ssyncadd.s32 $0xFFFFD800  }
0x6c: {  	[bflag:$0x0] =	sbarrier.arrive $0xFFFF  }
0x6d: {  	s29 =	rddreg [dreg:$0x6]  }
0x6e: {  	[hbm:s29], [sflag:s6] =	dma.local [spmem:s15], $0x2800  }
0x6f: {  	_ =	swait.ge [sflag:s16], $0x2800  }
0x70: {  	s23 =	sadd.s32 $0x1, s23;
	s30 =	rddreg [dreg:$0x7]  }
0x71: {  	p0 =	sne.s32 s23, s30  }
.Ltmp1:
0x72: {  	_ = 	snop;
	(pc) =	sbr.rel @p0 .LBB2_1-.Ltmp1, $3  }
0x73: {  	_ =	sdelay $0x1  }
0x74: {  	[sflag:s16] =	ssyncset.done $0x0  }
0x75: {  	[sflag:s16] =	ssyncadd.s32 $0xFFFFD800  }
0x76: {  	_ =	sfence.sel $0x180000  }
0x77: {  	[bflag:$0x0] =	sbarrier.arrive $0xFFFF  }
0x78: {  	_ =	strace $0x9000004A  }
0x79: {  	s0 =	stileid.u32;
	[bflag:$0x2] =	sbarrier.arrive $0xFFFF  }
0x7a: {  	p0 =	sne.s32 s0, $0x0;
	s0 =	rddreg [dreg:$0x2]  }
0x7b: {  	s0 =	sadd.s32 @!p0 $0x100000, s0  }
0x7c: {  	[sflag:s0] =	ssyncadd.tile.s32 @!p0 $0x1;
	_ =	shalt  }
.Lfunc_end2:
_tile_overlayer_lowered:
.L_overlay_start_2:
0x7d: {  	(tag) =	ssettag $0x2  }
0x7e: {  	s0 =	rddreg [dreg:$0x0];
	s2 =	stileid.u32  }
0x7f: {  	s1 =	rddreg [dreg:$0x1];
	p0 =	sne.s32 s2, $0x0  }
0x80: {  	s3 =	rddreg [dreg:$0x2];
	[bflag:$0x3] =	sbarrier.arrive $0xFFFF;
	s2 =	simm.s32 @!p0 $0x1C11  }
0x81: {  	[timem:s3], [sflag:s2] =	dma.local @!p0 [hbm:s0], s1  }
0x82: {  	s0 =	simm.s32 @!p0 $0x11  }
0x83: {  	_ =	swait.ge @!p0 [sflag:s0], s1  }
0x84: {  	s1 =	ssub.s32 @!p0 $0x0, s1;
	[sflag:s0] =	ssyncset.done @!p0 $0x0  }
0x85: {  	[sflag:s0] =	ssyncadd.s32 @!p0 s1  }
0x86: {  	[bflag:$0x3] =	sbarrier.arrive $0xFFFF  }
0x87: {  	_ =	shalt  }

// kernel: kernel.16.cloned.1.call-start
scs
__scs_entry_jumppad:
0x0: {  	(pc) =	sbr.rel $0x88, $3  }
0x1: {  	(tag) =	ssettag $0x0;
	lr =	simm.s32 $0x1  }
0x2: {  	[smem:$0x3F8F] =	sst lr;
	_ =	strace $0xD0000000  }
0x3: {  	_ = 	snop  }
0x4: {  	_ = 	snop  }
0x5: {  	_ = 	snop  }
0x6: {  	_ = 	snop  }
0x7: {  	_ = 	snop  }
__scs_overlays_trampoline_lowered:
0x8: {  	[smem:$0x3F9E] =	sst s0  }
0x9: {  	[smem:$0x3F9F] =	sst s1  }
0xa: {  	[smem:$0x3FA0] =	sst s2  }
0xb: {  	[smem:$0x3FA1] =	sst s3  }
0xc: {  	[smem:$0x3FA2] =	sst s4  }
0xd: {  	[smem:$0x3FA3] =	sst s5  }
0xe: {  	[smem:$0x3FA4] =	sst s6  }
0xf: {  	[smem:$0x3FA5] =	sst s7  }
0x10: {  	[smem:$0x3FA6] =	sst s8  }
0x11: {  	[smem:$0x3FA7] =	sst s9;
	s0 =	simm.s32 @!p0 $0x0  }
0x12: {  	s1 =	sld [smem:$0x3F8D];
	s0 =	simm.s32 @p0 $0x1  }
0x13: {  	[smem:$0x3FA8] =	sst s0;
	s0 =	simm.s32 @!p1 $0x0  }
0x14: {  	s2 =	sld [smem:$0x3F8C];
	s0 =	simm.s32 @p1 $0x1  }
0x15: {  	[smem:$0x3FA9] =	sst s0;
	s0 =	simm.s32 @!p2 $0x0  }
0x16: {  	s3 =	sld [smem:$0x3FDB];
	s0 =	simm.s32 @p2 $0x1  }
0x17: {  	s4 =	simm.s32 $0x1BF5;
	[smem:$0x3FAB] =	sst s0  }
0x18: {  	s0 =	sld [smem:$0x3F8E];
	_ =	swait.ge [sflag:s4], $0x0  }
0x19: {  	s7 =	sld [smem:$0x3F8F]  }
0x1a: {  	s8 =	sadd.s32 $0xFFFFE003, lr  }
0x1b: {  	s9 =	sadd.s32 $0xFFFFFEF7, lr;
	s5 =	simm.s32 $0xFFFFFFFF;
	p2 =	slt.u32 s8, $0xFFFFF086  }
0x1c: {  	p1 =	slt.u32 s9, $0xF7A;
	s5 =	simm.s32 @!p2 $0x0  }
0x1d: {  	s5 =	simm.s32 @p1 $0x1;
	p0 =	seq.s32 s7, s2  }
0x1e: {  	s7 =	smul.u32 @!p0 $0xF7A, s2;
	p2 =	seq.s32 @!p0 s5, $0x0  }
0x1f: {  	s9 =	smul.u32 $0xF7A, s1;
	s8 =	simm.s32 @!p0 $0x1BF5;
	p2 =	por !p2, p0  }
0x20: {  	[sflag:s8] =	ssyncset.s32 @!p0 $0xFFFFF086;
	s6 =	sadd.s32 @!p0 s3, s7;
	s7 =	simm.s32 @!p0 $0x108  }
0x21: {  	s3 =	sadd.s32 s3, s9;
	s6 =	sadd.s32 @!p0 $0x88, s6;
	s7 =	simm.s32 @p2 $0x1082  }
0x22: {  	[simem:s7], [sflag:s8] =	dma.local @!p0 [hbm:s6], $0xF7A  }
0x23: {  	s9 =	sor.u32 $0xD0000000, s2;
	s6 =	simm.s32 $0x108;
	_ =	swait.ge @!p0 [sflag:s8], $0x0  }
0x24: {  	s3 =	sadd.s32 $0x88, s3;
	s6 =	simm.s32 @!p1 $0x1082;
	[sflag:s4] =	ssyncset.s32 $0xFFFFF086  }
0x25: {  	[simem:s6], [sflag:s4] =	dma.local [hbm:s3], $0xF7A  }
0x26: {  	[smem:$0x3F8F] =	sst s1;
	(tag) =	ssettag s2;
	_ =	strace s9  }
0x27: {  	s1 =	sld [smem:$0x3F9F]  }
0x28: {  	s2 =	sld [smem:$0x3FA0]  }
0x29: {  	s4 =	sld [smem:$0x3FA2]  }
0x2a: {  	p0 =	seq.s32 s5, $0x0;
	s5 =	sld [smem:$0x3FA3]  }
0x2b: {  	s6 =	sld [smem:$0x3FA4]  }
0x2c: {  	s7 =	sld [smem:$0x3FA5]  }
0x2d: {  	s3 =	simm.s32 $0x108;
	s8 =	sld [smem:$0x3FA6]  }
0x2e: {  	s3 =	simm.s32 @!p0 $0x1082;
	s9 =	sld [smem:$0x3FA7]  }
0x2f: {  	lr =	sadd.s32 s0, s3;
	s0 =	sld [smem:$0x3F9E]  }
0x30: {  	s3 =	sld [smem:$0x3FA1]  }
0x31: {  	[smem:$0x3FAA] =	sst s10  }
0x32: {  	s10 =	sld [smem:$0x3FA8];
	_ =	sdelay $0x3  }
0x33: {  	p0 =	seq.s32 s10, $0x1;
	s10 =	sld [smem:$0x3FAA];
	_ =	sdelay $0x3  }
0x34: {  	[smem:$0x3FAA] =	sst s10  }
0x35: {  	s10 =	sld [smem:$0x3FA9];
	_ =	sdelay $0x3  }
0x36: {  	p1 =	seq.s32 s10, $0x1;
	s10 =	sld [smem:$0x3FAA];
	_ =	sdelay $0x3  }
0x37: {  	[smem:$0x3FAA] =	sst s10  }
0x38: {  	s10 =	sld [smem:$0x3FAB]  }
0x39: {  	_ = 	snop;
	(pc) =	sbr.ind lr, $3  }
0x3a: {  	_ = 	snop  }
0x3b: {  	_ = 	snop  }
0x3c: {  	p2 =	seq.s32 s10, $0x1;
	s10 =	sld [smem:$0x3FAA]  }
0x3d: {  	_ =	shalt  }
0x3e: {  	_ =	shalt  }
0x3f: {  	_ =	shalt  }
0x40: {  	_ =	shalt  }
0x41: {  	_ =	shalt  }
0x42: {  	_ =	shalt  }
0x43: {  	_ =	shalt  }
0x44: {  	_ =	shalt  }
0x45: {  	_ =	shalt  }
0x46: {  	_ =	shalt  }
0x47: {  	_ =	shalt  }
0x48: {  	_ =	shalt  }
0x49: {  	_ =	shalt  }
0x4a: {  	_ =	shalt  }
0x4b: {  	_ =	shalt  }
0x4c: {  	_ =	shalt  }
0x4d: {  	_ =	shalt  }
0x4e: {  	_ =	shalt  }
0x4f: {  	_ =	shalt  }
0x50: {  	_ =	shalt  }
0x51: {  	_ =	shalt  }
0x52: {  	_ =	shalt  }
0x53: {  	_ =	shalt  }
0x54: {  	_ =	shalt  }
0x55: {  	_ =	shalt  }
0x56: {  	_ =	shalt  }
0x57: {  	_ =	shalt  }
0x58: {  	_ =	shalt  }
0x59: {  	_ =	shalt  }
0x5a: {  	_ =	shalt  }
0x5b: {  	_ =	shalt  }
0x5c: {  	_ =	shalt  }
0x5d: {  	_ =	shalt  }
0x5e: {  	_ =	shalt  }
0x5f: {  	_ =	shalt  }
0x60: {  	_ =	shalt  }
0x61: {  	_ =	shalt  }
0x62: {  	_ =	shalt  }
0x63: {  	_ =	shalt  }
0x64: {  	_ =	shalt  }
0x65: {  	_ =	shalt  }
0x66: {  	_ =	shalt  }
0x67: {  	_ =	shalt  }
0x68: {  	_ =	shalt  }
0x69: {  	_ =	shalt  }
0x6a: {  	_ =	shalt  }
0x6b: {  	_ =	shalt  }
0x6c: {  	_ =	shalt  }
0x6d: {  	_ =	shalt  }
0x6e: {  	_ =	shalt  }
0x6f: {  	_ =	shalt  }
0x70: {  	_ =	shalt  }
0x71: {  	_ =	shalt  }
0x72: {  	_ =	shalt  }
0x73: {  	_ =	shalt  }
0x74: {  	_ =	shalt  }
0x75: {  	_ =	shalt  }
0x76: {  	_ =	shalt  }
0x77: {  	_ =	shalt  }
0x78: {  	_ =	shalt  }
0x79: {  	_ =	shalt  }
0x7a: {  	_ =	shalt  }
0x7b: {  	_ =	shalt  }
0x7c: {  	_ =	shalt  }
0x7d: {  	_ =	shalt  }
0x7e: {  	_ =	shalt  }
0x7f: {  	_ =	shalt  }
0x80: {  	_ =	shalt  }
0x81: {  	_ =	shalt  }
0x82: {  	_ =	shalt  }
0x83: {  	_ =	shalt  }
0x84: {  	_ =	shalt  }
0x85: {  	_ =	shalt  }
0x86: {  	_ =	shalt  }
0x87: {  	_ =	shalt  }
.Lfunc_end0:
.L_simem_size_0:
called_computation.2_lowered:
.L_overlay_start_0:
0x88: {  	s2 =	sld [smem:$0x3FD9]  }
0x89: {  	s3 =	sld [smem:$0x3FFE];
	_ =	sdelay $0x1  }
0x8a: {  	s1 =	srdreg.scid  }
0x8b: {  	s0 =	sand.u32 $0x1, s1  }
0x8c: {  	s16 =	sshll.u32 s0, $0xA;
	s2 =	sadd.s32 s3, s2  }
0x8d: {  	s2 =	sadd.s32 s2, s16  }
0x8e: {  	[smem:$0x3FB6] =	sst s2  }
0x8f: {  	_ = 	snop  }
0x90: {  	(tm) =	ssettm $0x1  }
0x91: {  	s17 =	sld [smem:$0x3FFB];
	_ =	sdelay $0x3  }
0x92: {  	_ =	strace s17  }
0x93: {  	s2 =	sld [smem:$0x3FFC];
	_ =	sdelay $0x3  }
0x94: {  	_ =	strace s2  }
0x95: {  	s2 =	sld [smem:$0x3FFD];
	_ =	sdelay $0x3  }
0x96: {  	_ =	strace s2  }
0x97: {  	_ =	strace $0x8FFFFFFF  }
0x98: {  	s18 =	sld [smem:$0x3FDB];
	_ =	sdelay $0x1  }
0x99: {  	s19 =	simm.s32 $_scs_section_size  }
0x9a: {  	s4 =	simm.s32 $_size__tile_overlayer_lowered;
	s5 =	simm.s32 $_tile_overlayer_lowered  }
0x9b: {  	s22 =	simm.s32 $0x1BFF;
	s21 =	sshll.u32 s5, $0x1;
	s2 =	sadd.s32 s19, s18  }
0x9c: {  	s6 =	simm.s32 $0x0;
	s20 =	sshll.u32 s4, $0x1;
	s4 =	sadd.s32 s21, s2  }
0x9d: {  	[timem:s6], [sflag:s22] =	dma.local [hbm:s4], s20  }
0x9e: {  	_ =	swait.ge [sflag:s22], s20  }
0x9f: {  	s3 =	ssub.s32 $0x0, s20;
	[sflag:s22] =	ssyncset.done $0x0  }
0xa0: {  	[sflag:s22] =	ssyncadd.s32 s3;
	_ =	sdelay $0x1  }
0xa1: {  	s23 =	simm.s32 $0x1B8B  }
0xa2: {  	_ =	swait.ge [sflag:s23], $0x1  }
0xa3: {  	[sflag:s23] =	ssyncset.done $0x0  }
0xa4: {  	s25 =	simm.s32 $0x1B8E;
	s24 =	sld [smem:$0x3FFE];
	[sflag:s23] =	ssyncadd.s32 $0xFFFFFFFF  }
0xa5: {  	s26 =	simm.s32 $execute0_lowered;
	[smem:$0x3FD2] =	sst s25  }
0xa6: {  	s4 =	sshll.u32 s26, $0x1;
	_ =	strace $0x8000004C;
	[dreg:$0x1] =	wrdreg $0xFFFFFFFF  }
0xa7: {  	s28 =	simm.s32 $_size_execute0_lowered;
	s2 =	sadd.s32 s2, s4;
	[dreg:$0x0] =	wrdreg $0x0  }
0xa8: {  	s4 =	sshll.u32 s28, $0x1;
	[dreg:$0x2] =	wrdreg s2  }
0xa9: {  	[dreg:$0x3] =	wrdreg s4  }
0xaa: {  	[dreg:$0x4] =	wrdreg $0xC0  }
0xab: {  	_ =	task [dreg:s6], $0x5FFFF  }
0xac: {  	[dreg:$0x1] =	wrdreg $0xFFFFFFFF  }
0xad: {  	[dreg:$0x0] =	wrdreg $0x60  }
0xae: {  	[dreg:$0x2] =	wrdreg s24  }
0xaf: {  	[dreg:$0x3] =	wrdreg $0xA8000  }
0xb0: {  	[dreg:$0x4] =	wrdreg $0x9  }
0xb1: {  	_ =	task.clear_ibuf [dreg:s6], $0x5FFFF;
	_ =	strace $0x9000004C  }
0xb2: {  	s29 =	simm.s32 $0x9;
	_ =	strace $0x8000004E  }
0xb3: {  	_ =	swait.ge [sflag:s29], $0x1  }
0xb4: {  	[sflag:s29] =	ssyncadd.s32 $0xFFFFFFFF  }
0xb5: {  	_ =	strace $0x9000004E  }
0xb6: {  	_ =	sfence  }
0xb7: {  	s30 =	sld [smem:$0x0];
	_ =	sdelay $0x2  }
0xb8: {  	s31 =	sshll.u32 s1, $0xD;
	s1 =	sshrl.u32 s1, $0x2  }
0xb9: {  	s3 =	sand.u32 $0x4000, s31;
	s1 =	sadd.s32 s1, s30  }
0xba: {  	s0 =	sor.u32 s3, s0;
	s1 =	sshll.u32 s1, $0x11  }
0xbb: {  	s0 =	sor.u32 s1, s0  }
0xbc: {  	s0 =	sadd.s32 $0x8F2B, s0  }
0xbd: {  	[sflag:s0] =	ssyncadd.remote.s32 $0x1  }
0xbe: {  	_ =	sfence.sel $0xFFFF  }
0xbf: {  	[dreg:$0x0] =	wrdreg $0xFFFFFFFF;
	(pc) =	sbr.abs _section_cstart, $3  }
0xc0: {  	[dreg:$0x1] =	wrdreg $0xFFFFFFFF  }
0xc1: {  	_ =	task.clear_ibuf [dreg:s6], $0x2FFFF;
	_ =	strace $0x9FFFFFFF  }
0xc2: {  	(tm) =	ssettm $0x7FFFFFFF  }
0xc3: {  	_ =	shalt  }
tec
execute0_lowered:
.L_overlay_start_1:
0x0: {  	(tag) =	ssettag $0x1  }
0x1: {  	s0 =	rddreg [dreg:$0x0]  }
0x2: {  	s1 =	rddreg [dreg:$0x1];
	s2 =	srdreg.scid;
	s3 =	simm.s32 $0x0  }
0x3: {  	s11 =	stileid.u32;
	s16 =	simm.s32 $0x11;
	s28 =	simm.s32 $0x4  }
0x4: {  	s31 =	simm.s32 $0xE;
	s2 =	sand.u32 $0x1, s2;
	[smem:$0x7FF] =	sst s3  }
0x5: {  	s6 =	smul.u32 $0x14000, s11;
	s4 =	sadd.s32 $0x34600, s0;
	s8 =	sadd.s32 $0x15200, s0  }
0x6: {  	s18 =	sadd.s32 $0x4800, s0;
	s9 =	smul.u32 $0x50000, s11;
	s22 =	sshll.u32 s11, $0x6  }
0x7: {  	s5 =	smul.u32 $0x140000, s2;
	_ =	strace $0x8000004D;
	[dreg:$0x3] =	wrdreg s18  }
0x8: {  	s19 =	sshll.u32 s2, $0x4;
	s7 =	ssub.s32 $0x2, s2;
	s2 =	smul.u32 $0x7D000, s2  }
0x9: {  	s20 =	sshrl.u32 s7, $0x1;
	s21 =	sshrl.u32 s9, $0x2;
	s5 =	sadd.s32 s6, s5  }
0xa: {  	s6 =	sor.u32 s11, s19;
	s11 =	smul.u32 $0x7D00, s11;
	s14 =	sadd.s32 s21, s1  }
0xb: {  	s19 =	simm.s32 $0x50;
	s21 =	simm.s32 $0x9;
	s5 =	sshrl.u32 s5, $0x3  }
0xc: {  	s6 =	smul.u32 $0x7D00, s6;
	s15 =	sshrl.u32 s14, $0x3;
	s0 =	sadd.s32 s5, s0  }
0xd: {  	s5 =	ssub.s32 s7, s20;
	s2 =	sadd.s32 s11, s2;
	s20 =	simm.s32 $0x3000  }
0xe: {  	s10 =	sshrl.u32 s6, $0x3;
	s6 =	sor.u32 $0x1C11, s22;
	s0 =	sadd.s32 $0x5B800, s0  }
0xf: {  	s25 =	smax.u32 s5, $0x1;
	s26 =	sadd.s32 $0x500, s2;
	s2 =	simm.s32 $0x10  }
0x10: {  	s22 =	simm.s32 $0xD;
	s7 =	sadd.s32 s8, s10;
	[dreg:$0x6] =	wrdreg s0  }
0x11: {  	[dreg:$0x7] =	wrdreg s25;
	s0 =	sshrl.u32 s26, $0x3;
	s23 =	sadd.s32 $0x20, s7  }
0x12: {  	s25 =	simm.s32 $0xA;
	s24 =	sadd.s32 $0x40, s7;
	[dreg:$0x4] =	wrdreg s23  }
0x13: {  	s29 =	sadd.s32 $0x60, s7;
	s30 =	sadd.s32 $0x80, s7;
	[dreg:$0x5] =	wrdreg s24  }
0x14: {  	s5 =	sadd.s32 s0, s8;
	s0 =	simm.s32 $0xF;
	[dreg:$0x8] =	wrdreg s29  }
0x15: {  	[dreg:$0x9] =	wrdreg s30;
	s24 =	simm.s32 $0x300;
	s23 =	simm.s32 $0x0  }
.LBB2_1:
0x16: {  	s8 =	rddreg [dreg:$0x3]  }
0x17: {  	[spmem:s15], [sflag:s6] =	dma.local [hbm:s8], $0x2800  }
0x18: {  	_ =	swait.ge [sflag:s16], $0x2800  }
0x19: {  	[sflag:s16] =	ssyncset.done $0x0  }
0x1a: {  	[sflag:s16] =	ssyncadd.s32 $0xFFFFD800  }
0x1b: {  	[tilespmem:s3], [sflag:$0x11] =	stream.linear.gather [hbm4b:s7+s3], $0x100, $0x38;
	[tilespmem:$0x1E800] =	vst v63  }
0x1c: {  	_ =	swait.ge [sflag:s16], $0x100  }
0x1d: {  	[sflag:s16] =	ssyncset.done $0x0  }
0x1e: {  	s9 =	simm.s32 $0x100;
	s18 =	rddreg [dreg:$0x4];
	[sflag:s16] =	ssyncadd.s32 $0xFFFFFF00  }
0x1f: {  	[tilespmem:s9], [sflag:$0x11] =	stream.linear.gather [hbm4b:s18+s3], $0x100, $0x38;
	[tilespmem:$0x1E800] =	vst v63  }
0x20: {  	_ =	swait.ge [sflag:s16], $0x100  }
0x21: {  	[sflag:s16] =	ssyncset.done $0x0  }
0x22: {  	s10 =	simm.s32 $0x200;
	s26 =	rddreg [dreg:$0x5];
	[sflag:s16] =	ssyncadd.s32 $0xFFFFFF00  }
0x23: {  	[tilespmem:s10], [sflag:$0x11] =	stream.linear.gather [hbm4b:s26+s3], $0x100, $0x38;
	[tilespmem:$0x1E800] =	vst v63  }
0x24: {  	_ =	swait.ge [sflag:s16], $0x100  }
0x25: {  	[sflag:s16] =	ssyncset.done $0x0  }
0x26: {  	s8 =	simm.s32 $0x800;
	[sflag:s16] =	ssyncadd.s32 $0xFFFFFF00  }
0x27: {  	[tilespmem:s8], [sflag:$0x9] =	stream.indirect.gather [hbm4b:s4+s19], $0x80, s3, s19, $0xb8;
	[tilespmem:$0x1E800] =	vst v63  }
0x28: {  	_ = 	snop  }
0x29: {  	[tilespmem:s20], [sflag:$0xA] =	stream.indirect.gather [hbm4b:s4+s19], $0x80, s9, s19, $0xb8;
	[tilespmem:$0x1E800] =	vst v63  }
0x2a: {  	[bflag:$0x0] =	sbarrier.arrive $0xFFFF  }
0x2b: {  	_ =	swait.ge [sflag:s21], $0x2800  }
0x2c: {  	[sflag:s21] =	ssyncset.done $0x0  }
0x2d: {  	s11 =	simm.s32 $0x80;
	[sflag:s21] =	ssyncadd.s32 $0xFFFFD800  }
0x2e: {  	[spmem:s1] =	stream.indirect.scatter.add.f32 [tilespmem:s8], [sflag:$0xD], $0x80, s11, s19, $0xb8;
	[tilespmem:$0x1E800] =	vst v63  }
0x2f: {  	s12 =	simm.s32 $0x5800  }
0x30: {  	[tilespmem:s12], [sflag:$0xB] =	stream.indirect.gather [hbm4b:s4+s19], $0x80, s10, s19, $0xb8;
	[tilespmem:$0x1E800] =	vst v63  }
0x31: {  	s13 =	rddreg [dreg:$0x8]  }
0x32: {  	[tilespmem:s24], [sflag:$0x4] =	stream.linear.gather [hbm4b:s13+s3], $0x100, $0x38;
	[tilespmem:$0x1E800] =	vst v63  }
0x33: {  	_ =	swait.ge [sflag:s25], $0x2800  }
0x34: {  	[sflag:s25] =	ssyncset.done $0x0  }
0x35: {  	s14 =	simm.s32 $0x180;
	[sflag:s25] =	ssyncadd.s32 $0xFFFFD800  }
0x36: {  	[spmem:s1] =	stream.indirect.scatter.add.f32 [tilespmem:s20], [sflag:$0xE], $0x80, s14, s19, $0xb8;
	[tilespmem:$0x1E800] =	vst v63  }
0x37: {  	_ =	swait.ge [sflag:s28], $0x100  }
0x38: {  	s17 =	simm.s32 $0x8000;
	p0 =	por $0x0, $0x0;
	[sflag:s28] =	ssyncset.done $0x0  }
0x39: {  	s26 =	simm.s32 $0x400;
	s14 =	simm.s32 $0x2;
	[sflag:s28] =	ssyncadd.s32 $0xFFFFFF00  }
0x3a: {  	[tilespmem:s17], [sflag:$0xC] =	stream.indirect.gather [hbm4b:s4+s19], $0x80, s24, s19, $0xb8;
	[tilespmem:$0x1E800] =	vst v63  }
0x3b: {  	s8 =	sand.u32 $0x1C00, s8;
	s14 =	sand.u32 $0x3, s14;
	s18 =	rddreg [dreg:$0x9]  }
0x3c: {  	[tilespmem:s26], [sflag:$0x5] =	stream.linear.gather [hbm4b:s18+s3], $0x100, $0x38;
	[tilespmem:$0x1E800] =	vst v63  }
0x3d: {  	s8 =	sshrl.u32 s8, $0x2;
	s29 =	sadd.s32 $0x9, s14;
	s26 =	smul.u32 $0xA000, s14  }
0x3e: {  	s30 =	simm.s32 @!p0 $0x4;
	s8 =	sor.u32 $0x80, s8;
	_ =	swait.ge [sflag:s29], $0x2800  }
0x3f: {  	s14 =	sadd.s32 $0xD, s14;
	s26 =	sshrl.u32 s26, $0x2;
	[sflag:s29] =	ssyncset.done $0x0  }
0x40: {  	s26 =	sadd.s32 $0x800, s26;
	[sflag:s29] =	ssyncadd.s32 $0xFFFFD800;
	s29 =	sand.u32 @!p0 $0x3, s30  }
0x41: {  	[spmem:s1] =	stream.indirect.scatter.add.f32 [tilespmem:s26], [sflag:s14], $0x80, s8, s19, $0xb8;
	[tilespmem:$0x1E800] =	vst v63  }
0x42: {  	s8 =	sadd.s32 @!p0 $0xD, s29  }
0x43: {  	_ =	swait.ge @!p0 [sflag:s8], $0x2800  }
0x44: {  	p1 =	por @!p0 $0x0, $0x0;
	s26 =	sand.u32 @!p0 $0x7, s30;
	[sflag:s8] =	ssyncset.done @!p0 $0x0  }
0x45: {  	s14 =	smul.u32 @!p0 $0xA000, s29;
	s30 =	sadd.s32 @!p0 $0x1, s26;
	[sflag:s8] =	ssyncadd.s32 @!p0 $0xFFFFD800  }
0x46: {  	p2 =	por p1, p0;
	s26 =	sshll.u32 @!p0 s26, $0x8;
	_ =	swait.ge @!p0 [sflag:s30], $0x100  }
0x47: {  	s14 =	sshrl.u32 @!p0 s14, $0x2;
	s8 =	sadd.s32 @!p0 $0x9, s29;
	[sflag:s30] =	ssyncset.done @!p0 $0x0  }
0x48: {  	s14 =	sadd.s32 @!p0 $0x800, s14;
	s29 =	simm.s32 @!p0 $0x50;
	[sflag:s30] =	ssyncadd.s32 @!p0 $0xFFFFFF00  }
0x49: {  	[tilespmem:s14], [sflag:s8] =	stream.indirect.gather @!p0 [hbm4b:s4+s29], $0x80, s26, s29, $0xb8;
	[tilespmem:$0x1E800] =	vst v63  }
0x4a: {  	s30 =	sadd.s32 $0x20, s5;
	s8 =	simm.s32 $0x5;
	s26 =	simm.s32 $0x6  }
0x4b: {  	s29 =	simm.s32 $0xC00;
	s14 =	smov.u32 s5;
	s8 =	sand.u32 @!p2 $0x7, s8  }
.LBB2_2:
0x4c: {  	s9 =	sshll.u32 @!p2 s8, $0x8;
	s8 =	sadd.s32 @!p2 $0x1, s8;
	s10 =	simm.s32 @!p2 $0x0  }
0x4d: {  	[tilespmem:s9], [sflag:s8] =	stream.linear.gather @!p2 [hbm4b:s14+s10], $0x100, $0x38;
	[tilespmem:$0x1E800] =	vst v63  }
0x4e: {  	s8 =	smov.u32 s26;
	s26 =	sadd.s32 $0x1, s26;
	s14 =	smov.u32 s30  }
0x4f: {  	s9 =	sadd.s32 $0xFFFFFFFD, s8;
	p0 =	sne.s32 s26, $0x80  }
0x50: {  	s11 =	sand.u32 $0x1C00, s29;
	s29 =	sadd.s32 $0x400, s29;
	s10 =	sand.u32 $0x3, s9  }
0x51: {  	s12 =	smul.u32 $0xA000, s10;
	s13 =	sadd.s32 $0x9, s10;
	s10 =	sadd.s32 $0xD, s10  }
0x52: {  	s11 =	sshrl.u32 s11, $0x2;
	p1 =	sgt.u32 s9, $0x7A;
	_ =	swait.ge [sflag:s13], $0x2800  }
0x53: {  	s9 =	sshrl.u32 s12, $0x2;
	s12 =	sadd.s32 @!p1 $0xFFFFFFFF, s8;
	[sflag:s13] =	ssyncset.done $0x0  }
0x54: {  	s9 =	sadd.s32 $0x800, s9;
	[sflag:s13] =	ssyncadd.s32 $0xFFFFD800;
	s13 =	sand.u32 @!p1 $0x3, s12  }
0x55: {  	s11 =	sor.u32 $0x80, s11;
	s17 =	sadd.s32 @!p1 $0xD, s13;
	s18 =	smul.u32 @!p1 $0xA000, s13  }
0x56: {  	[spmem:s1] =	stream.indirect.scatter.add.f32 [tilespmem:s9], [sflag:s10], $0x80, s11, s19, $0xb8;
	[tilespmem:$0x1E800] =	vst v63  }
0x57: {  	s9 =	sand.u32 @!p1 $0x7, s12;
	s10 =	sadd.s32 @!p1 $0x9, s13;
	_ =	swait.ge @!p1 [sflag:s17], $0x2800  }
0x58: {  	s11 =	sadd.s32 @!p1 $0x1, s9;
	s12 =	sshrl.u32 @!p1 s18, $0x2;
	[sflag:s17] =	ssyncset.done @!p1 $0x0  }
.Ltmp0:
0x59: {  	s12 =	sadd.s32 @!p1 $0x800, s12;
	[sflag:s17] =	ssyncadd.s32 @!p1 $0xFFFFD800;
	(pc) =	sbr.rel @p0 .LBB2_2-.Ltmp0, $4  }
0x5a: {  	p2 =	seq.s32 @!p1 s8, $0x7D;
	s9 =	sshll.u32 @!p1 s9, $0x8;
	_ =	swait.ge @!p1 [sflag:s11], $0x100  }
0x5b: {  	s30 =	sadd.s32 $0x20, s30;
	p2 =	por p2, p1;
	[sflag:s11] =	ssyncset.done @!p1 $0x0  }
0x5c: {  	s8 =	sand.u32 @!p2 $0x7, s8;
	[sflag:s11] =	ssyncadd.s32 @!p1 $0xFFFFFF00;
	s11 =	simm.s32 @!p1 $0x50  }
0x5d: {  	[tilespmem:s12], [sflag:s10] =	stream.indirect.gather @!p1 [hbm4b:s4+s11], $0x80, s9, s11, $0xb8;
	[tilespmem:$0x1E800] =	vst v63  }
0x5e: {  	s9 =	sshll.u32 @!p2 s8, $0x8;
	s8 =	sadd.s32 @!p2 $0x1, s8;
	s10 =	simm.s32 @!p2 $0x0  }
0x5f: {  	[tilespmem:s9], [sflag:s8] =	stream.linear.gather @!p2 [hbm4b:s14+s10], $0x100, $0x38;
	[tilespmem:$0x1E800] =	vst v63  }
0x60: {  	_ =	swait.ge [sflag:s31], $0x2800  }
0x61: {  	[sflag:s31] =	ssyncset.done $0x0  }
0x62: {  	[sflag:s31] =	ssyncadd.s32 $0xFFFFD800  }
0x63: {  	_ =	swait.ge [sflag:s0], $0x2800  }
0x64: {  	[sflag:s0] =	ssyncset.done $0x0  }
0x65: {  	[sflag:s0] =	ssyncadd.s32 $0xFFFFD800  }
0x66: {  	_ =	swait.ge [sflag:s2], $0x2800  }
0x67: {  	[sflag:s2] =	ssyncset.done $0x0  }
0x68: {  	[sflag:s2] =	ssyncadd.s32 $0xFFFFD800  }
0x69: {  	_ =	swait.ge [sflag:s22], $0x2800  }
0x6a: {  	[sflag:s22] =	ssyncset.done $0x0  }
0x6b: {  	[sflag:s22] =	ssyncadd.s32 $0xFFFFD800  }
0x6c: {  	[bflag:$0x0] =	sbarrier.arrive $0xFFFF  }
0x6d: {  	s29 =	rddreg [dreg:$0x6]  }
0x6e: {  	[hbm:s29], [sflag:s6] =	dma.local [spmem:s15], $0x2800  }
0x6f: {  	_ =	swait.ge [sflag:s16], $0x2800  }
0x70: {  	s23 =	sadd.s32 $0x1, s23;
	s30 =	rddreg [dreg:$0x7]  }
0x71: {  	p0 =	sne.s32 s23, s30  }
.Ltmp1:
0x72: {  	_ = 	snop;
	(pc) =	sbr.rel @p0 .LBB2_1-.Ltmp1, $3  }
0x73: {  	_ =	sdelay $0x1  }
0x74: {  	[sflag:s16] =	ssyncset.done $0x0  }
0x75: {  	[sflag:s16] =	ssyncadd.s32 $0xFFFFD800  }
0x76: {  	_ =	sfence.sel $0x180000  }
0x77: {  	[bflag:$0x0] =	sbarrier.arrive $0xFFFF  }
0x78: {  	_ =	strace $0x9000004D  }
0x79: {  	s0 =	stileid.u32;
	[bflag:$0x2] =	sbarrier.arrive $0xFFFF  }
0x7a: {  	p0 =	sne.s32 s0, $0x0;
	s0 =	rddreg [dreg:$0x2]  }
0x7b: {  	s0 =	sadd.s32 @!p0 $0x100000, s0  }
0x7c: {  	[sflag:s0] =	ssyncadd.tile.s32 @!p0 $0x1;
	_ =	shalt  }
.Lfunc_end2:
_tile_overlayer_lowered:
.L_overlay_start_2:
0x7d: {  	(tag) =	ssettag $0x2  }
0x7e: {  	s0 =	rddreg [dreg:$0x0];
	s2 =	stileid.u32  }
0x7f: {  	s1 =	rddreg [dreg:$0x1];
	p0 =	sne.s32 s2, $0x0  }
0x80: {  	s3 =	rddreg [dreg:$0x2];
	[bflag:$0x3] =	sbarrier.arrive $0xFFFF;
	s2 =	simm.s32 @!p0 $0x1C11  }
0x81: {  	[timem:s3], [sflag:s2] =	dma.local @!p0 [hbm:s0], s1  }
0x82: {  	s0 =	simm.s32 @!p0 $0x11  }
0x83: {  	_ =	swait.ge @!p0 [sflag:s0], s1  }
0x84: {  	s1 =	ssub.s32 @!p0 $0x0, s1;
	[sflag:s0] =	ssyncset.done @!p0 $0x0  }
0x85: {  	[sflag:s0] =	ssyncadd.s32 @!p0 s1  }
0x86: {  	[bflag:$0x3] =	sbarrier.arrive $0xFFFF  }
0x87: {  	_ =	shalt  }

// kernel: kernel.19.cloned.1.call-start
scs
__scs_entry_jumppad:
0x0: {  	(pc) =	sbr.rel $0x88, $3  }
0x1: {  	(tag) =	ssettag $0x0;
	lr =	simm.s32 $0x1  }
0x2: {  	[smem:$0x3F8F] =	sst lr;
	_ =	strace $0xD0000000  }
0x3: {  	_ = 	snop  }
0x4: {  	_ = 	snop  }
0x5: {  	_ = 	snop  }
0x6: {  	_ = 	snop  }
0x7: {  	_ = 	snop  }
__scs_overlays_trampoline_lowered:
0x8: {  	[smem:$0x3F9E] =	sst s0  }
0x9: {  	[smem:$0x3F9F] =	sst s1  }
0xa: {  	[smem:$0x3FA0] =	sst s2  }
0xb: {  	[smem:$0x3FA1] =	sst s3  }
0xc: {  	[smem:$0x3FA2] =	sst s4  }
0xd: {  	[smem:$0x3FA3] =	sst s5  }
0xe: {  	[smem:$0x3FA4] =	sst s6  }
0xf: {  	[smem:$0x3FA5] =	sst s7  }
0x10: {  	[smem:$0x3FA6] =	sst s8  }
0x11: {  	[smem:$0x3FA7] =	sst s9;
	s0 =	simm.s32 @!p0 $0x0  }
0x12: {  	s1 =	sld [smem:$0x3F8D];
	s0 =	simm.s32 @p0 $0x1  }
0x13: {  	[smem:$0x3FA8] =	sst s0;
	s0 =	simm.s32 @!p1 $0x0  }
0x14: {  	s2 =	sld [smem:$0x3F8C];
	s0 =	simm.s32 @p1 $0x1  }
0x15: {  	[smem:$0x3FA9] =	sst s0;
	s0 =	simm.s32 @!p2 $0x0  }
0x16: {  	s3 =	sld [smem:$0x3FDB];
	s0 =	simm.s32 @p2 $0x1  }
0x17: {  	s4 =	simm.s32 $0x1BF5;
	[smem:$0x3FAB] =	sst s0  }
0x18: {  	s0 =	sld [smem:$0x3F8E];
	_ =	swait.ge [sflag:s4], $0x0  }
0x19: {  	s7 =	sld [smem:$0x3F8F]  }
0x1a: {  	s8 =	sadd.s32 $0xFFFFE003, lr  }
0x1b: {  	s9 =	sadd.s32 $0xFFFFFEF7, lr;
	s5 =	simm.s32 $0xFFFFFFFF;
	p2 =	slt.u32 s8, $0xFFFFF086  }
0x1c: {  	p1 =	slt.u32 s9, $0xF7A;
	s5 =	simm.s32 @!p2 $0x0  }
0x1d: {  	s5 =	simm.s32 @p1 $0x1;
	p0 =	seq.s32 s7, s2  }
0x1e: {  	s7 =	smul.u32 @!p0 $0xF7A, s2;
	p2 =	seq.s32 @!p0 s5, $0x0  }
0x1f: {  	s9 =	smul.u32 $0xF7A, s1;
	s8 =	simm.s32 @!p0 $0x1BF5;
	p2 =	por !p2, p0  }
0x20: {  	[sflag:s8] =	ssyncset.s32 @!p0 $0xFFFFF086;
	s6 =	sadd.s32 @!p0 s3, s7;
	s7 =	simm.s32 @!p0 $0x108  }
0x21: {  	s3 =	sadd.s32 s3, s9;
	s6 =	sadd.s32 @!p0 $0x88, s6;
	s7 =	simm.s32 @p2 $0x1082  }
0x22: {  	[simem:s7], [sflag:s8] =	dma.local @!p0 [hbm:s6], $0xF7A  }
0x23: {  	s9 =	sor.u32 $0xD0000000, s2;
	s6 =	simm.s32 $0x108;
	_ =	swait.ge @!p0 [sflag:s8], $0x0  }
0x24: {  	s3 =	sadd.s32 $0x88, s3;
	s6 =	simm.s32 @!p1 $0x1082;
	[sflag:s4] =	ssyncset.s32 $0xFFFFF086  }
0x25: {  	[simem:s6], [sflag:s4] =	dma.local [hbm:s3], $0xF7A  }
0x26: {  	[smem:$0x3F8F] =	sst s1;
	(tag) =	ssettag s2;
	_ =	strace s9  }
0x27: {  	s1 =	sld [smem:$0x3F9F]  }
0x28: {  	s2 =	sld [smem:$0x3FA0]  }
0x29: {  	s4 =	sld [smem:$0x3FA2]  }
0x2a: {  	p0 =	seq.s32 s5, $0x0;
	s5 =	sld [smem:$0x3FA3]  }
0x2b: {  	s6 =	sld [smem:$0x3FA4]  }
0x2c: {  	s7 =	sld [smem:$0x3FA5]  }
0x2d: {  	s3 =	simm.s32 $0x108;
	s8 =	sld [smem:$0x3FA6]  }
0x2e: {  	s3 =	simm.s32 @!p0 $0x1082;
	s9 =	sld [smem:$0x3FA7]  }
0x2f: {  	lr =	sadd.s32 s0, s3;
	s0 =	sld [smem:$0x3F9E]  }
0x30: {  	s3 =	sld [smem:$0x3FA1]  }
0x31: {  	[smem:$0x3FAA] =	sst s10  }
0x32: {  	s10 =	sld [smem:$0x3FA8];
	_ =	sdelay $0x3  }
0x33: {  	p0 =	seq.s32 s10, $0x1;
	s10 =	sld [smem:$0x3FAA];
	_ =	sdelay $0x3  }
0x34: {  	[smem:$0x3FAA] =	sst s10  }
0x35: {  	s10 =	sld [smem:$0x3FA9];
	_ =	sdelay $0x3  }
0x36: {  	p1 =	seq.s32 s10, $0x1;
	s10 =	sld [smem:$0x3FAA];
	_ =	sdelay $0x3  }
0x37: {  	[smem:$0x3FAA] =	sst s10  }
0x38: {  	s10 =	sld [smem:$0x3FAB]  }
0x39: {  	_ = 	snop;
	(pc) =	sbr.ind lr, $3  }
0x3a: {  	_ = 	snop  }
0x3b: {  	_ = 	snop  }
0x3c: {  	p2 =	seq.s32 s10, $0x1;
	s10 =	sld [smem:$0x3FAA]  }
0x3d: {  	_ =	shalt  }
0x3e: {  	_ =	shalt  }
0x3f: {  	_ =	shalt  }
0x40: {  	_ =	shalt  }
0x41: {  	_ =	shalt  }
0x42: {  	_ =	shalt  }
0x43: {  	_ =	shalt  }
0x44: {  	_ =	shalt  }
0x45: {  	_ =	shalt  }
0x46: {  	_ =	shalt  }
0x47: {  	_ =	shalt  }
0x48: {  	_ =	shalt  }
0x49: {  	_ =	shalt  }
0x4a: {  	_ =	shalt  }
0x4b: {  	_ =	shalt  }
0x4c: {  	_ =	shalt  }
0x4d: {  	_ =	shalt  }
0x4e: {  	_ =	shalt  }
0x4f: {  	_ =	shalt  }
0x50: {  	_ =	shalt  }
0x51: {  	_ =	shalt  }
0x52: {  	_ =	shalt  }
0x53: {  	_ =	shalt  }
0x54: {  	_ =	shalt  }
0x55: {  	_ =	shalt  }
0x56: {  	_ =	shalt  }
0x57: {  	_ =	shalt  }
0x58: {  	_ =	shalt  }
0x59: {  	_ =	shalt  }
0x5a: {  	_ =	shalt  }
0x5b: {  	_ =	shalt  }
0x5c: {  	_ =	shalt  }
0x5d: {  	_ =	shalt  }
0x5e: {  	_ =	shalt  }
0x5f: {  	_ =	shalt  }
0x60: {  	_ =	shalt  }
0x61: {  	_ =	shalt  }
0x62: {  	_ =	shalt  }
0x63: {  	_ =	shalt  }
0x64: {  	_ =	shalt  }
0x65: {  	_ =	shalt  }
0x66: {  	_ =	shalt  }
0x67: {  	_ =	shalt  }
0x68: {  	_ =	shalt  }
0x69: {  	_ =	shalt  }
0x6a: {  	_ =	shalt  }
0x6b: {  	_ =	shalt  }
0x6c: {  	_ =	shalt  }
0x6d: {  	_ =	shalt  }
0x6e: {  	_ =	shalt  }
0x6f: {  	_ =	shalt  }
0x70: {  	_ =	shalt  }
0x71: {  	_ =	shalt  }
0x72: {  	_ =	shalt  }
0x73: {  	_ =	shalt  }
0x74: {  	_ =	shalt  }
0x75: {  	_ =	shalt  }
0x76: {  	_ =	shalt  }
0x77: {  	_ =	shalt  }
0x78: {  	_ =	shalt  }
0x79: {  	_ =	shalt  }
0x7a: {  	_ =	shalt  }
0x7b: {  	_ =	shalt  }
0x7c: {  	_ =	shalt  }
0x7d: {  	_ =	shalt  }
0x7e: {  	_ =	shalt  }
0x7f: {  	_ =	shalt  }
0x80: {  	_ =	shalt  }
0x81: {  	_ =	shalt  }
0x82: {  	_ =	shalt  }
0x83: {  	_ =	shalt  }
0x84: {  	_ =	shalt  }
0x85: {  	_ =	shalt  }
0x86: {  	_ =	shalt  }
0x87: {  	_ =	shalt  }
.Lfunc_end0:
.L_simem_size_0:
called_computation.3_lowered:
.L_overlay_start_0:
0x88: {  	s2 =	sld [smem:$0x3FD9]  }
0x89: {  	s3 =	sld [smem:$0x3FFE];
	_ =	sdelay $0x1  }
0x8a: {  	s1 =	srdreg.scid  }
0x8b: {  	s0 =	sand.u32 $0x1, s1  }
0x8c: {  	s16 =	sshll.u32 s0, $0xA;
	s2 =	sadd.s32 s3, s2  }
0x8d: {  	s2 =	sadd.s32 s2, s16  }
0x8e: {  	[smem:$0x3FB6] =	sst s2  }
0x8f: {  	_ = 	snop  }
0x90: {  	(tm) =	ssettm $0x1  }
0x91: {  	s17 =	sld [smem:$0x3FFB];
	_ =	sdelay $0x3  }
0x92: {  	_ =	strace s17  }
0x93: {  	s2 =	sld [smem:$0x3FFC];
	_ =	sdelay $0x3  }
0x94: {  	_ =	strace s2  }
0x95: {  	s2 =	sld [smem:$0x3FFD];
	_ =	sdelay $0x3  }
0x96: {  	_ =	strace s2  }
0x97: {  	_ =	strace $0x8FFFFFFF  }
0x98: {  	s18 =	sld [smem:$0x3FDB];
	_ =	sdelay $0x1  }
0x99: {  	s19 =	simm.s32 $_scs_section_size  }
0x9a: {  	s4 =	simm.s32 $_size__tile_overlayer_lowered;
	s5 =	simm.s32 $_tile_overlayer_lowered  }
0x9b: {  	s22 =	simm.s32 $0x1BFF;
	s21 =	sshll.u32 s5, $0x1;
	s2 =	sadd.s32 s19, s18  }
0x9c: {  	s6 =	simm.s32 $0x0;
	s20 =	sshll.u32 s4, $0x1;
	s4 =	sadd.s32 s21, s2  }
0x9d: {  	[timem:s6], [sflag:s22] =	dma.local [hbm:s4], s20  }
0x9e: {  	_ =	swait.ge [sflag:s22], s20  }
0x9f: {  	s3 =	ssub.s32 $0x0, s20;
	[sflag:s22] =	ssyncset.done $0x0  }
0xa0: {  	[sflag:s22] =	ssyncadd.s32 s3;
	_ =	sdelay $0x1  }
0xa1: {  	s23 =	simm.s32 $0x1B8B  }
0xa2: {  	_ =	swait.ge [sflag:s23], $0x1  }
0xa3: {  	[sflag:s23] =	ssyncset.done $0x0  }
0xa4: {  	s25 =	simm.s32 $0x1B8E;
	s24 =	sld [smem:$0x3FFE];
	[sflag:s23] =	ssyncadd.s32 $0xFFFFFFFF  }
0xa5: {  	s26 =	simm.s32 $execute0_lowered;
	[smem:$0x3FD2] =	sst s25  }
0xa6: {  	s4 =	sshll.u32 s26, $0x1;
	_ =	strace $0x8000004F;
	[dreg:$0x1] =	wrdreg $0xFFFFFFFF  }
0xa7: {  	s28 =	simm.s32 $_size_execute0_lowered;
	s2 =	sadd.s32 s2, s4;
	[dreg:$0x0] =	wrdreg $0x0  }
0xa8: {  	s4 =	sshll.u32 s28, $0x1;
	[dreg:$0x2] =	wrdreg s2  }
0xa9: {  	[dreg:$0x3] =	wrdreg s4  }
0xaa: {  	[dreg:$0x4] =	wrdreg $0xC0  }
0xab: {  	_ =	task [dreg:s6], $0x5FFFF  }
0xac: {  	[dreg:$0x1] =	wrdreg $0xFFFFFFFF  }
0xad: {  	[dreg:$0x0] =	wrdreg $0x60  }
0xae: {  	[dreg:$0x2] =	wrdreg s24  }
0xaf: {  	[dreg:$0x3] =	wrdreg $0xA8000  }
0xb0: {  	[dreg:$0x4] =	wrdreg $0x9  }
0xb1: {  	_ =	task.clear_ibuf [dreg:s6], $0x5FFFF;
	_ =	strace $0x9000004F  }
0xb2: {  	s29 =	simm.s32 $0x9;
	_ =	strace $0x80000051  }
0xb3: {  	_ =	swait.ge [sflag:s29], $0x1  }
0xb4: {  	[sflag:s29] =	ssyncadd.s32 $0xFFFFFFFF  }
0xb5: {  	_ =	strace $0x90000051  }
0xb6: {  	_ =	sfence  }
0xb7: {  	s30 =	sld [smem:$0x0];
	_ =	sdelay $0x2  }
0xb8: {  	s31 =	sshll.u32 s1, $0xD;
	s1 =	sshrl.u32 s1, $0x2  }
0xb9: {  	s3 =	sand.u32 $0x4000, s31;
	s1 =	sadd.s32 s1, s30  }
0xba: {  	s0 =	sor.u32 s3, s0;
	s1 =	sshll.u32 s1, $0x11  }
0xbb: {  	s0 =	sor.u32 s1, s0  }
0xbc: {  	s0 =	sadd.s32 $0x8F2B, s0  }
0xbd: {  	[sflag:s0] =	ssyncadd.remote.s32 $0x1  }
0xbe: {  	_ =	sfence.sel $0xFFFF  }
0xbf: {  	[dreg:$0x0] =	wrdreg $0xFFFFFFFF;
	(pc) =	sbr.abs _section_cstart, $3  }
0xc0: {  	[dreg:$0x1] =	wrdreg $0xFFFFFFFF  }
0xc1: {  	_ =	task.clear_ibuf [dreg:s6], $0x2FFFF;
	_ =	strace $0x9FFFFFFF  }
0xc2: {  	(tm) =	ssettm $0x7FFFFFFF  }
0xc3: {  	_ =	shalt  }
tec
execute0_lowered:
.L_overlay_start_1:
0x0: {  	(tag) =	ssettag $0x1  }
0x1: {  	s0 =	rddreg [dreg:$0x0]  }
0x2: {  	s1 =	rddreg [dreg:$0x1];
	s2 =	srdreg.scid;
	s3 =	simm.s32 $0x0  }
0x3: {  	s11 =	stileid.u32;
	s16 =	simm.s32 $0x11;
	s28 =	simm.s32 $0x4  }
0x4: {  	s31 =	simm.s32 $0xE;
	s2 =	sand.u32 $0x1, s2;
	[smem:$0x7FF] =	sst s3  }
0x5: {  	s6 =	smul.u32 $0x14000, s11;
	s4 =	sadd.s32 $0x34600, s0;
	s8 =	sadd.s32 $0x15200, s0  }
0x6: {  	s18 =	sadd.s32 $0x4800, s0;
	s9 =	smul.u32 $0x50000, s11;
	s22 =	sshll.u32 s11, $0x6  }
0x7: {  	s5 =	smul.u32 $0x140000, s2;
	_ =	strace $0x80000050;
	[dreg:$0x3] =	wrdreg s18  }
0x8: {  	s19 =	sshll.u32 s2, $0x4;
	s7 =	ssub.s32 $0x2, s2;
	s2 =	smul.u32 $0x7D000, s2  }
0x9: {  	s20 =	sshrl.u32 s7, $0x1;
	s21 =	sshrl.u32 s9, $0x2;
	s5 =	sadd.s32 s6, s5  }
0xa: {  	s6 =	sor.u32 s11, s19;
	s11 =	smul.u32 $0x7D00, s11;
	s14 =	sadd.s32 s21, s1  }
0xb: {  	s19 =	simm.s32 $0x50;
	s21 =	simm.s32 $0x9;
	s5 =	sshrl.u32 s5, $0x3  }
0xc: {  	s6 =	smul.u32 $0x7D00, s6;
	s15 =	sshrl.u32 s14, $0x3;
	s0 =	sadd.s32 s5, s0  }
0xd: {  	s5 =	ssub.s32 s7, s20;
	s2 =	sadd.s32 s11, s2;
	s20 =	simm.s32 $0x3000  }
0xe: {  	s10 =	sshrl.u32 s6, $0x3;
	s6 =	sor.u32 $0x1C11, s22;
	s0 =	sadd.s32 $0x5B800, s0  }
0xf: {  	s25 =	smax.u32 s5, $0x1;
	s26 =	sadd.s32 $0x500, s2;
	s2 =	simm.s32 $0x10  }
0x10: {  	s22 =	simm.s32 $0xD;
	s7 =	sadd.s32 s8, s10;
	[dreg:$0x6] =	wrdreg s0  }
0x11: {  	[dreg:$0x7] =	wrdreg s25;
	s0 =	sshrl.u32 s26, $0x3;
	s23 =	sadd.s32 $0x20, s7  }
0x12: {  	s25 =	simm.s32 $0xA;
	s24 =	sadd.s32 $0x40, s7;
	[dreg:$0x4] =	wrdreg s23  }
0x13: {  	s29 =	sadd.s32 $0x60, s7;
	s30 =	sadd.s32 $0x80, s7;
	[dreg:$0x5] =	wrdreg s24  }
0x14: {  	s5 =	sadd.s32 s0, s8;
	s0 =	simm.s32 $0xF;
	[dreg:$0x8] =	wrdreg s29  }
0x15: {  	[dreg:$0x9] =	wrdreg s30;
	s24 =	simm.s32 $0x300;
	s23 =	simm.s32 $0x0  }
.LBB2_1:
0x16: {  	s8 =	rddreg [dreg:$0x3]  }
0x17: {  	[spmem:s15], [sflag:s6] =	dma.local [hbm:s8], $0x2800  }
0x18: {  	_ =	swait.ge [sflag:s16], $0x2800  }
0x19: {  	[sflag:s16] =	ssyncset.done $0x0  }
0x1a: {  	[sflag:s16] =	ssyncadd.s32 $0xFFFFD800  }
0x1b: {  	[tilespmem:s3], [sflag:$0x11] =	stream.linear.gather [hbm4b:s7+s3], $0x100, $0x38;
	[tilespmem:$0x1E800] =	vst v63  }
0x1c: {  	_ =	swait.ge [sflag:s16], $0x100  }
0x1d: {  	[sflag:s16] =	ssyncset.done $0x0  }
0x1e: {  	s9 =	simm.s32 $0x100;
	s18 =	rddreg [dreg:$0x4];
	[sflag:s16] =	ssyncadd.s32 $0xFFFFFF00  }
0x1f: {  	[tilespmem:s9], [sflag:$0x11] =	stream.linear.gather [hbm4b:s18+s3], $0x100, $0x38;
	[tilespmem:$0x1E800] =	vst v63  }
0x20: {  	_ =	swait.ge [sflag:s16], $0x100  }
0x21: {  	[sflag:s16] =	ssyncset.done $0x0  }
0x22: {  	s10 =	simm.s32 $0x200;
	s26 =	rddreg [dreg:$0x5];
	[sflag:s16] =	ssyncadd.s32 $0xFFFFFF00  }
0x23: {  	[tilespmem:s10], [sflag:$0x11] =	stream.linear.gather [hbm4b:s26+s3], $0x100, $0x38;
	[tilespmem:$0x1E800] =	vst v63  }
0x24: {  	_ =	swait.ge [sflag:s16], $0x100  }
0x25: {  	[sflag:s16] =	ssyncset.done $0x0  }
0x26: {  	s8 =	simm.s32 $0x800;
	[sflag:s16] =	ssyncadd.s32 $0xFFFFFF00  }
0x27: {  	[tilespmem:s8], [sflag:$0x9] =	stream.indirect.gather [hbm4b:s4+s19], $0x80, s3, s19, $0xb8;
	[tilespmem:$0x1E800] =	vst v63  }
0x28: {  	_ = 	snop  }
0x29: {  	[tilespmem:s20], [sflag:$0xA] =	stream.indirect.gather [hbm4b:s4+s19], $0x80, s9, s19, $0xb8;
	[tilespmem:$0x1E800] =	vst v63  }
0x2a: {  	[bflag:$0x0] =	sbarrier.arrive $0xFFFF  }
0x2b: {  	_ =	swait.ge [sflag:s21], $0x2800  }
0x2c: {  	[sflag:s21] =	ssyncset.done $0x0  }
0x2d: {  	s11 =	simm.s32 $0x80;
	[sflag:s21] =	ssyncadd.s32 $0xFFFFD800  }
0x2e: {  	[spmem:s1] =	stream.indirect.scatter.add.f32 [tilespmem:s8], [sflag:$0xD], $0x80, s11, s19, $0xb8;
	[tilespmem:$0x1E800] =	vst v63  }
0x2f: {  	s12 =	simm.s32 $0x5800  }
0x30: {  	[tilespmem:s12], [sflag:$0xB] =	stream.indirect.gather [hbm4b:s4+s19], $0x80, s10, s19, $0xb8;
	[tilespmem:$0x1E800] =	vst v63  }
0x31: {  	s13 =	rddreg [dreg:$0x8]  }
0x32: {  	[tilespmem:s24], [sflag:$0x4] =	stream.linear.gather [hbm4b:s13+s3], $0x100, $0x38;
	[tilespmem:$0x1E800] =	vst v63  }
0x33: {  	_ =	swait.ge [sflag:s25], $0x2800  }
0x34: {  	[sflag:s25] =	ssyncset.done $0x0  }
0x35: {  	s14 =	simm.s32 $0x180;
	[sflag:s25] =	ssyncadd.s32 $0xFFFFD800  }
0x36: {  	[spmem:s1] =	stream.indirect.scatter.add.f32 [tilespmem:s20], [sflag:$0xE], $0x80, s14, s19, $0xb8;
	[tilespmem:$0x1E800] =	vst v63  }
0x37: {  	_ =	swait.ge [sflag:s28], $0x100  }
0x38: {  	s17 =	simm.s32 $0x8000;
	p0 =	por $0x0, $0x0;
	[sflag:s28] =	ssyncset.done $0x0  }
0x39: {  	s26 =	simm.s32 $0x400;
	s14 =	simm.s32 $0x2;
	[sflag:s28] =	ssyncadd.s32 $0xFFFFFF00  }
0x3a: {  	[tilespmem:s17], [sflag:$0xC] =	stream.indirect.gather [hbm4b:s4+s19], $0x80, s24, s19, $0xb8;
	[tilespmem:$0x1E800] =	vst v63  }
0x3b: {  	s8 =	sand.u32 $0x1C00, s8;
	s14 =	sand.u32 $0x3, s14;
	s18 =	rddreg [dreg:$0x9]  }
0x3c: {  	[tilespmem:s26], [sflag:$0x5] =	stream.linear.gather [hbm4b:s18+s3], $0x100, $0x38;
	[tilespmem:$0x1E800] =	vst v63  }
0x3d: {  	s8 =	sshrl.u32 s8, $0x2;
	s29 =	sadd.s32 $0x9, s14;
	s26 =	smul.u32 $0xA000, s14  }
0x3e: {  	s30 =	simm.s32 @!p0 $0x4;
	s8 =	sor.u32 $0x80, s8;
	_ =	swait.ge [sflag:s29], $0x2800  }
0x3f: {  	s14 =	sadd.s32 $0xD, s14;
	s26 =	sshrl.u32 s26, $0x2;
	[sflag:s29] =	ssyncset.done $0x0  }
0x40: {  	s26 =	sadd.s32 $0x800, s26;
	[sflag:s29] =	ssyncadd.s32 $0xFFFFD800;
	s29 =	sand.u32 @!p0 $0x3, s30  }
0x41: {  	[spmem:s1] =	stream.indirect.scatter.add.f32 [tilespmem:s26], [sflag:s14], $0x80, s8, s19, $0xb8;
	[tilespmem:$0x1E800] =	vst v63  }
0x42: {  	s8 =	sadd.s32 @!p0 $0xD, s29  }
0x43: {  	_ =	swait.ge @!p0 [sflag:s8], $0x2800  }
0x44: {  	p1 =	por @!p0 $0x0, $0x0;
	s26 =	sand.u32 @!p0 $0x7, s30;
	[sflag:s8] =	ssyncset.done @!p0 $0x0  }
0x45: {  	s14 =	smul.u32 @!p0 $0xA000, s29;
	s30 =	sadd.s32 @!p0 $0x1, s26;
	[sflag:s8] =	ssyncadd.s32 @!p0 $0xFFFFD800  }
0x46: {  	p2 =	por p1, p0;
	s26 =	sshll.u32 @!p0 s26, $0x8;
	_ =	swait.ge @!p0 [sflag:s30], $0x100  }
0x47: {  	s14 =	sshrl.u32 @!p0 s14, $0x2;
	s8 =	sadd.s32 @!p0 $0x9, s29;
	[sflag:s30] =	ssyncset.done @!p0 $0x0  }
0x48: {  	s14 =	sadd.s32 @!p0 $0x800, s14;
	s29 =	simm.s32 @!p0 $0x50;
	[sflag:s30] =	ssyncadd.s32 @!p0 $0xFFFFFF00  }
0x49: {  	[tilespmem:s14], [sflag:s8] =	stream.indirect.gather @!p0 [hbm4b:s4+s29], $0x80, s26, s29, $0xb8;
	[tilespmem:$0x1E800] =	vst v63  }
0x4a: {  	s30 =	sadd.s32 $0x20, s5;
	s8 =	simm.s32 $0x5;
	s26 =	simm.s32 $0x6  }
0x4b: {  	s29 =	simm.s32 $0xC00;
	s14 =	smov.u32 s5;
	s8 =	sand.u32 @!p2 $0x7, s8  }
.LBB2_2:
0x4c: {  	s9 =	sshll.u32 @!p2 s8, $0x8;
	s8 =	sadd.s32 @!p2 $0x1, s8;
	s10 =	simm.s32 @!p2 $0x0  }
0x4d: {  	[tilespmem:s9], [sflag:s8] =	stream.linear.gather @!p2 [hbm4b:s14+s10], $0x100, $0x38;
	[tilespmem:$0x1E800] =	vst v63  }
0x4e: {  	s8 =	smov.u32 s26;
	s26 =	sadd.s32 $0x1, s26;
	s14 =	smov.u32 s30  }
0x4f: {  	s9 =	sadd.s32 $0xFFFFFFFD, s8;
	p0 =	sne.s32 s26, $0x80  }
0x50: {  	s11 =	sand.u32 $0x1C00, s29;
	s29 =	sadd.s32 $0x400, s29;
	s10 =	sand.u32 $0x3, s9  }
0x51: {  	s12 =	smul.u32 $0xA000, s10;
	s13 =	sadd.s32 $0x9, s10;
	s10 =	sadd.s32 $0xD, s10  }
0x52: {  	s11 =	sshrl.u32 s11, $0x2;
	p1 =	sgt.u32 s9, $0x7A;
	_ =	swait.ge [sflag:s13], $0x2800  }
0x53: {  	s9 =	sshrl.u32 s12, $0x2;
	s12 =	sadd.s32 @!p1 $0xFFFFFFFF, s8;
	[sflag:s13] =	ssyncset.done $0x0  }
0x54: {  	s9 =	sadd.s32 $0x800, s9;
	[sflag:s13] =	ssyncadd.s32 $0xFFFFD800;
	s13 =	sand.u32 @!p1 $0x3, s12  }
0x55: {  	s11 =	sor.u32 $0x80, s11;
	s17 =	sadd.s32 @!p1 $0xD, s13;
	s18 =	smul.u32 @!p1 $0xA000, s13  }
0x56: {  	[spmem:s1] =	stream.indirect.scatter.add.f32 [tilespmem:s9], [sflag:s10], $0x80, s11, s19, $0xb8;
	[tilespmem:$0x1E800] =	vst v63  }
0x57: {  	s9 =	sand.u32 @!p1 $0x7, s12;
	s10 =	sadd.s32 @!p1 $0x9, s13;
	_ =	swait.ge @!p1 [sflag:s17], $0x2800  }
0x58: {  	s11 =	sadd.s32 @!p1 $0x1, s9;
	s12 =	sshrl.u32 @!p1 s18, $0x2;
	[sflag:s17] =	ssyncset.done @!p1 $0x0  }
.Ltmp0:
0x59: {  	s12 =	sadd.s32 @!p1 $0x800, s12;
	[sflag:s17] =	ssyncadd.s32 @!p1 $0xFFFFD800;
	(pc) =	sbr.rel @p0 .LBB2_2-.Ltmp0, $4  }
0x5a: {  	p2 =	seq.s32 @!p1 s8, $0x7D;
	s9 =	sshll.u32 @!p1 s9, $0x8;
	_ =	swait.ge @!p1 [sflag:s11], $0x100  }
0x5b: {  	s30 =	sadd.s32 $0x20, s30;
	p2 =	por p2, p1;
	[sflag:s11] =	ssyncset.done @!p1 $0x0  }
0x5c: {  	s8 =	sand.u32 @!p2 $0x7, s8;
	[sflag:s11] =	ssyncadd.s32 @!p1 $0xFFFFFF00;
	s11 =	simm.s32 @!p1 $0x50  }
0x5d: {  	[tilespmem:s12], [sflag:s10] =	stream.indirect.gather @!p1 [hbm4b:s4+s11], $0x80, s9, s11, $0xb8;
	[tilespmem:$0x1E800] =	vst v63  }
0x5e: {  	s9 =	sshll.u32 @!p2 s8, $0x8;
	s8 =	sadd.s32 @!p2 $0x1, s8;
	s10 =	simm.s32 @!p2 $0x0  }
0x5f: {  	[tilespmem:s9], [sflag:s8] =	stream.linear.gather @!p2 [hbm4b:s14+s10], $0x100, $0x38;
	[tilespmem:$0x1E800] =	vst v63  }
0x60: {  	_ =	swait.ge [sflag:s31], $0x2800  }
0x61: {  	[sflag:s31] =	ssyncset.done $0x0  }
0x62: {  	[sflag:s31] =	ssyncadd.s32 $0xFFFFD800  }
0x63: {  	_ =	swait.ge [sflag:s0], $0x2800  }
0x64: {  	[sflag:s0] =	ssyncset.done $0x0  }
0x65: {  	[sflag:s0] =	ssyncadd.s32 $0xFFFFD800  }
0x66: {  	_ =	swait.ge [sflag:s2], $0x2800  }
0x67: {  	[sflag:s2] =	ssyncset.done $0x0  }
0x68: {  	[sflag:s2] =	ssyncadd.s32 $0xFFFFD800  }
0x69: {  	_ =	swait.ge [sflag:s22], $0x2800  }
0x6a: {  	[sflag:s22] =	ssyncset.done $0x0  }
0x6b: {  	[sflag:s22] =	ssyncadd.s32 $0xFFFFD800  }
0x6c: {  	[bflag:$0x0] =	sbarrier.arrive $0xFFFF  }
0x6d: {  	s29 =	rddreg [dreg:$0x6]  }
0x6e: {  	[hbm:s29], [sflag:s6] =	dma.local [spmem:s15], $0x2800  }
0x6f: {  	_ =	swait.ge [sflag:s16], $0x2800  }
0x70: {  	s23 =	sadd.s32 $0x1, s23;
	s30 =	rddreg [dreg:$0x7]  }
0x71: {  	p0 =	sne.s32 s23, s30  }
.Ltmp1:
0x72: {  	_ = 	snop;
	(pc) =	sbr.rel @p0 .LBB2_1-.Ltmp1, $3  }
0x73: {  	_ =	sdelay $0x1  }
0x74: {  	[sflag:s16] =	ssyncset.done $0x0  }
0x75: {  	[sflag:s16] =	ssyncadd.s32 $0xFFFFD800  }
0x76: {  	_ =	sfence.sel $0x180000  }
0x77: {  	[bflag:$0x0] =	sbarrier.arrive $0xFFFF  }
0x78: {  	_ =	strace $0x90000050  }
0x79: {  	s0 =	stileid.u32;
	[bflag:$0x2] =	sbarrier.arrive $0xFFFF  }
0x7a: {  	p0 =	sne.s32 s0, $0x0;
	s0 =	rddreg [dreg:$0x2]  }
0x7b: {  	s0 =	sadd.s32 @!p0 $0x100000, s0  }
0x7c: {  	[sflag:s0] =	ssyncadd.tile.s32 @!p0 $0x1;
	_ =	shalt  }
.Lfunc_end2:
_tile_overlayer_lowered:
.L_overlay_start_2:
0x7d: {  	(tag) =	ssettag $0x2  }
0x7e: {  	s0 =	rddreg [dreg:$0x0];
	s2 =	stileid.u32  }
0x7f: {  	s1 =	rddreg [dreg:$0x1];
	p0 =	sne.s32 s2, $0x0  }
0x80: {  	s3 =	rddreg [dreg:$0x2];
	[bflag:$0x3] =	sbarrier.arrive $0xFFFF;
	s2 =	simm.s32 @!p0 $0x1C11  }
0x81: {  	[timem:s3], [sflag:s2] =	dma.local @!p0 [hbm:s0], s1  }
0x82: {  	s0 =	simm.s32 @!p0 $0x11  }
0x83: {  	_ =	swait.ge @!p0 [sflag:s0], s1  }
0x84: {  	s1 =	ssub.s32 @!p0 $0x0, s1;
	[sflag:s0] =	ssyncset.done @!p0 $0x0  }
0x85: {  	[sflag:s0] =	ssyncadd.s32 @!p0 s1  }
0x86: {  	[bflag:$0x3] =	sbarrier.arrive $0xFFFF  }
0x87: {  	_ =	shalt  }

</sc_bundles>
